<compile_context>
chip_gen: v7x
topology: tpu7x:2x2x1
jax: 0.10.2.dev20260603
libtpu: 0.0.44.dev20260713+nightly
codegen_flags: <defaults>
</compile_context>

<pallas_src>
import functools

import jax
import jax.numpy as jnp
from jax import lax
from jax.experimental import pallas as pl
from jax.experimental.pallas import tpu as pltpu
from jax.experimental.pallas import tpu_sc as plsc

N = 10000
E = 320000
D = 128
P = 3
DE = 16
NUM_MASKED = 5000
NW = 32
EPW = E // NW
EPT = E // 16
CHUNK = 80
GROUPS = CHUNK // 16
MPAD = 5120
MGW = MPAD // NW
NSPL = N // 2
NPAD = NSPL + 8

BN = 2000
BE = 512

_f32 = jnp.float32
_i32 = jnp.int32


def _consts():
    perm = jax.random.permutation(jax.random.key(42), N)
    mask_idx = perm[:NUM_MASKED].astype(_i32)
    vis_idx = perm[NUM_MASKED:]
    visf = jnp.zeros((N, 1), _f32).at[vis_idx, 0].set(1.0)
    pos_m = jax.random.normal(jax.random.key(7), (NUM_MASKED, P), _f32)
    pmf = jnp.zeros((N, P), _f32).at[mask_idx].set(pos_m)
    mask_pad = jnp.concatenate(
        [mask_idx, jnp.zeros((MPAD - NUM_MASKED,), _i32)])
    return mask_idx, visf, pmf, mask_pad


def _tables_body(x_ref, Wsd_ref, bmsg_ref, tS_ref, tD_ref):
    xb = x_ref[...]
    tS_ref[...] = jnp.dot(xb, Wsd_ref[0],
                          preferred_element_type=_f32) + bmsg_ref[...]
    tD_ref[...] = jnp.dot(xb, Wsd_ref[1], preferred_element_type=_f32)


def _tables_call(xn, Wsd, bmsg):
    return pl.pallas_call(
        _tables_body,
        grid=(N // BN,),
        in_specs=[
            pl.BlockSpec((BN, D), lambda i: (i, 0)),
            pl.BlockSpec((2, D, D), lambda i: (0, 0, 0)),
            pl.BlockSpec((1, D), lambda i: (0, 0)),
        ],
        out_specs=[
            pl.BlockSpec((BN, D), lambda i: (i, 0)),
            pl.BlockSpec((BN, D), lambda i: (i, 0)),
        ],
        out_shape=[
            jax.ShapeDtypeStruct((N, D), _f32),
            jax.ShapeDtypeStruct((N, D), _f32),
        ],
    )(xn, Wsd, bmsg)


_MESH = plsc.VectorSubcoreMesh(core_axis_name="c", subcore_axis_name="s")
_SC_PARAMS = pltpu.CompilerParams(needs_layout_passes=False)


@functools.partial(
    pl.kernel,
    out_type=(jax.ShapeDtypeStruct((E, D), _f32),
              jax.ShapeDtypeStruct((E, D), _f32),
              jax.ShapeDtypeStruct((E,), _f32),
              jax.ShapeDtypeStruct((E,), _f32),
              jax.ShapeDtypeStruct((E,), _f32),
              jax.ShapeDtypeStruct((E,), _f32),
              jax.ShapeDtypeStruct((E,), _f32)),
    mesh=_MESH,
    compiler_params=_SC_PARAMS,
    scratch_types=[
        pltpu.VMEM((4 * N,), _f32),
        pltpu.VMEM((CHUNK,), _i32),
        pltpu.VMEM((CHUNK,), _i32),
        pltpu.VMEM((CHUNK, D), _f32),
        pltpu.VMEM((CHUNK,), _f32),
        pltpu.VMEM((CHUNK,), _f32),
        pltpu.VMEM((CHUNK,), _f32),
        pltpu.VMEM((CHUNK,), _f32),
        pltpu.VMEM((CHUNK,), _f32),
        pltpu.SemaphoreType.DMA,
    ],
)
def _sc_gather(tS, tD, posvis, src, dst, gS, gD, d2o, keepo, rxo, ryo, rzo,
               pv, idx_s, idx_d, rows, d2b, kb, rxb, ryb, rzb, sem):
    wid = lax.axis_index("s") * 2 + lax.axis_index("c")
    base0 = wid * EPW
    pltpu.sync_copy(posvis, pv)

    def step(i, _):
        base = base0 + i * CHUNK
        pltpu.sync_copy(src.at[pl.ds(base, CHUNK)], idx_s)
        pltpu.sync_copy(dst.at[pl.ds(base, CHUNK)], idx_d)
        cp = pltpu.async_copy(tS.at[idx_s], rows, sem)

        def group(g, _):
            sl = pl.ds(g * 16, 16)
            s16 = idx_s[sl]
            d16 = idx_d[sl]
            rx = plsc.load_gather(pv, [s16]) - plsc.load_gather(pv, [d16])
            ry = (plsc.load_gather(pv, [s16 + N])
                  - plsc.load_gather(pv, [d16 + N]))
            rz = (plsc.load_gather(pv, [s16 + 2 * N])
                  - plsc.load_gather(pv, [d16 + 2 * N]))
            kv = (plsc.load_gather(pv, [s16 + 3 * N])
                  * plsc.load_gather(pv, [d16 + 3 * N]))
            d2b[sl] = rx * rx + ry * ry + rz * rz
            kb[sl] = kv
            rxb[sl] = rx
            ryb[sl] = ry
            rzb[sl] = rz
            return 0

        lax.fori_loop(0, GROUPS, group, 0)
        pltpu.sync_copy(d2b, d2o.at[pl.ds(base, CHUNK)])
        pltpu.sync_copy(kb, keepo.at[pl.ds(base, CHUNK)])
        pltpu.sync_copy(rxb, rxo.at[pl.ds(base, CHUNK)])
        pltpu.sync_copy(ryb, ryo.at[pl.ds(base, CHUNK)])
        pltpu.sync_copy(rzb, rzo.at[pl.ds(base, CHUNK)])
        cp.wait()
        pltpu.sync_copy(rows, gS.at[pl.ds(base, CHUNK)])
        cp2 = pltpu.async_copy(tD.at[idx_d], rows, sem)
        cp2.wait()
        pltpu.sync_copy(rows, gD.at[pl.ds(base, CHUNK)])
        return 0

    lax.fori_loop(0, EPW // CHUNK, step, 0)


def _edge_body(gS_ref, gD_ref, eax_ref, We3_ref, wc_ref, mk_ref, cf_ref):
    gs = gS_ref[...]
    gd = gD_ref[...]
    eax = eax_ref[...]
    keep = eax[:, DE + 1:DE + 2]
    m = jnp.maximum(
        gs + gd + jnp.dot(eax, We3_ref[...], preferred_element_type=_f32),
        0.0)
    mk = m * keep
    coefk = jnp.tanh(jnp.dot(mk, wc_ref[...],
                             preferred_element_type=_f32)) * keep
    mk_ref[...] = mk
    cf_ref[...] = coefk.reshape((coefk.shape[0],))


def _edge_call(gS, gD, eax, We3, wc):
    return pl.pallas_call(
        _edge_body,
        grid=(E // BE,),
        in_specs=[
            pl.BlockSpec((BE, D), lambda i: (i, 0)),
            pl.BlockSpec((BE, D), lambda i: (i, 0)),
            pl.BlockSpec((BE, DE + 2), lambda i: (i, 0)),
            pl.BlockSpec((DE + 2, D), lambda i: (0, 0)),
            pl.BlockSpec((D, 1), lambda i: (0, 0)),
        ],
        out_specs=[
            pl.BlockSpec((BE, D), lambda i: (i, 0)),
            pl.BlockSpec((BE,), lambda i: (i,)),
        ],
        out_shape=[
            jax.ShapeDtypeStruct((E, D), _f32),
            jax.ShapeDtypeStruct((E,), _f32),
        ],
    )(gS, gD, eax, We3, wc)


N4 = 4 * N


@functools.partial(
    pl.kernel,
    out_type=(jax.ShapeDtypeStruct((2, NPAD, D), _f32),
              jax.ShapeDtypeStruct((1, N4), _f32)),
    mesh=_MESH,
    compiler_params=_SC_PARAMS,
    scratch_types=[
        pltpu.VMEM((CHUNK,), _i32),
        pltpu.VMEM((CHUNK,), _i32),
        pltpu.VMEM((CHUNK, D), _f32),
        pltpu.VMEM((CHUNK,), _f32),
        pltpu.VMEM((CHUNK,), _f32),
        pltpu.VMEM((CHUNK,), _f32),
        pltpu.VMEM((CHUNK,), _f32),
        pltpu.VMEM((CHUNK,), _f32),
        pltpu.VMEM((N4,), _f32),
        pltpu.VMEM_SHARED((NPAD, D), _f32),
        pltpu.VMEM_SHARED((N4,), _f32),
        pltpu.SemaphoreType.DMA,
    ],
)
def _sc_scatter(vals, dstI, coef, keepf, relx, rely, relz, zerosND, zeros4N,
                iota4n, parts, part4, idx_v, idx_l, buf_v, cfb, kb, rxb, ryb,
                rzb, acc4, acc, accn, sem):
    c = lax.axis_index("c")
    s = lax.axis_index("s")

    def zstep(j, _):
        cid = s + j * 16

        @pl.when(cid < NSPL // 200)
        def _():
            pltpu.sync_copy(zerosND.at[pl.ds(cid * 200, 200)],
                            acc.at[pl.ds(cid * 200, 200)])

        return 0

    lax.fori_loop(0, 2, zstep, 0)

    @pl.when(s == 1)
    def _():
        pltpu.sync_copy(zeros4N, accn)

    @pl.when(c == 0)
    def _():
        pltpu.sync_copy(zeros4N, acc4)

    plsc.subcore_barrier()
    base0 = s * EPT
    lo = c * NSPL

    def step(i, _):
        base = base0 + i * CHUNK
        pltpu.sync_copy(dstI.at[pl.ds(base, CHUNK)], idx_v)
        cp = pltpu.async_copy(vals.at[pl.ds(base, CHUNK)], buf_v, sem)
        pltpu.sync_copy(coef.at[pl.ds(base, CHUNK)], cfb)
        pltpu.sync_copy(keepf.at[pl.ds(base, CHUNK)], kb)
        pltpu.sync_copy(relx.at[pl.ds(base, CHUNK)], rxb)
        pltpu.sync_copy(rely.at[pl.ds(base, CHUNK)], ryb)
        pltpu.sync_copy(relz.at[pl.ds(base, CHUNK)], rzb)

        def group(g, _):
            sl = pl.ds(g * 16, 16)
            d16 = idx_v[sl]
            loc = d16 - lo
            idx_l[sl] = jnp.where((loc >= 0) & (loc < NSPL), loc, NSPL)

            @pl.when(c == 0)
            def _():
                cf = cfb[sl]
                plsc.addupdate_scatter(acc4, [d16], rxb[sl] * cf)
                plsc.addupdate_scatter(acc4, [d16 + N], ryb[sl] * cf)
                plsc.addupdate_scatter(acc4, [d16 + 2 * N], rzb[sl] * cf)
                plsc.addupdate_scatter(acc4, [d16 + 3 * N], kb[sl])

            return 0

        lax.fori_loop(0, GROUPS, group, 0)
        cp.wait()
        pltpu.sync_copy(buf_v, acc.at[idx_l], add=True)
        return 0

    lax.fori_loop(0, EPT // CHUNK, step, 0)

    @pl.when(c == 0)
    def _():
        def nstep(k, _):
            pltpu.sync_copy(iota4n.at[pl.ds(k * CHUNK, CHUNK)], idx_v)
            pltpu.sync_copy(acc4.at[pl.ds(k * CHUNK, CHUNK)],
                            accn.at[idx_v], add=True)
            return 0

        lax.fori_loop(0, N4 // CHUNK, nstep, 0)

    plsc.subcore_barrier()

    def wstep(j, _):
        cid = s + j * 16

        @pl.when(cid < NSPL // 200)
        def _():
            pltpu.sync_copy(acc.at[pl.ds(cid * 200, 200)],
                            parts.at[c, pl.ds(cid * 200, 200)])

        return 0

    lax.fori_loop(0, 2, wstep, 0)

    @pl.when((s == 1) & (c == 0))
    def _():
        pltpu.sync_copy(accn, part4.at[0])


def _upd_body(parts_ref, p4_ref, x_ref, pos_ref, vis_ref, Wu_ref, bu_ref,
              mt_ref, pmf_ref, Wo_ref, bo_ref, z_ref, posc_ref, pr_ref, *,
              decoder):
    acc4 = p4_ref[...]
    deg = acc4[:, 3:4] + 1.0
    agg = parts_ref[...]
    h = jnp.maximum(
        jnp.dot(x_ref[...], Wu_ref[0], preferred_element_type=_f32)
        + jnp.dot(agg, Wu_ref[1], preferred_element_type=_f32) / deg
        + bu_ref[...], 0.0)
    pos_out = pos_ref[...] + acc4[:, 0:3] / deg
    if decoder:
        prec = (jnp.dot(h, Wo_ref[...], preferred_element_type=_f32)
                + bo_ref[...] + pos_out)
        pr_ref[...] = jnp.concatenate(
            [prec, jnp.zeros((prec.shape[0], D - P), _f32)], axis=1)
    else:
        vis = vis_ref[...]
        z_ref[...] = vis * h + (1.0 - vis) * mt_ref[...]
        posc_ref[...] = vis * pos_out + (1.0 - vis) * pmf_ref[...]


def _upd_call(parts, part4, xn, posn, visn, Wu, bu, mt, pmf, Wo, bo, decoder):
    body = functools.partial(_upd_body, decoder=decoder)
    if decoder:
        out_specs = [pl.BlockSpec((BN, D), lambda i: (i, 0))]
        out_shape = [jax.ShapeDtypeStruct((N, D), _f32)]
    else:
        out_specs = [
            pl.BlockSpec((BN, D), lambda i: (i, 0)),
            pl.BlockSpec((BN, P), lambda i: (i, 0)),
        ]
        out_shape = [
            jax.ShapeDtypeStruct((N, D), _f32),
            jax.ShapeDtypeStruct((N, P), _f32),
        ]

    def wrapped(parts_ref, p4_ref, x_ref, pos_ref, vis_ref, Wu_ref, bu_ref,
                mt_ref, pmf_ref, Wo_ref, bo_ref, *outs):
        if decoder:
            body(parts_ref, p4_ref, x_ref, pos_ref, vis_ref, Wu_ref, bu_ref,
                 mt_ref, pmf_ref, Wo_ref, bo_ref, None, None, outs[0])
        else:
            body(parts_ref, p4_ref, x_ref, pos_ref, vis_ref, Wu_ref, bu_ref,
                 mt_ref, pmf_ref, Wo_ref, bo_ref, outs[0], outs[1], None)

    return pl.pallas_call(
        wrapped,
        grid=(N // BN,),
        in_specs=[
            pl.BlockSpec((BN, D), lambda i: (i, 0)),
            pl.BlockSpec((BN, 4), lambda i: (i, 0)),
            pl.BlockSpec((BN, D), lambda i: (i, 0)),
            pl.BlockSpec((BN, P), lambda i: (i, 0)),
            pl.BlockSpec((BN, 1), lambda i: (i, 0)),
            pl.BlockSpec((2, D, D), lambda i: (0, 0, 0)),
            pl.BlockSpec((1, D), lambda i: (0, 0)),
            pl.BlockSpec((1, D), lambda i: (0, 0)),
            pl.BlockSpec((BN, P), lambda i: (i, 0)),
            pl.BlockSpec((D, P), lambda i: (0, 0)),
            pl.BlockSpec((1, P), lambda i: (0, 0)),
        ],
        out_specs=out_specs,
        out_shape=out_shape,
    )(parts, part4, xn, posn, visn, Wu, bu, mt, pmf, Wo, bo)


@functools.partial(
    pl.kernel,
    out_type=jax.ShapeDtypeStruct((MPAD, D), _f32),
    mesh=_MESH,
    compiler_params=_SC_PARAMS,
    scratch_types=[
        pltpu.VMEM((80,), _i32),
        pltpu.VMEM((80, D), _f32),
        pltpu.SemaphoreType.DMA,
    ],
)
def _sc_mask_gather(table, midx, out, idx_v, buf_v, sem):
    wid = lax.axis_index("s") * 2 + lax.axis_index("c")

    def step(k, _):
        base = wid * MGW + k * 80
        pltpu.sync_copy(midx.at[pl.ds(base, 80)], idx_v)
        pltpu.async_copy(table.at[idx_v], buf_v, sem).wait()
        pltpu.sync_copy(buf_v, out.at[pl.ds(base, 80)])
        return 0

    lax.fori_loop(0, MGW // 80, step, 0)


def kernel(x, pos, edge_index, edge_attr, batch_indices, masked_token,
           enc_W_msg, enc_b_msg, enc_W_upd, enc_b_upd, enc_w_coord,
           dec_W_msg, dec_b_msg, dec_W_upd, dec_b_upd, dec_w_coord,
           dec_W_out, dec_b_out):
    mask_idx, visf, pmf, mask_pad = _consts()
    ones_vis = jnp.ones((N, 1), _f32)
    zerosND = jnp.zeros((N, D), _f32)
    zeros4N = jnp.zeros((N4,), _f32)
    iota4n = jnp.arange(N4, dtype=_i32)
    src = edge_index[0]
    dst = edge_index[1]

    def layer(xn, posn, W_msg, b_msg, w_coord, vis_col):
        Wsd = jnp.stack([W_msg[:D], W_msg[D:2 * D]])
        We3 = jnp.concatenate(
            [W_msg[2 * D:2 * D + DE + 1], jnp.zeros((1, D), _f32)])
        tS, tD = _tables_call(xn, Wsd, b_msg.reshape(1, D))
        posvis = jnp.concatenate(
            [posn[:, 0], posn[:, 1], posn[:, 2], vis_col[:, 0]])
        gS, gD, d2, keepf, rx, ry, rz = _sc_gather(tS, tD, posvis, src, dst)
        eax = jnp.concatenate([edge_attr, d2[:, None], keepf[:, None]],
                              axis=1)
        mk, cf = _edge_call(gS, gD, eax, We3, w_coord)
        parts, part4 = _sc_scatter(mk, dst, cf, keepf, rx, ry, rz, zerosND,
                                   zeros4N, iota4n)
        agg = jnp.concatenate([parts[0, :NSPL], parts[1, :NSPL]], axis=0)
        n4t = jnp.transpose(part4[0].reshape(4, N))
        return agg, n4t

    parts_e, part4_e = layer(x, pos, enc_W_msg, enc_b_msg, enc_w_coord, visf)
    Wu_e = jnp.stack([enc_W_upd[:D], enc_W_upd[D:]])
    dummyWo = jnp.zeros((D, P), _f32)
    dummybo = jnp.zeros((1, P), _f32)
    z, pos_c = _upd_call(parts_e, part4_e, x, pos, visf, Wu_e,
                         enc_b_upd.reshape(1, D), masked_token, pmf,
                         dummyWo, dummybo, decoder=False)

    parts_d, part4_d = layer(z, pos_c, dec_W_msg, dec_b_msg, dec_w_coord,
                             ones_vis)
    Wu_d = jnp.stack([dec_W_upd[:D], dec_W_upd[D:]])
    (prec_pad,) = _upd_call(parts_d, part4_d, z, pos_c, ones_vis, Wu_d,
                            dec_b_upd.reshape(1, D), masked_token, pmf,
                            dec_W_out, dec_b_out.reshape(1, P), decoder=True)

    g = _sc_mask_gather(prec_pad, mask_pad)
    return g[:NUM_MASKED, :P], mask_idx

# --- scband reference (transcript-rebuilt; emitter-appended) ---
"""Pipeline reference for scband-masked-geometric-autoencoder-9216999817315 (READ-ONLY COPY).

The authoritative reference and input builder live on the scoring server;
editing this copy changes nothing except your own understanding.
"""

import jax, jax.numpy as jnp
import numpy as np

N = 10000
E = 320000
D = 128
P = 3
DE = 16
RATIO = 0.5

def _mpnn(x, pos, edge_index, edge_attr, W_msg, b_msg, W_upd, b_upd, w_coord):
    n = x.shape[0]
    src = edge_index[0]
    dst = edge_index[1]
    rel = pos[src] - pos[dst]
    dist2 = jnp.sum(rel * rel, axis=-1, keepdims=True)
    mi = jnp.concatenate([x[src], x[dst], edge_attr, dist2], axis=-1)
    m = jax.nn.relu(mi @ W_msg + b_msg)
    agg = jax.ops.segment_sum(m, dst, num_segments=n)
    deg = jax.ops.segment_sum(jnp.ones((dst.shape[0], 1), x.dtype), dst, num_segments=n) + 1.0
    h = jax.nn.relu(jnp.concatenate([x, agg / deg], axis=-1) @ W_upd + b_upd)
    coef = jnp.tanh(m @ w_coord)
    pos_out = pos + jax.ops.segment_sum(rel * coef, dst, num_segments=n) / deg
    return h, pos_out

def setup_inputs(seed: int = 0):
    key = jax.random.key(seed)
    ks = jax.random.split(key, 20)
    s_msg = 1.0 / np.sqrt(2 * D + DE + 1)
    s_upd = 1.0 / np.sqrt(2 * D)
    inp = {}
    inp['x'] = jax.random.normal(ks[0], (N, D), jnp.float32)
    inp['pos'] = jax.random.normal(ks[1], (N, P), jnp.float32)
    inp['edge_index'] = jax.random.randint(ks[2], (2, E), 0, N, dtype=jnp.int32)
    inp['edge_attr'] = jax.random.normal(ks[3], (E, DE), jnp.float32)
    inp['batch_indices'] = jnp.zeros((N,), dtype=jnp.int32)
    inp['masked_token'] = jax.random.normal(ks[4], (1, D), jnp.float32) * 0.01
    inp['enc_W_msg'] = jax.random.normal(ks[5], (2 * D + DE + 1, D), jnp.float32) * s_msg
    inp['enc_b_msg'] = jnp.zeros((D,), jnp.float32)
    inp['enc_W_upd'] = jax.random.normal(ks[6], (2 * D, D), jnp.float32) * s_upd
    inp['enc_b_upd'] = jnp.zeros((D,), jnp.float32)
    inp['enc_w_coord'] = jax.random.normal(ks[7], (D, 1), jnp.float32) * (1.0 / np.sqrt(D))
    inp['dec_W_msg'] = jax.random.normal(ks[8], (2 * D + DE + 1, D), jnp.float32) * s_msg
    inp['dec_b_msg'] = jnp.zeros((D,), jnp.float32)
    inp['dec_W_upd'] = jax.random.normal(ks[9], (2 * D, D), jnp.float32) * s_upd
    inp['dec_b_upd'] = jnp.zeros((D,), jnp.float32)
    inp['dec_w_coord'] = jax.random.normal(ks[10], (D, 1), jnp.float32) * (1.0 / np.sqrt(D))
    inp['dec_W_out'] = jax.random.normal(ks[11], (D, P), jnp.float32) * (1.0 / np.sqrt(D))
    inp['dec_b_out'] = jnp.zeros((P,), jnp.float32)
    return inp

def reference(x, pos, edge_index, edge_attr, batch_indices, masked_token, enc_W_msg, enc_b_msg, enc_W_upd, enc_b_upd, enc_w_coord, dec_W_msg, dec_b_msg, dec_W_upd, dec_b_upd, dec_w_coord, dec_W_out, dec_b_out):
    num_nodes = x.shape[0]
    num_masked = int(RATIO * num_nodes)
    num_vis = num_nodes - num_masked
    perm = jax.random.permutation(jax.random.key(42), num_nodes)
    mask_idx = perm[:num_masked]
    vis_idx = perm[num_masked:]
    vis_mask = jnp.zeros((num_nodes,), bool).at[vis_idx].set(True)
    src = edge_index[0]
    dst = edge_index[1]
    edge_keep = vis_mask[src] & vis_mask[dst]
    mapping = jnp.zeros((num_nodes,), jnp.int32).at[vis_idx].set(jnp.arange(num_vis, dtype=jnp.int32))
    ei_v = jnp.stack([mapping[src], jnp.where(edge_keep, mapping[dst], jnp.int32(num_vis))])
    ea_v = edge_attr
    x_v = x[vis_idx]
    pos_v = pos[vis_idx]
    h_v, p_v = _mpnn(x_v, pos_v, ei_v, ea_v, enc_W_msg, enc_b_msg, enc_W_upd, enc_b_upd, enc_w_coord)
    z_m = jnp.tile(masked_token, (num_masked, 1))
    pos_m = jax.random.normal(jax.random.key(7), (num_masked, P), jnp.float32)
    z = jnp.zeros((num_nodes, D), x.dtype).at[vis_idx].set(h_v).at[mask_idx].set(z_m)
    pos_c = jnp.zeros((num_nodes, P), pos.dtype).at[vis_idx].set(p_v).at[mask_idx].set(pos_m)
    h2, p2 = _mpnn(z, pos_c, edge_index, edge_attr, dec_W_msg, dec_b_msg, dec_W_upd, dec_b_upd, dec_w_coord)
    pos_rec = h2 @ dec_W_out + dec_b_out + p2
    return pos_rec[mask_idx], mask_idx

if __name__ == "__main__":
    import jax
    _d = setup_inputs()
    print(jax.jit(kernel)(*tuple(_d.values())))

</pallas_src>

<mosaic_0001>
#map = affine_map<(d0, d1) -> (0, 0)>
#map1 = affine_map<(d0, d1) -> (0)>
#map2 = affine_map<(d0, d1) -> (0, 0, 0)>
module attributes {stable_mosaic.version = 14 : i64} {
  func.func @_sc_scatter(%arg0: i32, %arg1: i32, %arg2: memref<320000x128xf32, #tpu.memory_space<hbm>>, %arg3: memref<320000xi32, #tpu.memory_space<hbm>>, %arg4: memref<320000xf32, #tpu.memory_space<hbm>>, %arg5: memref<320000xf32, #tpu.memory_space<hbm>>, %arg6: memref<320000xf32, #tpu.memory_space<hbm>>, %arg7: memref<320000xf32, #tpu.memory_space<hbm>>, %arg8: memref<320000xf32, #tpu.memory_space<hbm>>, %arg9: memref<10000x128xf32, #tpu.memory_space<hbm>>, %arg10: memref<40000xf32, #tpu.memory_space<hbm>>, %arg11: memref<40000xi32, #tpu.memory_space<hbm>>, %arg12: memref<2x5008x128xf32, #tpu.memory_space<hbm>>, %arg13: memref<1x40000xf32, #tpu.memory_space<hbm>>, %arg14: memref<80xi32, #tpu.memory_space<vmem>>, %arg15: memref<80xi32, #tpu.memory_space<vmem>>, %arg16: memref<80x128xf32, #tpu.memory_space<vmem>>, %arg17: memref<80xf32, #tpu.memory_space<vmem>>, %arg18: memref<80xf32, #tpu.memory_space<vmem>>, %arg19: memref<80xf32, #tpu.memory_space<vmem>>, %arg20: memref<80xf32, #tpu.memory_space<vmem>>, %arg21: memref<80xf32, #tpu.memory_space<vmem>>, %arg22: memref<40000xf32, #tpu.memory_space<vmem>>, %arg23: memref<5008x128xf32, #tpu.memory_space<vmem_shared>>, %arg24: memref<40000xf32, #tpu.memory_space<vmem_shared>>, %arg25: memref<!tpu.dma_semaphore, #tpu.memory_space<semaphore_mem>>) attributes {dimension_semantics = [#tpu.dimension_semantics<core_parallel>, #tpu.dimension_semantics<subcore_parallel>], iteration_bounds = array<i64: 2, 16>, scalar_prefetch = 0 : i64, scratch_operands = 12 : i64, tpu.core_type = #tpu.core_type<sc_vector_subcore>, window_params = [{transform_indices = #map}, {transform_indices = #map1}, {transform_indices = #map1}, {transform_indices = #map1}, {transform_indices = #map1}, {transform_indices = #map1}, {transform_indices = #map1}, {transform_indices = #map}, {transform_indices = #map1}, {transform_indices = #map1}, {transform_indices = #map2}, {transform_indices = #map}]} {
    %scan3A = arith.constant 0 : i32
    %scan3A_0 = arith.constant 0 : i32
    %scan3A_1 = arith.constant 2 : i32
    %scan3A_2 = arith.addi %scan3A_0, %scan3A_1 : i32
    %scan3A_3 = arith.constant 1 : i32
    %scan3A_4 = scf.for %scan3A_43 = %scan3A_0 to %scan3A_2 step %scan3A_3 iter_args(%scan3A_44 = %scan3A) -> (i32)  : i32 {
      %mul3A_45 = arith.constant 16 : i32
      %mul3A_46 = arith.muli %scan3A_43, %mul3A_45 : i32
      %add3A = arith.addi %arg1, %mul3A_46 : i32
      %lt3A = arith.constant 25 : i32
      %lt3A_47 = arith.cmpi slt, %add3A, %lt3A : i32
      %convert_element_type3A_48 = arith.extui %lt3A_47 : i1 to i32
      %cond3A_49 = arith.constant 0 : i32
      %cond3A_50 = arith.cmpi ne, %convert_element_type3A_48, %cond3A_49 : i32
      scf.if %cond3A_50 {
        %mul3A_52 = arith.constant 200 : i32
        %mul3A_53 = arith.muli %add3A, %mul3A_52 : i32
        %mul3A_54 = arith.constant 200 : i32
        %mul3A_55 = arith.muli %add3A, %mul3A_54 : i32
        "tpu.region"() ({
          %run_scoped3A = tpu.sem_alloc : memref<!tpu.dma_semaphore, #tpu.memory_space<semaphore_mem>>
          %dma_start3A = arith.constant 0 : i32
          %dma_start3A_56 = tpu.memref_slice %arg23[%mul3A_55, %dma_start3A] : memref<5008x128xf32, #tpu.memory_space<vmem_shared>> -> memref<200x128xf32, #tpu.memory_space<vmem_shared>>
          %dma_start3A_57 = arith.constant 0 : i32
          %dma_start3A_58 = tpu.memref_slice %arg9[%mul3A_53, %dma_start3A_57] : memref<10000x128xf32, #tpu.memory_space<hbm>> -> memref<200x128xf32, #tpu.memory_space<hbm>>
          tpu.enqueue_dma source(%dma_start3A_58 : memref<200x128xf32, #tpu.memory_space<hbm>>) target(%dma_start3A_56 : memref<200x128xf32, #tpu.memory_space<vmem_shared>>) target_semaphore(%run_scoped3A : memref<!tpu.dma_semaphore, #tpu.memory_space<semaphore_mem>>)
          %dma_wait3A = arith.constant 0 : i32
          %dma_wait3A_59 = tpu.memref_slice %arg23[%mul3A_55, %dma_wait3A] : memref<5008x128xf32, #tpu.memory_space<vmem_shared>> -> memref<200x128xf32, #tpu.memory_space<vmem_shared>>
          %dma_wait3A_60 = arith.constant 0 : i32
          %dma_wait3A_61 = tpu.memref_slice %arg9[%mul3A_53, %dma_wait3A_60] : memref<10000x128xf32, #tpu.memory_space<hbm>> -> memref<200x128xf32, #tpu.memory_space<hbm>>
          tpu.wait_dma2 semaphore(%run_scoped3A : memref<!tpu.dma_semaphore, #tpu.memory_space<semaphore_mem>>) src(%dma_wait3A_61 : memref<200x128xf32, #tpu.memory_space<hbm>>) dst(%dma_wait3A_59 : memref<200x128xf32, #tpu.memory_space<vmem_shared>>)
          tpu.yield
        }) : () -> ()
      } else {
      }
      %scan3A_51 = arith.constant 0 : i32
      scf.yield %scan3A_51 : i32
    }
    %scan3A_5 = arith.constant 2 : i32
    %eq3A = arith.constant 1 : i32
    %eq3A_6 = arith.cmpi eq, %arg1, %eq3A : i32
    %convert_element_type3A = arith.extui %eq3A_6 : i1 to i32
    %cond3A = arith.constant 0 : i32
    %cond3A_7 = arith.cmpi ne, %convert_element_type3A, %cond3A : i32
    scf.if %cond3A_7 {
      "tpu.region"() ({
        %run_scoped3A = tpu.sem_alloc : memref<!tpu.dma_semaphore, #tpu.memory_space<semaphore_mem>>
        tpu.enqueue_dma source(%arg10 : memref<40000xf32, #tpu.memory_space<hbm>>) target(%arg24 : memref<40000xf32, #tpu.memory_space<vmem_shared>>) target_semaphore(%run_scoped3A : memref<!tpu.dma_semaphore, #tpu.memory_space<semaphore_mem>>)
        tpu.wait_dma2 semaphore(%run_scoped3A : memref<!tpu.dma_semaphore, #tpu.memory_space<semaphore_mem>>) src(%arg10 : memref<40000xf32, #tpu.memory_space<hbm>>) dst(%arg24 : memref<40000xf32, #tpu.memory_space<vmem_shared>>)
        tpu.yield
      }) : () -> ()
    } else {
    }
    %eq3A_8 = arith.constant 0 : i32
    %eq3A_9 = arith.cmpi eq, %arg0, %eq3A_8 : i32
    %convert_element_type3A_10 = arith.extui %eq3A_9 : i1 to i32
    %cond3A_11 = arith.constant 0 : i32
    %cond3A_12 = arith.cmpi ne, %convert_element_type3A_10, %cond3A_11 : i32
    scf.if %cond3A_12 {
      "tpu.region"() ({
        %run_scoped3A = tpu.sem_alloc : memref<!tpu.dma_semaphore, #tpu.memory_space<semaphore_mem>>
        tpu.enqueue_dma source(%arg10 : memref<40000xf32, #tpu.memory_space<hbm>>) target(%arg22 : memref<40000xf32, #tpu.memory_space<vmem>>) target_semaphore(%run_scoped3A : memref<!tpu.dma_semaphore, #tpu.memory_space<semaphore_mem>>)
        tpu.wait_dma2 semaphore(%run_scoped3A : memref<!tpu.dma_semaphore, #tpu.memory_space<semaphore_mem>>) src(%arg10 : memref<40000xf32, #tpu.memory_space<hbm>>) dst(%arg22 : memref<40000xf32, #tpu.memory_space<vmem>>)
        tpu.yield
      }) : () -> ()
    } else {
    }
    %barrier3A = arith.constant 0 : index
    tpu.barrier barrier_id(%barrier3A)
    %mul3A = arith.constant 20000 : i32
    %mul3A_13 = arith.muli %arg1, %mul3A : i32
    %mul3A_14 = arith.constant 5000 : i32
    %mul3A_15 = arith.muli %arg0, %mul3A_14 : i32
    %scan3A_16 = arith.constant 0 : i32
    %scan3A_17 = arith.constant 0 : i32
    %scan3A_18 = arith.constant 250 : i32
    %scan3A_19 = arith.addi %scan3A_17, %scan3A_18 : i32
    %scan3A_20 = arith.constant 1 : i32
    %scan3A_21 = scf.for %scan3A_43 = %scan3A_17 to %scan3A_19 step %scan3A_20 iter_args(%scan3A_44 = %scan3A_16) -> (i32)  : i32 {
      %mul3A_45 = arith.constant 80 : i32
      %mul3A_46 = arith.muli %scan3A_43, %mul3A_45 : i32
      %add3A = arith.addi %mul3A_13, %mul3A_46 : i32
      "tpu.region"() ({
        %run_scoped3A = tpu.sem_alloc : memref<!tpu.dma_semaphore, #tpu.memory_space<semaphore_mem>>
        %dma_start3A_61 = tpu.memref_slice %arg3[%add3A] : memref<320000xi32, #tpu.memory_space<hbm>> -> memref<80xi32, #tpu.memory_space<hbm>>
        %dma_start3A_62 = tpu.memref_slice %arg3[%add3A] : memref<320000xi32, #tpu.memory_space<hbm>> -> memref<80xi32, #tpu.memory_space<hbm>>
        tpu.enqueue_dma source(%dma_start3A_62 : memref<80xi32, #tpu.memory_space<hbm>>) target(%arg14 : memref<80xi32, #tpu.memory_space<vmem>>) target_semaphore(%run_scoped3A : memref<!tpu.dma_semaphore, #tpu.memory_space<semaphore_mem>>)
        %dma_wait3A_63 = tpu.memref_slice %arg3[%add3A] : memref<320000xi32, #tpu.memory_space<hbm>> -> memref<80xi32, #tpu.memory_space<hbm>>
        %dma_wait3A_64 = tpu.memref_slice %arg3[%add3A] : memref<320000xi32, #tpu.memory_space<hbm>> -> memref<80xi32, #tpu.memory_space<hbm>>
        tpu.wait_dma2 semaphore(%run_scoped3A : memref<!tpu.dma_semaphore, #tpu.memory_space<semaphore_mem>>) src(%dma_wait3A_64 : memref<80xi32, #tpu.memory_space<hbm>>) dst(%arg14 : memref<80xi32, #tpu.memory_space<vmem>>)
        tpu.yield
      }) : () -> ()
      %dma_start3A = arith.constant 0 : i32
      %dma_start3A_47 = tpu.memref_slice %arg2[%add3A, %dma_start3A] : memref<320000x128xf32, #tpu.memory_space<hbm>> -> memref<80x128xf32, #tpu.memory_space<hbm>>
      %dma_start3A_48 = arith.constant 0 : i32
      %dma_start3A_49 = tpu.memref_slice %arg2[%add3A, %dma_start3A_48] : memref<320000x128xf32, #tpu.memory_space<hbm>> -> memref<80x128xf32, #tpu.memory_space<hbm>>
      tpu.enqueue_dma source(%dma_start3A_49 : memref<80x128xf32, #tpu.memory_space<hbm>>) target(%arg16 : memref<80x128xf32, #tpu.memory_space<vmem>>) target_semaphore(%arg25 : memref<!tpu.dma_semaphore, #tpu.memory_space<semaphore_mem>>)
      "tpu.region"() ({
        %run_scoped3A = tpu.sem_alloc : memref<!tpu.dma_semaphore, #tpu.memory_space<semaphore_mem>>
        %dma_start3A_61 = tpu.memref_slice %arg4[%add3A] : memref<320000xf32, #tpu.memory_space<hbm>> -> memref<80xf32, #tpu.memory_space<hbm>>
        %dma_start3A_62 = tpu.memref_slice %arg4[%add3A] : memref<320000xf32, #tpu.memory_space<hbm>> -> memref<80xf32, #tpu.memory_space<hbm>>
        tpu.enqueue_dma source(%dma_start3A_62 : memref<80xf32, #tpu.memory_space<hbm>>) target(%arg17 : memref<80xf32, #tpu.memory_space<vmem>>) target_semaphore(%run_scoped3A : memref<!tpu.dma_semaphore, #tpu.memory_space<semaphore_mem>>)
        %dma_wait3A_63 = tpu.memref_slice %arg4[%add3A] : memref<320000xf32, #tpu.memory_space<hbm>> -> memref<80xf32, #tpu.memory_space<hbm>>
        %dma_wait3A_64 = tpu.memref_slice %arg4[%add3A] : memref<320000xf32, #tpu.memory_space<hbm>> -> memref<80xf32, #tpu.memory_space<hbm>>
        tpu.wait_dma2 semaphore(%run_scoped3A : memref<!tpu.dma_semaphore, #tpu.memory_space<semaphore_mem>>) src(%dma_wait3A_64 : memref<80xf32, #tpu.memory_space<hbm>>) dst(%arg17 : memref<80xf32, #tpu.memory_space<vmem>>)
        tpu.yield
      }) : () -> ()
      "tpu.region"() ({
        %run_scoped3A = tpu.sem_alloc : memref<!tpu.dma_semaphore, #tpu.memory_space<semaphore_mem>>
        %dma_start3A_61 = tpu.memref_slice %arg5[%add3A] : memref<320000xf32, #tpu.memory_space<hbm>> -> memref<80xf32, #tpu.memory_space<hbm>>
        %dma_start3A_62 = tpu.memref_slice %arg5[%add3A] : memref<320000xf32, #tpu.memory_space<hbm>> -> memref<80xf32, #tpu.memory_space<hbm>>
        tpu.enqueue_dma source(%dma_start3A_62 : memref<80xf32, #tpu.memory_space<hbm>>) target(%arg18 : memref<80xf32, #tpu.memory_space<vmem>>) target_semaphore(%run_scoped3A : memref<!tpu.dma_semaphore, #tpu.memory_space<semaphore_mem>>)
        %dma_wait3A_63 = tpu.memref_slice %arg5[%add3A] : memref<320000xf32, #tpu.memory_space<hbm>> -> memref<80xf32, #tpu.memory_space<hbm>>
        %dma_wait3A_64 = tpu.memref_slice %arg5[%add3A] : memref<320000xf32, #tpu.memory_space<hbm>> -> memref<80xf32, #tpu.memory_space<hbm>>
        tpu.wait_dma2 semaphore(%run_scoped3A : memref<!tpu.dma_semaphore, #tpu.memory_space<semaphore_mem>>) src(%dma_wait3A_64 : memref<80xf32, #tpu.memory_space<hbm>>) dst(%arg18 : memref<80xf32, #tpu.memory_space<vmem>>)
        tpu.yield
      }) : () -> ()
      "tpu.region"() ({
        %run_scoped3A = tpu.sem_alloc : memref<!tpu.dma_semaphore, #tpu.memory_space<semaphore_mem>>
        %dma_start3A_61 = tpu.memref_slice %arg6[%add3A] : memref<320000xf32, #tpu.memory_space<hbm>> -> memref<80xf32, #tpu.memory_space<hbm>>
        %dma_start3A_62 = tpu.memref_slice %arg6[%add3A] : memref<320000xf32, #tpu.memory_space<hbm>> -> memref<80xf32, #tpu.memory_space<hbm>>
        tpu.enqueue_dma source(%dma_start3A_62 : memref<80xf32, #tpu.memory_space<hbm>>) target(%arg19 : memref<80xf32, #tpu.memory_space<vmem>>) target_semaphore(%run_scoped3A : memref<!tpu.dma_semaphore, #tpu.memory_space<semaphore_mem>>)
        %dma_wait3A_63 = tpu.memref_slice %arg6[%add3A] : memref<320000xf32, #tpu.memory_space<hbm>> -> memref<80xf32, #tpu.memory_space<hbm>>
        %dma_wait3A_64 = tpu.memref_slice %arg6[%add3A] : memref<320000xf32, #tpu.memory_space<hbm>> -> memref<80xf32, #tpu.memory_space<hbm>>
        tpu.wait_dma2 semaphore(%run_scoped3A : memref<!tpu.dma_semaphore, #tpu.memory_space<semaphore_mem>>) src(%dma_wait3A_64 : memref<80xf32, #tpu.memory_space<hbm>>) dst(%arg19 : memref<80xf32, #tpu.memory_space<vmem>>)
        tpu.yield
      }) : () -> ()
      "tpu.region"() ({
        %run_scoped3A = tpu.sem_alloc : memref<!tpu.dma_semaphore, #tpu.memory_space<semaphore_mem>>
        %dma_start3A_61 = tpu.memref_slice %arg7[%add3A] : memref<320000xf32, #tpu.memory_space<hbm>> -> memref<80xf32, #tpu.memory_space<hbm>>
        %dma_start3A_62 = tpu.memref_slice %arg7[%add3A] : memref<320000xf32, #tpu.memory_space<hbm>> -> memref<80xf32, #tpu.memory_space<hbm>>
        tpu.enqueue_dma source(%dma_start3A_62 : memref<80xf32, #tpu.memory_space<hbm>>) target(%arg20 : memref<80xf32, #tpu.memory_space<vmem>>) target_semaphore(%run_scoped3A : memref<!tpu.dma_semaphore, #tpu.memory_space<semaphore_mem>>)
        %dma_wait3A_63 = tpu.memref_slice %arg7[%add3A] : memref<320000xf32, #tpu.memory_space<hbm>> -> memref<80xf32, #tpu.memory_space<hbm>>
        %dma_wait3A_64 = tpu.memref_slice %arg7[%add3A] : memref<320000xf32, #tpu.memory_space<hbm>> -> memref<80xf32, #tpu.memory_space<hbm>>
        tpu.wait_dma2 semaphore(%run_scoped3A : memref<!tpu.dma_semaphore, #tpu.memory_space<semaphore_mem>>) src(%dma_wait3A_64 : memref<80xf32, #tpu.memory_space<hbm>>) dst(%arg20 : memref<80xf32, #tpu.memory_space<vmem>>)
        tpu.yield
      }) : () -> ()
      "tpu.region"() ({
        %run_scoped3A = tpu.sem_alloc : memref<!tpu.dma_semaphore, #tpu.memory_space<semaphore_mem>>
        %dma_start3A_61 = tpu.memref_slice %arg8[%add3A] : memref<320000xf32, #tpu.memory_space<hbm>> -> memref<80xf32, #tpu.memory_space<hbm>>
        %dma_start3A_62 = tpu.memref_slice %arg8[%add3A] : memref<320000xf32, #tpu.memory_space<hbm>> -> memref<80xf32, #tpu.memory_space<hbm>>
        tpu.enqueue_dma source(%dma_start3A_62 : memref<80xf32, #tpu.memory_space<hbm>>) target(%arg21 : memref<80xf32, #tpu.memory_space<vmem>>) target_semaphore(%run_scoped3A : memref<!tpu.dma_semaphore, #tpu.memory_space<semaphore_mem>>)
        %dma_wait3A_63 = tpu.memref_slice %arg8[%add3A] : memref<320000xf32, #tpu.memory_space<hbm>> -> memref<80xf32, #tpu.memory_space<hbm>>
        %dma_wait3A_64 = tpu.memref_slice %arg8[%add3A] : memref<320000xf32, #tpu.memory_space<hbm>> -> memref<80xf32, #tpu.memory_space<hbm>>
        tpu.wait_dma2 semaphore(%run_scoped3A : memref<!tpu.dma_semaphore, #tpu.memory_space<semaphore_mem>>) src(%dma_wait3A_64 : memref<80xf32, #tpu.memory_space<hbm>>) dst(%arg21 : memref<80xf32, #tpu.memory_space<vmem>>)
        tpu.yield
      }) : () -> ()
      %scan3A_50 = arith.constant 0 : i32
      %scan3A_51 = arith.constant 0 : i32
      %scan3A_52 = arith.constant 5 : i32
      %scan3A_53 = arith.addi %scan3A_51, %scan3A_52 : i32
      %scan3A_54 = arith.constant 1 : i32
      %scan3A_55 = scf.for %scan3A_61 = %scan3A_51 to %scan3A_53 step %scan3A_54 iter_args(%scan3A_62 = %scan3A_50) -> (i32)  : i32 {
        %mul3A_63 = arith.constant 16 : i32
        %mul3A_64 = arith.muli %scan3A_61, %mul3A_63 : i32
        %get3A = arith.index_cast %mul3A_64 : i32 to index
        %get3A_65 = tpu.vector_load %arg14[%get3A] {strides = array<i32>} : memref<80xi32, #tpu.memory_space<vmem>>, vector<16xi32>,
        %sub3A = vector.broadcast %mul3A_15 : i32 to vector<16xi32>
        %sub3A_66 = arith.subi %get3A_65, %sub3A : vector<16xi32>
        %ge3A = arith.constant 0 : i32
        %ge3A_67 = vector.broadcast %ge3A : i32 to vector<16xi32>
        %ge3A_68 = arith.cmpi sge, %sub3A_66, %ge3A_67 : vector<16xi32>
        %lt3A = arith.constant 5000 : i32
        %lt3A_69 = vector.broadcast %lt3A : i32 to vector<16xi32>
        %lt3A_70 = arith.cmpi slt, %sub3A_66, %lt3A_69 : vector<16xi32>
        %and3A_71 = arith.andi %ge3A_68, %lt3A_70 : vector<16xi1>
        %jit3A = arith.constant 5000 : i32
        %broadcast_in_dim3A = vector.broadcast %jit3A : i32 to vector<16xi32>
        %select_n3A = arith.select %and3A_71, %sub3A_66, %broadcast_in_dim3A : vector<16xi1>, vector<16xi32>
        %swap3A = arith.index_cast %mul3A_64 : i32 to index
        %swap3A_72 = tpu.vector_load %arg15[%swap3A] {strides = array<i32>} : memref<80xi32, #tpu.memory_space<vmem>>, vector<16xi32>,
        tpu.vector_store %arg15[%swap3A], %select_n3A {strides = array<i32>} : memref<80xi32, #tpu.memory_space<vmem>>, vector<16xi32>,
        %eq3A_73 = arith.constant 0 : i32
        %eq3A_74 = arith.cmpi eq, %arg0, %eq3A_73 : i32
        %convert_element_type3A_75 = arith.extui %eq3A_74 : i1 to i32
        %cond3A_76 = arith.constant 0 : i32
        %cond3A_77 = arith.cmpi ne, %convert_element_type3A_75, %cond3A_76 : i32
        scf.if %cond3A_77 {
          %get3A_79 = arith.index_cast %mul3A_64 : i32 to index
          %get3A_80 = tpu.vector_load %arg17[%get3A_79] {strides = array<i32>} : memref<80xf32, #tpu.memory_space<vmem>>, vector<16xf32>,
          %get3A_81 = arith.index_cast %mul3A_64 : i32 to index
          %get3A_82 = tpu.vector_load %arg19[%get3A_81] {strides = array<i32>} : memref<80xf32, #tpu.memory_space<vmem>>, vector<16xf32>,
          %mul3A_83 = arith.mulf %get3A_82, %get3A_80 : vector<16xf32>
          tpu.vector_store_idx %arg22[%get3A_65], %mul3A_83 {add = true} : memref<40000xf32, #tpu.memory_space<vmem>>[vector<16xi32>], vector<16xf32>,
          %add3A_84 = arith.constant 10000 : i32
          %add3A_85 = vector.broadcast %add3A_84 : i32 to vector<16xi32>
          %add3A_86 = arith.addi %get3A_65, %add3A_85 : vector<16xi32>
          %get3A_87 = arith.index_cast %mul3A_64 : i32 to index
          %get3A_88 = tpu.vector_load %arg20[%get3A_87] {strides = array<i32>} : memref<80xf32, #tpu.memory_space<vmem>>, vector<16xf32>,
          %mul3A_89 = arith.mulf %get3A_88, %get3A_80 : vector<16xf32>
          tpu.vector_store_idx %arg22[%add3A_86], %mul3A_89 {add = true} : memref<40000xf32, #tpu.memory_space<vmem>>[vector<16xi32>], vector<16xf32>,
          %add3A_90 = arith.constant 20000 : i32
          %add3A_91 = vector.broadcast %add3A_90 : i32 to vector<16xi32>
          %add3A_92 = arith.addi %get3A_65, %add3A_91 : vector<16xi32>
          %get3A_93 = arith.index_cast %mul3A_64 : i32 to index
          %get3A_94 = tpu.vector_load %arg21[%get3A_93] {strides = array<i32>} : memref<80xf32, #tpu.memory_space<vmem>>, vector<16xf32>,
          %mul3A_95 = arith.mulf %get3A_94, %get3A_80 : vector<16xf32>
          tpu.vector_store_idx %arg22[%add3A_92], %mul3A_95 {add = true} : memref<40000xf32, #tpu.memory_space<vmem>>[vector<16xi32>], vector<16xf32>,
          %add3A_96 = arith.constant 30000 : i32
          %add3A_97 = vector.broadcast %add3A_96 : i32 to vector<16xi32>
          %add3A_98 = arith.addi %get3A_65, %add3A_97 : vector<16xi32>
          %get3A_99 = arith.index_cast %mul3A_64 : i32 to index
          %get3A_100 = tpu.vector_load %arg18[%get3A_99] {strides = array<i32>} : memref<80xf32, #tpu.memory_space<vmem>>, vector<16xf32>,
          tpu.vector_store_idx %arg22[%add3A_98], %get3A_100 {add = true} : memref<40000xf32, #tpu.memory_space<vmem>>[vector<16xi32>], vector<16xf32>,
        } else {
        }
        %scan3A_78 = arith.constant 0 : i32
        scf.yield %scan3A_78 : i32
      }
      %scan3A_56 = arith.constant 5 : i32
      %dma_wait3A = arith.constant 0 : i32
      %dma_wait3A_57 = tpu.memref_slice %arg2[%add3A, %dma_wait3A] : memref<320000x128xf32, #tpu.memory_space<hbm>> -> memref<80x128xf32, #tpu.memory_space<hbm>>
      %dma_wait3A_58 = arith.constant 0 : i32
      %dma_wait3A_59 = tpu.memref_slice %arg2[%add3A, %dma_wait3A_58] : memref<320000x128xf32, #tpu.memory_space<hbm>> -> memref<80x128xf32, #tpu.memory_space<hbm>>
      tpu.wait_dma2 semaphore(%arg25 : memref<!tpu.dma_semaphore, #tpu.memory_space<semaphore_mem>>) src(%dma_wait3A_59 : memref<80x128xf32, #tpu.memory_space<hbm>>) dst(%arg16 : memref<80x128xf32, #tpu.memory_space<vmem>>)
      "tpu.region"() ({
        %run_scoped3A = tpu.sem_alloc : memref<!tpu.dma_semaphore, #tpu.memory_space<semaphore_mem>>
        %dma_start3A_61 = arith.constant 0 : i32
        %dma_start3A_62 = arith.constant 0 : i32
        %dma_start3A_63 = tpu.memref_slice %arg23[%dma_start3A_61, %dma_start3A_62] : memref<5008x128xf32, #tpu.memory_space<vmem_shared>> -> memref<5008x128xf32, #tpu.memory_space<vmem_shared>>
        tpu.enqueue_indirect_dma source(%arg16 : memref<80x128xf32, #tpu.memory_space<vmem>>) target(%dma_start3A_63 : memref<5008x128xf32, #tpu.memory_space<vmem_shared>>) offsets(%arg15 : memref<80xi32, #tpu.memory_space<vmem>>) semaphore(%run_scoped3A : memref<!tpu.dma_semaphore, #tpu.memory_space<semaphore_mem>>) {add = true}
        %dma_wait3A_64 = arith.constant 0 : i32
        %dma_wait3A_65 = arith.constant 0 : i32
        %dma_wait3A_66 = tpu.memref_slice %arg23[%dma_wait3A_64, %dma_wait3A_65] : memref<5008x128xf32, #tpu.memory_space<vmem_shared>> -> memref<5008x128xf32, #tpu.memory_space<vmem_shared>>
        tpu.wait_indirect_dma semaphore(%run_scoped3A : memref<!tpu.dma_semaphore, #tpu.memory_space<semaphore_mem>>) src(%arg16 : memref<80x128xf32, #tpu.memory_space<vmem>>) dst(%dma_wait3A_66 : memref<5008x128xf32, #tpu.memory_space<vmem_shared>>)
        tpu.yield
      }) : () -> ()
      %scan3A_60 = arith.constant 0 : i32
      scf.yield %scan3A_60 : i32
    }
    %scan3A_22 = arith.constant 250 : i32
    %eq3A_23 = arith.constant 0 : i32
    %eq3A_24 = arith.cmpi eq, %arg0, %eq3A_23 : i32
    %convert_element_type3A_25 = arith.extui %eq3A_24 : i1 to i32
    %cond3A_26 = arith.constant 0 : i32
    %cond3A_27 = arith.cmpi ne, %convert_element_type3A_25, %cond3A_26 : i32
    scf.if %cond3A_27 {
      %scan3A_43 = arith.constant 0 : i32
      %scan3A_44 = arith.constant 0 : i32
      %scan3A_45 = arith.constant 500 : i32
      %scan3A_46 = arith.addi %scan3A_44, %scan3A_45 : i32
      %scan3A_47 = arith.constant 1 : i32
      %scan3A_48 = scf.for %scan3A_50 = %scan3A_44 to %scan3A_46 step %scan3A_47 iter_args(%scan3A_51 = %scan3A_43) -> (i32)  : i32 {
        %mul3A_52 = arith.constant 80 : i32
        %mul3A_53 = arith.muli %scan3A_50, %mul3A_52 : i32
        "tpu.region"() ({
          %run_scoped3A = tpu.sem_alloc : memref<!tpu.dma_semaphore, #tpu.memory_space<semaphore_mem>>
          %dma_start3A = tpu.memref_slice %arg11[%mul3A_53] : memref<40000xi32, #tpu.memory_space<hbm>> -> memref<80xi32, #tpu.memory_space<hbm>>
          %dma_start3A_57 = tpu.memref_slice %arg11[%mul3A_53] : memref<40000xi32, #tpu.memory_space<hbm>> -> memref<80xi32, #tpu.memory_space<hbm>>
          tpu.enqueue_dma source(%dma_start3A_57 : memref<80xi32, #tpu.memory_space<hbm>>) target(%arg14 : memref<80xi32, #tpu.memory_space<vmem>>) target_semaphore(%run_scoped3A : memref<!tpu.dma_semaphore, #tpu.memory_space<semaphore_mem>>)
          %dma_wait3A = tpu.memref_slice %arg11[%mul3A_53] : memref<40000xi32, #tpu.memory_space<hbm>> -> memref<80xi32, #tpu.memory_space<hbm>>
          %dma_wait3A_58 = tpu.memref_slice %arg11[%mul3A_53] : memref<40000xi32, #tpu.memory_space<hbm>> -> memref<80xi32, #tpu.memory_space<hbm>>
          tpu.wait_dma2 semaphore(%run_scoped3A : memref<!tpu.dma_semaphore, #tpu.memory_space<semaphore_mem>>) src(%dma_wait3A_58 : memref<80xi32, #tpu.memory_space<hbm>>) dst(%arg14 : memref<80xi32, #tpu.memory_space<vmem>>)
          tpu.yield
        }) : () -> ()
        %mul3A_54 = arith.constant 80 : i32
        %mul3A_55 = arith.muli %scan3A_50, %mul3A_54 : i32
        "tpu.region"() ({
          %run_scoped3A = tpu.sem_alloc : memref<!tpu.dma_semaphore, #tpu.memory_space<semaphore_mem>>
          %dma_start3A = tpu.memref_slice %arg22[%mul3A_55] : memref<40000xf32, #tpu.memory_space<vmem>> -> memref<80xf32, #tpu.memory_space<vmem>>
          %dma_start3A_57 = arith.constant 0 : i32
          %dma_start3A_58 = tpu.memref_slice %arg24[%dma_start3A_57] : memref<40000xf32, #tpu.memory_space<vmem_shared>> -> memref<40000xf32, #tpu.memory_space<vmem_shared>>
          tpu.enqueue_indirect_dma source(%dma_start3A : memref<80xf32, #tpu.memory_space<vmem>>) target(%dma_start3A_58 : memref<40000xf32, #tpu.memory_space<vmem_shared>>) offsets(%arg14 : memref<80xi32, #tpu.memory_space<vmem>>) semaphore(%run_scoped3A : memref<!tpu.dma_semaphore, #tpu.memory_space<semaphore_mem>>) {add = true}
          %dma_wait3A = tpu.memref_slice %arg22[%mul3A_55] : memref<40000xf32, #tpu.memory_space<vmem>> -> memref<80xf32, #tpu.memory_space<vmem>>
          %dma_wait3A_59 = arith.constant 0 : i32
          %dma_wait3A_60 = tpu.memref_slice %arg24[%dma_wait3A_59] : memref<40000xf32, #tpu.memory_space<vmem_shared>> -> memref<40000xf32, #tpu.memory_space<vmem_shared>>
          tpu.wait_indirect_dma semaphore(%run_scoped3A : memref<!tpu.dma_semaphore, #tpu.memory_space<semaphore_mem>>) src(%dma_wait3A : memref<80xf32, #tpu.memory_space<vmem>>) dst(%dma_wait3A_60 : memref<40000xf32, #tpu.memory_space<vmem_shared>>)
          tpu.yield
        }) : () -> ()
        %scan3A_56 = arith.constant 0 : i32
        scf.yield %scan3A_56 : i32
      }
      %scan3A_49 = arith.constant 500 : i32
    } else {
    }
    %barrier3A_28 = arith.constant 0 : index
    tpu.barrier barrier_id(%barrier3A_28)
    %scan3A_29 = arith.constant 0 : i32
    %scan3A_30 = arith.constant 0 : i32
    %scan3A_31 = arith.constant 2 : i32
    %scan3A_32 = arith.addi %scan3A_30, %scan3A_31 : i32
    %scan3A_33 = arith.constant 1 : i32
    %scan3A_34 = scf.for %scan3A_43 = %scan3A_30 to %scan3A_32 step %scan3A_33 iter_args(%scan3A_44 = %scan3A_29) -> (i32)  : i32 {
      %mul3A_45 = arith.constant 16 : i32
      %mul3A_46 = arith.muli %scan3A_43, %mul3A_45 : i32
      %add3A = arith.addi %arg1, %mul3A_46 : i32
      %lt3A = arith.constant 25 : i32
      %lt3A_47 = arith.cmpi slt, %add3A, %lt3A : i32
      %convert_element_type3A_48 = arith.extui %lt3A_47 : i1 to i32
      %cond3A_49 = arith.constant 0 : i32
      %cond3A_50 = arith.cmpi ne, %convert_element_type3A_48, %cond3A_49 : i32
      scf.if %cond3A_50 {
        %mul3A_52 = arith.constant 200 : i32
        %mul3A_53 = arith.muli %add3A, %mul3A_52 : i32
        %mul3A_54 = arith.constant 200 : i32
        %mul3A_55 = arith.muli %add3A, %mul3A_54 : i32
        "tpu.region"() ({
          %run_scoped3A = tpu.sem_alloc : memref<!tpu.dma_semaphore, #tpu.memory_space<semaphore_mem>>
          %dma_start3A = arith.constant 0 : i32
          %dma_start3A_56 = tpu.memref_slice %arg12[%arg0, %mul3A_55, %dma_start3A] : memref<2x5008x128xf32, #tpu.memory_space<hbm>> -> memref<1x200x128xf32, #tpu.memory_space<hbm>>
          %dma_start3A_57 = tpu.memref_squeeze %dma_start3A_56 : memref<1x200x128xf32, #tpu.memory_space<hbm>> -> memref<200x128xf32, #tpu.memory_space<hbm>>
          %dma_start3A_58 = arith.constant 0 : i32
          %dma_start3A_59 = tpu.memref_slice %arg23[%mul3A_53, %dma_start3A_58] : memref<5008x128xf32, #tpu.memory_space<vmem_shared>> -> memref<200x128xf32, #tpu.memory_space<vmem_shared>>
          tpu.enqueue_dma source(%dma_start3A_59 : memref<200x128xf32, #tpu.memory_space<vmem_shared>>) target(%dma_start3A_57 : memref<200x128xf32, #tpu.memory_space<hbm>>) target_semaphore(%run_scoped3A : memref<!tpu.dma_semaphore, #tpu.memory_space<semaphore_mem>>)
          %dma_wait3A = arith.constant 0 : i32
          %dma_wait3A_60 = tpu.memref_slice %arg12[%arg0, %mul3A_55, %dma_wait3A] : memref<2x5008x128xf32, #tpu.memory_space<hbm>> -> memref<1x200x128xf32, #tpu.memory_space<hbm>>
          %dma_wait3A_61 = tpu.memref_squeeze %dma_wait3A_60 : memref<1x200x128xf32, #tpu.memory_space<hbm>> -> memref<200x128xf32, #tpu.memory_space<hbm>>
          %dma_wait3A_62 = arith.constant 0 : i32
          %dma_wait3A_63 = tpu.memref_slice %arg23[%mul3A_53, %dma_wait3A_62] : memref<5008x128xf32, #tpu.memory_space<vmem_shared>> -> memref<200x128xf32, #tpu.memory_space<vmem_shared>>
          tpu.wait_dma2 semaphore(%run_scoped3A : memref<!tpu.dma_semaphore, #tpu.memory_space<semaphore_mem>>) src(%dma_wait3A_63 : memref<200x128xf32, #tpu.memory_space<vmem_shared>>) dst(%dma_wait3A_61 : memref<200x128xf32, #tpu.memory_space<hbm>>)
          tpu.yield
        }) : () -> ()
      } else {
      }
      %scan3A_51 = arith.constant 0 : i32
      scf.yield %scan3A_51 : i32
    }
    %scan3A_35 = arith.constant 2 : i32
    %eq3A_36 = arith.constant 1 : i32
    %eq3A_37 = arith.cmpi eq, %arg1, %eq3A_36 : i32
    %eq3A_38 = arith.constant 0 : i32
    %eq3A_39 = arith.cmpi eq, %arg0, %eq3A_38 : i32
    %and3A = arith.andi %eq3A_37, %eq3A_39 : i1
    %convert_element_type3A_40 = arith.extui %and3A : i1 to i32
    %cond3A_41 = arith.constant 0 : i32
    %cond3A_42 = arith.cmpi ne, %convert_element_type3A_40, %cond3A_41 : i32
    scf.if %cond3A_42 {
      %run_scoped3A = arith.constant 0 : i32
      "tpu.region"() ({
        %run_scoped3A_43 = tpu.sem_alloc : memref<!tpu.dma_semaphore, #tpu.memory_space<semaphore_mem>>
        %dma_start3A = arith.constant 0 : i32
        %dma_start3A_44 = tpu.memref_slice %arg13[%run_scoped3A, %dma_start3A] : memref<1x40000xf32, #tpu.memory_space<hbm>> -> memref<1x40000xf32, #tpu.memory_space<hbm>>
        %dma_start3A_45 = tpu.memref_squeeze %dma_start3A_44 : memref<1x40000xf32, #tpu.memory_space<hbm>> -> memref<40000xf32, #tpu.memory_space<hbm>>
        tpu.enqueue_dma source(%arg24 : memref<40000xf32, #tpu.memory_space<vmem_shared>>) target(%dma_start3A_45 : memref<40000xf32, #tpu.memory_space<hbm>>) target_semaphore(%run_scoped3A_43 : memref<!tpu.dma_semaphore, #tpu.memory_space<semaphore_mem>>)
        %dma_wait3A = arith.constant 0 : i32
        %dma_wait3A_46 = tpu.memref_slice %arg13[%run_scoped3A, %dma_wait3A] : memref<1x40000xf32, #tpu.memory_space<hbm>> -> memref<1x40000xf32, #tpu.memory_space<hbm>>
        %dma_wait3A_47 = tpu.memref_squeeze %dma_wait3A_46 : memref<1x40000xf32, #tpu.memory_space<hbm>> -> memref<40000xf32, #tpu.memory_space<hbm>>
        tpu.wait_dma2 semaphore(%run_scoped3A_43 : memref<!tpu.dma_semaphore, #tpu.memory_space<semaphore_mem>>) src(%arg24 : memref<40000xf32, #tpu.memory_space<vmem_shared>>) dst(%dma_wait3A_47 : memref<40000xf32, #tpu.memory_space<hbm>>)
        tpu.yield
      }) : () -> ()
    } else {
    }
    return
  }
}

#map = affine_map<(d0, d1) -> (0, 0)>
#map1 = affine_map<(d0, d1) -> (0)>
module attributes {stable_mosaic.version = 14 : i64} {
  func.func @_sc_gather(%arg0: i32, %arg1: i32, %arg2: memref<10000x128xf32, #tpu.memory_space<hbm>>, %arg3: memref<10000x128xf32, #tpu.memory_space<hbm>>, %arg4: memref<40000xf32, #tpu.memory_space<hbm>>, %arg5: memref<320000xi32, #tpu.memory_space<hbm>>, %arg6: memref<320000xi32, #tpu.memory_space<hbm>>, %arg7: memref<320000x128xf32, #tpu.memory_space<hbm>>, %arg8: memref<320000x128xf32, #tpu.memory_space<hbm>>, %arg9: memref<320000xf32, #tpu.memory_space<hbm>>, %arg10: memref<320000xf32, #tpu.memory_space<hbm>>, %arg11: memref<320000xf32, #tpu.memory_space<hbm>>, %arg12: memref<320000xf32, #tpu.memory_space<hbm>>, %arg13: memref<320000xf32, #tpu.memory_space<hbm>>, %arg14: memref<40000xf32, #tpu.memory_space<vmem>>, %arg15: memref<80xi32, #tpu.memory_space<vmem>>, %arg16: memref<80xi32, #tpu.memory_space<vmem>>, %arg17: memref<80x128xf32, #tpu.memory_space<vmem>>, %arg18: memref<80xf32, #tpu.memory_space<vmem>>, %arg19: memref<80xf32, #tpu.memory_space<vmem>>, %arg20: memref<80xf32, #tpu.memory_space<vmem>>, %arg21: memref<80xf32, #tpu.memory_space<vmem>>, %arg22: memref<80xf32, #tpu.memory_space<vmem>>, %arg23: memref<!tpu.dma_semaphore, #tpu.memory_space<semaphore_mem>>) attributes {dimension_semantics = [#tpu.dimension_semantics<core_parallel>, #tpu.dimension_semantics<subcore_parallel>], iteration_bounds = array<i64: 2, 16>, scalar_prefetch = 0 : i64, scratch_operands = 10 : i64, tpu.core_type = #tpu.core_type<sc_vector_subcore>, window_params = [{transform_indices = #map}, {transform_indices = #map}, {transform_indices = #map1}, {transform_indices = #map1}, {transform_indices = #map1}, {transform_indices = #map}, {transform_indices = #map}, {transform_indices = #map1}, {transform_indices = #map1}, {transform_indices = #map1}, {transform_indices = #map1}, {transform_indices = #map1}]} {
    %mul3A = arith.constant 2 : i32
    %mul3A_0 = arith.muli %arg1, %mul3A : i32
    %add3A = arith.addi %mul3A_0, %arg0 : i32
    %mul3A_1 = arith.constant 10000 : i32
    %mul3A_2 = arith.muli %add3A, %mul3A_1 : i32
    "tpu.region"() ({
      %run_scoped3A = tpu.sem_alloc : memref<!tpu.dma_semaphore, #tpu.memory_space<semaphore_mem>>
      tpu.enqueue_dma source(%arg4 : memref<40000xf32, #tpu.memory_space<hbm>>) target(%arg14 : memref<40000xf32, #tpu.memory_space<vmem>>) target_semaphore(%run_scoped3A : memref<!tpu.dma_semaphore, #tpu.memory_space<semaphore_mem>>)
      tpu.wait_dma2 semaphore(%run_scoped3A : memref<!tpu.dma_semaphore, #tpu.memory_space<semaphore_mem>>) src(%arg4 : memref<40000xf32, #tpu.memory_space<hbm>>) dst(%arg14 : memref<40000xf32, #tpu.memory_space<vmem>>)
      tpu.yield
    }) : () -> ()
    %scan3A = arith.constant 0 : i32
    %scan3A_3 = arith.constant 0 : i32
    %scan3A_4 = arith.constant 125 : i32
    %scan3A_5 = arith.addi %scan3A_3, %scan3A_4 : i32
    %scan3A_6 = arith.constant 1 : i32
    %scan3A_7 = scf.for %scan3A_9 = %scan3A_3 to %scan3A_5 step %scan3A_6 iter_args(%scan3A_10 = %scan3A) -> (i32)  : i32 {
      %mul3A_11 = arith.constant 80 : i32
      %mul3A_12 = arith.muli %scan3A_9, %mul3A_11 : i32
      %add3A_13 = arith.addi %mul3A_2, %mul3A_12 : i32
      "tpu.region"() ({
        %run_scoped3A = tpu.sem_alloc : memref<!tpu.dma_semaphore, #tpu.memory_space<semaphore_mem>>
        %dma_start3A_32 = tpu.memref_slice %arg5[%add3A_13] : memref<320000xi32, #tpu.memory_space<hbm>> -> memref<80xi32, #tpu.memory_space<hbm>>
        %dma_start3A_33 = tpu.memref_slice %arg5[%add3A_13] : memref<320000xi32, #tpu.memory_space<hbm>> -> memref<80xi32, #tpu.memory_space<hbm>>
        tpu.enqueue_dma source(%dma_start3A_33 : memref<80xi32, #tpu.memory_space<hbm>>) target(%arg15 : memref<80xi32, #tpu.memory_space<vmem>>) target_semaphore(%run_scoped3A : memref<!tpu.dma_semaphore, #tpu.memory_space<semaphore_mem>>)
        %dma_wait3A_34 = tpu.memref_slice %arg5[%add3A_13] : memref<320000xi32, #tpu.memory_space<hbm>> -> memref<80xi32, #tpu.memory_space<hbm>>
        %dma_wait3A_35 = tpu.memref_slice %arg5[%add3A_13] : memref<320000xi32, #tpu.memory_space<hbm>> -> memref<80xi32, #tpu.memory_space<hbm>>
        tpu.wait_dma2 semaphore(%run_scoped3A : memref<!tpu.dma_semaphore, #tpu.memory_space<semaphore_mem>>) src(%dma_wait3A_35 : memref<80xi32, #tpu.memory_space<hbm>>) dst(%arg15 : memref<80xi32, #tpu.memory_space<vmem>>)
        tpu.yield
      }) : () -> ()
      "tpu.region"() ({
        %run_scoped3A = tpu.sem_alloc : memref<!tpu.dma_semaphore, #tpu.memory_space<semaphore_mem>>
        %dma_start3A_32 = tpu.memref_slice %arg6[%add3A_13] : memref<320000xi32, #tpu.memory_space<hbm>> -> memref<80xi32, #tpu.memory_space<hbm>>
        %dma_start3A_33 = tpu.memref_slice %arg6[%add3A_13] : memref<320000xi32, #tpu.memory_space<hbm>> -> memref<80xi32, #tpu.memory_space<hbm>>
        tpu.enqueue_dma source(%dma_start3A_33 : memref<80xi32, #tpu.memory_space<hbm>>) target(%arg16 : memref<80xi32, #tpu.memory_space<vmem>>) target_semaphore(%run_scoped3A : memref<!tpu.dma_semaphore, #tpu.memory_space<semaphore_mem>>)
        %dma_wait3A_34 = tpu.memref_slice %arg6[%add3A_13] : memref<320000xi32, #tpu.memory_space<hbm>> -> memref<80xi32, #tpu.memory_space<hbm>>
        %dma_wait3A_35 = tpu.memref_slice %arg6[%add3A_13] : memref<320000xi32, #tpu.memory_space<hbm>> -> memref<80xi32, #tpu.memory_space<hbm>>
        tpu.wait_dma2 semaphore(%run_scoped3A : memref<!tpu.dma_semaphore, #tpu.memory_space<semaphore_mem>>) src(%dma_wait3A_35 : memref<80xi32, #tpu.memory_space<hbm>>) dst(%arg16 : memref<80xi32, #tpu.memory_space<vmem>>)
        tpu.yield
      }) : () -> ()
      %dma_start3A = arith.constant 0 : i32
      %dma_start3A_14 = arith.constant 0 : i32
      %dma_start3A_15 = tpu.memref_slice %arg2[%dma_start3A, %dma_start3A_14] : memref<10000x128xf32, #tpu.memory_space<hbm>> -> memref<10000x128xf32, #tpu.memory_space<hbm>>
      tpu.enqueue_indirect_dma source(%dma_start3A_15 : memref<10000x128xf32, #tpu.memory_space<hbm>>) target(%arg17 : memref<80x128xf32, #tpu.memory_space<vmem>>) offsets(%arg15 : memref<80xi32, #tpu.memory_space<vmem>>) semaphore(%arg23 : memref<!tpu.dma_semaphore, #tpu.memory_space<semaphore_mem>>)
      %scan3A_16 = arith.constant 0 : i32
      %scan3A_17 = arith.constant 0 : i32
      %scan3A_18 = arith.constant 5 : i32
      %scan3A_19 = arith.addi %scan3A_17, %scan3A_18 : i32
      %scan3A_20 = arith.constant 1 : i32
      %scan3A_21 = scf.for %scan3A_32 = %scan3A_17 to %scan3A_19 step %scan3A_20 iter_args(%scan3A_33 = %scan3A_16) -> (i32)  : i32 {
        %mul3A_34 = arith.constant 16 : i32
        %mul3A_35 = arith.muli %scan3A_32, %mul3A_34 : i32
        %get3A = arith.index_cast %mul3A_35 : i32 to index
        %get3A_36 = tpu.vector_load %arg15[%get3A] {strides = array<i32>} : memref<80xi32, #tpu.memory_space<vmem>>, vector<16xi32>,
        %get3A_37 = arith.index_cast %mul3A_35 : i32 to index
        %get3A_38 = tpu.vector_load %arg16[%get3A_37] {strides = array<i32>} : memref<80xi32, #tpu.memory_space<vmem>>, vector<16xi32>,
        %gather3A = tpu.vector_load_idx %arg14[%get3A_36] : memref<40000xf32, #tpu.memory_space<vmem>>[vector<16xi32>], vector<16xf32>,
        %gather3A_39 = tpu.vector_load_idx %arg14[%get3A_38] : memref<40000xf32, #tpu.memory_space<vmem>>[vector<16xi32>], vector<16xf32>,
        %sub3A = arith.subf %gather3A, %gather3A_39 : vector<16xf32>
        %add3A_40 = arith.constant 10000 : i32
        %add3A_41 = vector.broadcast %add3A_40 : i32 to vector<16xi32>
        %add3A_42 = arith.addi %get3A_36, %add3A_41 : vector<16xi32>
        %gather3A_43 = tpu.vector_load_idx %arg14[%add3A_42] : memref<40000xf32, #tpu.memory_space<vmem>>[vector<16xi32>], vector<16xf32>,
        %add3A_44 = arith.constant 10000 : i32
        %add3A_45 = vector.broadcast %add3A_44 : i32 to vector<16xi32>
        %add3A_46 = arith.addi %get3A_38, %add3A_45 : vector<16xi32>
        %gather3A_47 = tpu.vector_load_idx %arg14[%add3A_46] : memref<40000xf32, #tpu.memory_space<vmem>>[vector<16xi32>], vector<16xf32>,
        %sub3A_48 = arith.subf %gather3A_43, %gather3A_47 : vector<16xf32>
        %add3A_49 = arith.constant 20000 : i32
        %add3A_50 = vector.broadcast %add3A_49 : i32 to vector<16xi32>
        %add3A_51 = arith.addi %get3A_36, %add3A_50 : vector<16xi32>
        %gather3A_52 = tpu.vector_load_idx %arg14[%add3A_51] : memref<40000xf32, #tpu.memory_space<vmem>>[vector<16xi32>], vector<16xf32>,
        %add3A_53 = arith.constant 20000 : i32
        %add3A_54 = vector.broadcast %add3A_53 : i32 to vector<16xi32>
        %add3A_55 = arith.addi %get3A_38, %add3A_54 : vector<16xi32>
        %gather3A_56 = tpu.vector_load_idx %arg14[%add3A_55] : memref<40000xf32, #tpu.memory_space<vmem>>[vector<16xi32>], vector<16xf32>,
        %sub3A_57 = arith.subf %gather3A_52, %gather3A_56 : vector<16xf32>
        %add3A_58 = arith.constant 30000 : i32
        %add3A_59 = vector.broadcast %add3A_58 : i32 to vector<16xi32>
        %add3A_60 = arith.addi %get3A_36, %add3A_59 : vector<16xi32>
        %gather3A_61 = tpu.vector_load_idx %arg14[%add3A_60] : memref<40000xf32, #tpu.memory_space<vmem>>[vector<16xi32>], vector<16xf32>,
        %add3A_62 = arith.constant 30000 : i32
        %add3A_63 = vector.broadcast %add3A_62 : i32 to vector<16xi32>
        %add3A_64 = arith.addi %get3A_38, %add3A_63 : vector<16xi32>
        %gather3A_65 = tpu.vector_load_idx %arg14[%add3A_64] : memref<40000xf32, #tpu.memory_space<vmem>>[vector<16xi32>], vector<16xf32>,
        %mul3A_66 = arith.mulf %gather3A_61, %gather3A_65 : vector<16xf32>
        %mul3A_67 = arith.mulf %sub3A, %sub3A : vector<16xf32>
        %mul3A_68 = arith.mulf %sub3A_48, %sub3A_48 : vector<16xf32>
        %add3A_69 = arith.addf %mul3A_67, %mul3A_68 : vector<16xf32>
        %mul3A_70 = arith.mulf %sub3A_57, %sub3A_57 : vector<16xf32>
        %add3A_71 = arith.addf %add3A_69, %mul3A_70 : vector<16xf32>
        %swap3A = arith.index_cast %mul3A_35 : i32 to index
        %swap3A_72 = tpu.vector_load %arg18[%swap3A] {strides = array<i32>} : memref<80xf32, #tpu.memory_space<vmem>>, vector<16xf32>,
        tpu.vector_store %arg18[%swap3A], %add3A_71 {strides = array<i32>} : memref<80xf32, #tpu.memory_space<vmem>>, vector<16xf32>,
        %swap3A_73 = arith.index_cast %mul3A_35 : i32 to index
        %swap3A_74 = tpu.vector_load %arg19[%swap3A_73] {strides = array<i32>} : memref<80xf32, #tpu.memory_space<vmem>>, vector<16xf32>,
        tpu.vector_store %arg19[%swap3A_73], %mul3A_66 {strides = array<i32>} : memref<80xf32, #tpu.memory_space<vmem>>, vector<16xf32>,
        %swap3A_75 = arith.index_cast %mul3A_35 : i32 to index
        %swap3A_76 = tpu.vector_load %arg20[%swap3A_75] {strides = array<i32>} : memref<80xf32, #tpu.memory_space<vmem>>, vector<16xf32>,
        tpu.vector_store %arg20[%swap3A_75], %sub3A {strides = array<i32>} : memref<80xf32, #tpu.memory_space<vmem>>, vector<16xf32>,
        %swap3A_77 = arith.index_cast %mul3A_35 : i32 to index
        %swap3A_78 = tpu.vector_load %arg21[%swap3A_77] {strides = array<i32>} : memref<80xf32, #tpu.memory_space<vmem>>, vector<16xf32>,
        tpu.vector_store %arg21[%swap3A_77], %sub3A_48 {strides = array<i32>} : memref<80xf32, #tpu.memory_space<vmem>>, vector<16xf32>,
        %swap3A_79 = arith.index_cast %mul3A_35 : i32 to index
        %swap3A_80 = tpu.vector_load %arg22[%swap3A_79] {strides = array<i32>} : memref<80xf32, #tpu.memory_space<vmem>>, vector<16xf32>,
        tpu.vector_store %arg22[%swap3A_79], %sub3A_57 {strides = array<i32>} : memref<80xf32, #tpu.memory_space<vmem>>, vector<16xf32>,
        %scan3A_81 = arith.constant 0 : i32
        scf.yield %scan3A_81 : i32
      }
      %scan3A_22 = arith.constant 5 : i32
      "tpu.region"() ({
        %run_scoped3A = tpu.sem_alloc : memref<!tpu.dma_semaphore, #tpu.memory_space<semaphore_mem>>
        %dma_start3A_32 = tpu.memref_slice %arg9[%add3A_13] : memref<320000xf32, #tpu.memory_space<hbm>> -> memref<80xf32, #tpu.memory_space<hbm>>
        %dma_start3A_33 = tpu.memref_slice %arg9[%add3A_13] : memref<320000xf32, #tpu.memory_space<hbm>> -> memref<80xf32, #tpu.memory_space<hbm>>
        tpu.enqueue_dma source(%arg18 : memref<80xf32, #tpu.memory_space<vmem>>) target(%dma_start3A_33 : memref<80xf32, #tpu.memory_space<hbm>>) target_semaphore(%run_scoped3A : memref<!tpu.dma_semaphore, #tpu.memory_space<semaphore_mem>>)
        %dma_wait3A_34 = tpu.memref_slice %arg9[%add3A_13] : memref<320000xf32, #tpu.memory_space<hbm>> -> memref<80xf32, #tpu.memory_space<hbm>>
        %dma_wait3A_35 = tpu.memref_slice %arg9[%add3A_13] : memref<320000xf32, #tpu.memory_space<hbm>> -> memref<80xf32, #tpu.memory_space<hbm>>
        tpu.wait_dma2 semaphore(%run_scoped3A : memref<!tpu.dma_semaphore, #tpu.memory_space<semaphore_mem>>) src(%arg18 : memref<80xf32, #tpu.memory_space<vmem>>) dst(%dma_wait3A_35 : memref<80xf32, #tpu.memory_space<hbm>>)
        tpu.yield
      }) : () -> ()
      "tpu.region"() ({
        %run_scoped3A = tpu.sem_alloc : memref<!tpu.dma_semaphore, #tpu.memory_space<semaphore_mem>>
        %dma_start3A_32 = tpu.memref_slice %arg10[%add3A_13] : memref<320000xf32, #tpu.memory_space<hbm>> -> memref<80xf32, #tpu.memory_space<hbm>>
        %dma_start3A_33 = tpu.memref_slice %arg10[%add3A_13] : memref<320000xf32, #tpu.memory_space<hbm>> -> memref<80xf32, #tpu.memory_space<hbm>>
        tpu.enqueue_dma source(%arg19 : memref<80xf32, #tpu.memory_space<vmem>>) target(%dma_start3A_33 : memref<80xf32, #tpu.memory_space<hbm>>) target_semaphore(%run_scoped3A : memref<!tpu.dma_semaphore, #tpu.memory_space<semaphore_mem>>)
        %dma_wait3A_34 = tpu.memref_slice %arg10[%add3A_13] : memref<320000xf32, #tpu.memory_space<hbm>> -> memref<80xf32, #tpu.memory_space<hbm>>
        %dma_wait3A_35 = tpu.memref_slice %arg10[%add3A_13] : memref<320000xf32, #tpu.memory_space<hbm>> -> memref<80xf32, #tpu.memory_space<hbm>>
        tpu.wait_dma2 semaphore(%run_scoped3A : memref<!tpu.dma_semaphore, #tpu.memory_space<semaphore_mem>>) src(%arg19 : memref<80xf32, #tpu.memory_space<vmem>>) dst(%dma_wait3A_35 : memref<80xf32, #tpu.memory_space<hbm>>)
        tpu.yield
      }) : () -> ()
      "tpu.region"() ({
        %run_scoped3A = tpu.sem_alloc : memref<!tpu.dma_semaphore, #tpu.memory_space<semaphore_mem>>
        %dma_start3A_32 = tpu.memref_slice %arg11[%add3A_13] : memref<320000xf32, #tpu.memory_space<hbm>> -> memref<80xf32, #tpu.memory_space<hbm>>
        %dma_start3A_33 = tpu.memref_slice %arg11[%add3A_13] : memref<320000xf32, #tpu.memory_space<hbm>> -> memref<80xf32, #tpu.memory_space<hbm>>
        tpu.enqueue_dma source(%arg20 : memref<80xf32, #tpu.memory_space<vmem>>) target(%dma_start3A_33 : memref<80xf32, #tpu.memory_space<hbm>>) target_semaphore(%run_scoped3A : memref<!tpu.dma_semaphore, #tpu.memory_space<semaphore_mem>>)
        %dma_wait3A_34 = tpu.memref_slice %arg11[%add3A_13] : memref<320000xf32, #tpu.memory_space<hbm>> -> memref<80xf32, #tpu.memory_space<hbm>>
        %dma_wait3A_35 = tpu.memref_slice %arg11[%add3A_13] : memref<320000xf32, #tpu.memory_space<hbm>> -> memref<80xf32, #tpu.memory_space<hbm>>
        tpu.wait_dma2 semaphore(%run_scoped3A : memref<!tpu.dma_semaphore, #tpu.memory_space<semaphore_mem>>) src(%arg20 : memref<80xf32, #tpu.memory_space<vmem>>) dst(%dma_wait3A_35 : memref<80xf32, #tpu.memory_space<hbm>>)
        tpu.yield
      }) : () -> ()
      "tpu.region"() ({
        %run_scoped3A = tpu.sem_alloc : memref<!tpu.dma_semaphore, #tpu.memory_space<semaphore_mem>>
        %dma_start3A_32 = tpu.memref_slice %arg12[%add3A_13] : memref<320000xf32, #tpu.memory_space<hbm>> -> memref<80xf32, #tpu.memory_space<hbm>>
        %dma_start3A_33 = tpu.memref_slice %arg12[%add3A_13] : memref<320000xf32, #tpu.memory_space<hbm>> -> memref<80xf32, #tpu.memory_space<hbm>>
        tpu.enqueue_dma source(%arg21 : memref<80xf32, #tpu.memory_space<vmem>>) target(%dma_start3A_33 : memref<80xf32, #tpu.memory_space<hbm>>) target_semaphore(%run_scoped3A : memref<!tpu.dma_semaphore, #tpu.memory_space<semaphore_mem>>)
        %dma_wait3A_34 = tpu.memref_slice %arg12[%add3A_13] : memref<320000xf32, #tpu.memory_space<hbm>> -> memref<80xf32, #tpu.memory_space<hbm>>
        %dma_wait3A_35 = tpu.memref_slice %arg12[%add3A_13] : memref<320000xf32, #tpu.memory_space<hbm>> -> memref<80xf32, #tpu.memory_space<hbm>>
        tpu.wait_dma2 semaphore(%run_scoped3A : memref<!tpu.dma_semaphore, #tpu.memory_space<semaphore_mem>>) src(%arg21 : memref<80xf32, #tpu.memory_space<vmem>>) dst(%dma_wait3A_35 : memref<80xf32, #tpu.memory_space<hbm>>)
        tpu.yield
      }) : () -> ()
      "tpu.region"() ({
        %run_scoped3A = tpu.sem_alloc : memref<!tpu.dma_semaphore, #tpu.memory_space<semaphore_mem>>
        %dma_start3A_32 = tpu.memref_slice %arg13[%add3A_13] : memref<320000xf32, #tpu.memory_space<hbm>> -> memref<80xf32, #tpu.memory_space<hbm>>
        %dma_start3A_33 = tpu.memref_slice %arg13[%add3A_13] : memref<320000xf32, #tpu.memory_space<hbm>> -> memref<80xf32, #tpu.memory_space<hbm>>
        tpu.enqueue_dma source(%arg22 : memref<80xf32, #tpu.memory_space<vmem>>) target(%dma_start3A_33 : memref<80xf32, #tpu.memory_space<hbm>>) target_semaphore(%run_scoped3A : memref<!tpu.dma_semaphore, #tpu.memory_space<semaphore_mem>>)
        %dma_wait3A_34 = tpu.memref_slice %arg13[%add3A_13] : memref<320000xf32, #tpu.memory_space<hbm>> -> memref<80xf32, #tpu.memory_space<hbm>>
        %dma_wait3A_35 = tpu.memref_slice %arg13[%add3A_13] : memref<320000xf32, #tpu.memory_space<hbm>> -> memref<80xf32, #tpu.memory_space<hbm>>
        tpu.wait_dma2 semaphore(%run_scoped3A : memref<!tpu.dma_semaphore, #tpu.memory_space<semaphore_mem>>) src(%arg22 : memref<80xf32, #tpu.memory_space<vmem>>) dst(%dma_wait3A_35 : memref<80xf32, #tpu.memory_space<hbm>>)
        tpu.yield
      }) : () -> ()
      %dma_wait3A = arith.constant 0 : i32
      %dma_wait3A_23 = arith.constant 0 : i32
      %dma_wait3A_24 = tpu.memref_slice %arg2[%dma_wait3A, %dma_wait3A_23] : memref<10000x128xf32, #tpu.memory_space<hbm>> -> memref<10000x128xf32, #tpu.memory_space<hbm>>
      tpu.wait_indirect_dma semaphore(%arg23 : memref<!tpu.dma_semaphore, #tpu.memory_space<semaphore_mem>>) src(%dma_wait3A_24 : memref<10000x128xf32, #tpu.memory_space<hbm>>) dst(%arg17 : memref<80x128xf32, #tpu.memory_space<vmem>>)
      "tpu.region"() ({
        %run_scoped3A = tpu.sem_alloc : memref<!tpu.dma_semaphore, #tpu.memory_space<semaphore_mem>>
        %dma_start3A_32 = arith.constant 0 : i32
        %dma_start3A_33 = tpu.memref_slice %arg7[%add3A_13, %dma_start3A_32] : memref<320000x128xf32, #tpu.memory_space<hbm>> -> memref<80x128xf32, #tpu.memory_space<hbm>>
        %dma_start3A_34 = arith.constant 0 : i32
        %dma_start3A_35 = tpu.memref_slice %arg7[%add3A_13, %dma_start3A_34] : memref<320000x128xf32, #tpu.memory_space<hbm>> -> memref<80x128xf32, #tpu.memory_space<hbm>>
        tpu.enqueue_dma source(%arg17 : memref<80x128xf32, #tpu.memory_space<vmem>>) target(%dma_start3A_35 : memref<80x128xf32, #tpu.memory_space<hbm>>) target_semaphore(%run_scoped3A : memref<!tpu.dma_semaphore, #tpu.memory_space<semaphore_mem>>)
        %dma_wait3A_36 = arith.constant 0 : i32
        %dma_wait3A_37 = tpu.memref_slice %arg7[%add3A_13, %dma_wait3A_36] : memref<320000x128xf32, #tpu.memory_space<hbm>> -> memref<80x128xf32, #tpu.memory_space<hbm>>
        %dma_wait3A_38 = arith.constant 0 : i32
        %dma_wait3A_39 = tpu.memref_slice %arg7[%add3A_13, %dma_wait3A_38] : memref<320000x128xf32, #tpu.memory_space<hbm>> -> memref<80x128xf32, #tpu.memory_space<hbm>>
        tpu.wait_dma2 semaphore(%run_scoped3A : memref<!tpu.dma_semaphore, #tpu.memory_space<semaphore_mem>>) src(%arg17 : memref<80x128xf32, #tpu.memory_space<vmem>>) dst(%dma_wait3A_39 : memref<80x128xf32, #tpu.memory_space<hbm>>)
        tpu.yield
      }) : () -> ()
      %dma_start3A_25 = arith.constant 0 : i32
      %dma_start3A_26 = arith.constant 0 : i32
      %dma_start3A_27 = tpu.memref_slice %arg3[%dma_start3A_25, %dma_start3A_26] : memref<10000x128xf32, #tpu.memory_space<hbm>> -> memref<10000x128xf32, #tpu.memory_space<hbm>>
      tpu.enqueue_indirect_dma source(%dma_start3A_27 : memref<10000x128xf32, #tpu.memory_space<hbm>>) target(%arg17 : memref<80x128xf32, #tpu.memory_space<vmem>>) offsets(%arg16 : memref<80xi32, #tpu.memory_space<vmem>>) semaphore(%arg23 : memref<!tpu.dma_semaphore, #tpu.memory_space<semaphore_mem>>)
      %dma_wait3A_28 = arith.constant 0 : i32
      %dma_wait3A_29 = arith.constant 0 : i32
      %dma_wait3A_30 = tpu.memref_slice %arg3[%dma_wait3A_28, %dma_wait3A_29] : memref<10000x128xf32, #tpu.memory_space<hbm>> -> memref<10000x128xf32, #tpu.memory_space<hbm>>
      tpu.wait_indirect_dma semaphore(%arg23 : memref<!tpu.dma_semaphore, #tpu.memory_space<semaphore_mem>>) src(%dma_wait3A_30 : memref<10000x128xf32, #tpu.memory_space<hbm>>) dst(%arg17 : memref<80x128xf32, #tpu.memory_space<vmem>>)
      "tpu.region"() ({
        %run_scoped3A = tpu.sem_alloc : memref<!tpu.dma_semaphore, #tpu.memory_space<semaphore_mem>>
        %dma_start3A_32 = arith.constant 0 : i32
        %dma_start3A_33 = tpu.memref_slice %arg8[%add3A_13, %dma_start3A_32] : memref<320000x128xf32, #tpu.memory_space<hbm>> -> memref<80x128xf32, #tpu.memory_space<hbm>>
        %dma_start3A_34 = arith.constant 0 : i32
        %dma_start3A_35 = tpu.memref_slice %arg8[%add3A_13, %dma_start3A_34] : memref<320000x128xf32, #tpu.memory_space<hbm>> -> memref<80x128xf32, #tpu.memory_space<hbm>>
        tpu.enqueue_dma source(%arg17 : memref<80x128xf32, #tpu.memory_space<vmem>>) target(%dma_start3A_35 : memref<80x128xf32, #tpu.memory_space<hbm>>) target_semaphore(%run_scoped3A : memref<!tpu.dma_semaphore, #tpu.memory_space<semaphore_mem>>)
        %dma_wait3A_36 = arith.constant 0 : i32
        %dma_wait3A_37 = tpu.memref_slice %arg8[%add3A_13, %dma_wait3A_36] : memref<320000x128xf32, #tpu.memory_space<hbm>> -> memref<80x128xf32, #tpu.memory_space<hbm>>
        %dma_wait3A_38 = arith.constant 0 : i32
        %dma_wait3A_39 = tpu.memref_slice %arg8[%add3A_13, %dma_wait3A_38] : memref<320000x128xf32, #tpu.memory_space<hbm>> -> memref<80x128xf32, #tpu.memory_space<hbm>>
        tpu.wait_dma2 semaphore(%run_scoped3A : memref<!tpu.dma_semaphore, #tpu.memory_space<semaphore_mem>>) src(%arg17 : memref<80x128xf32, #tpu.memory_space<vmem>>) dst(%dma_wait3A_39 : memref<80x128xf32, #tpu.memory_space<hbm>>)
        tpu.yield
      }) : () -> ()
      %scan3A_31 = arith.constant 0 : i32
      scf.yield %scan3A_31 : i32
    }
    %scan3A_8 = arith.constant 125 : i32
    return
  }
}

#map = affine_map<(d0, d1) -> (0, 0)>
#map1 = affine_map<(d0, d1) -> (0)>
#map2 = affine_map<(d0, d1) -> (0, 0, 0)>
module attributes {stable_mosaic.version = 14 : i64} {
  func.func @_sc_scatter(%arg0: i32, %arg1: i32, %arg2: memref<320000x128xf32, #tpu.memory_space<hbm>>, %arg3: memref<320000xi32, #tpu.memory_space<hbm>>, %arg4: memref<320000xf32, #tpu.memory_space<hbm>>, %arg5: memref<320000xf32, #tpu.memory_space<hbm>>, %arg6: memref<320000xf32, #tpu.memory_space<hbm>>, %arg7: memref<320000xf32, #tpu.memory_space<hbm>>, %arg8: memref<320000xf32, #tpu.memory_space<hbm>>, %arg9: memref<10000x128xf32, #tpu.memory_space<hbm>>, %arg10: memref<40000xf32, #tpu.memory_space<hbm>>, %arg11: memref<40000xi32, #tpu.memory_space<hbm>>, %arg12: memref<2x5008x128xf32, #tpu.memory_space<hbm>>, %arg13: memref<1x40000xf32, #tpu.memory_space<hbm>>, %arg14: memref<80xi32, #tpu.memory_space<vmem>>, %arg15: memref<80xi32, #tpu.memory_space<vmem>>, %arg16: memref<80x128xf32, #tpu.memory_space<vmem>>, %arg17: memref<80xf32, #tpu.memory_space<vmem>>, %arg18: memref<80xf32, #tpu.memory_space<vmem>>, %arg19: memref<80xf32, #tpu.memory_space<vmem>>, %arg20: memref<80xf32, #tpu.memory_space<vmem>>, %arg21: memref<80xf32, #tpu.memory_space<vmem>>, %arg22: memref<40000xf32, #tpu.memory_space<vmem>>, %arg23: memref<5008x128xf32, #tpu.memory_space<vmem_shared>>, %arg24: memref<40000xf32, #tpu.memory_space<vmem_shared>>, %arg25: memref<!tpu.dma_semaphore, #tpu.memory_space<semaphore_mem>>) attributes {dimension_semantics = [#tpu.dimension_semantics<core_parallel>, #tpu.dimension_semantics<subcore_parallel>], iteration_bounds = array<i64: 2, 16>, scalar_prefetch = 0 : i64, scratch_operands = 12 : i64, tpu.core_type = #tpu.core_type<sc_vector_subcore>, window_params = [{transform_indices = #map}, {transform_indices = #map1}, {transform_indices = #map1}, {transform_indices = #map1}, {transform_indices = #map1}, {transform_indices = #map1}, {transform_indices = #map1}, {transform_indices = #map}, {transform_indices = #map1}, {transform_indices = #map1}, {transform_indices = #map2}, {transform_indices = #map}]} {
    %scan3A = arith.constant 0 : i32
    %scan3A_0 = arith.constant 0 : i32
    %scan3A_1 = arith.constant 2 : i32
    %scan3A_2 = arith.addi %scan3A_0, %scan3A_1 : i32
    %scan3A_3 = arith.constant 1 : i32
    %scan3A_4 = scf.for %scan3A_43 = %scan3A_0 to %scan3A_2 step %scan3A_3 iter_args(%scan3A_44 = %scan3A) -> (i32)  : i32 {
      %mul3A_45 = arith.constant 16 : i32
      %mul3A_46 = arith.muli %scan3A_43, %mul3A_45 : i32
      %add3A = arith.addi %arg1, %mul3A_46 : i32
      %lt3A = arith.constant 25 : i32
      %lt3A_47 = arith.cmpi slt, %add3A, %lt3A : i32
      %convert_element_type3A_48 = arith.extui %lt3A_47 : i1 to i32
      %cond3A_49 = arith.constant 0 : i32
      %cond3A_50 = arith.cmpi ne, %convert_element_type3A_48, %cond3A_49 : i32
      scf.if %cond3A_50 {
        %mul3A_52 = arith.constant 200 : i32
        %mul3A_53 = arith.muli %add3A, %mul3A_52 : i32
        %mul3A_54 = arith.constant 200 : i32
        %mul3A_55 = arith.muli %add3A, %mul3A_54 : i32
        "tpu.region"() ({
          %run_scoped3A = tpu.sem_alloc : memref<!tpu.dma_semaphore, #tpu.memory_space<semaphore_mem>>
          %dma_start3A = arith.constant 0 : i32
          %dma_start3A_56 = tpu.memref_slice %arg23[%mul3A_55, %dma_start3A] : memref<5008x128xf32, #tpu.memory_space<vmem_shared>> -> memref<200x128xf32, #tpu.memory_space<vmem_shared>>
          %dma_start3A_57 = arith.constant 0 : i32
          %dma_start3A_58 = tpu.memref_slice %arg9[%mul3A_53, %dma_start3A_57] : memref<10000x128xf32, #tpu.memory_space<hbm>> -> memref<200x128xf32, #tpu.memory_space<hbm>>
          tpu.enqueue_dma source(%dma_start3A_58 : memref<200x128xf32, #tpu.memory_space<hbm>>) target(%dma_start3A_56 : memref<200x128xf32, #tpu.memory_space<vmem_shared>>) target_semaphore(%run_scoped3A : memref<!tpu.dma_semaphore, #tpu.memory_space<semaphore_mem>>)
          %dma_wait3A = arith.constant 0 : i32
          %dma_wait3A_59 = tpu.memref_slice %arg23[%mul3A_55, %dma_wait3A] : memref<5008x128xf32, #tpu.memory_space<vmem_shared>> -> memref<200x128xf32, #tpu.memory_space<vmem_shared>>
          %dma_wait3A_60 = arith.constant 0 : i32
          %dma_wait3A_61 = tpu.memref_slice %arg9[%mul3A_53, %dma_wait3A_60] : memref<10000x128xf32, #tpu.memory_space<hbm>> -> memref<200x128xf32, #tpu.memory_space<hbm>>
          tpu.wait_dma2 semaphore(%run_scoped3A : memref<!tpu.dma_semaphore, #tpu.memory_space<semaphore_mem>>) src(%dma_wait3A_61 : memref<200x128xf32, #tpu.memory_space<hbm>>) dst(%dma_wait3A_59 : memref<200x128xf32, #tpu.memory_space<vmem_shared>>)
          tpu.yield
        }) : () -> ()
      } else {
      }
      %scan3A_51 = arith.constant 0 : i32
      scf.yield %scan3A_51 : i32
    }
    %scan3A_5 = arith.constant 2 : i32
    %eq3A = arith.constant 1 : i32
    %eq3A_6 = arith.cmpi eq, %arg1, %eq3A : i32
    %convert_element_type3A = arith.extui %eq3A_6 : i1 to i32
    %cond3A = arith.constant 0 : i32
    %cond3A_7 = arith.cmpi ne, %convert_element_type3A, %cond3A : i32
    scf.if %cond3A_7 {
      "tpu.region"() ({
        %run_scoped3A = tpu.sem_alloc : memref<!tpu.dma_semaphore, #tpu.memory_space<semaphore_mem>>
        tpu.enqueue_dma source(%arg10 : memref<40000xf32, #tpu.memory_space<hbm>>) target(%arg24 : memref<40000xf32, #tpu.memory_space<vmem_shared>>) target_semaphore(%run_scoped3A : memref<!tpu.dma_semaphore, #tpu.memory_space<semaphore_mem>>)
        tpu.wait_dma2 semaphore(%run_scoped3A : memref<!tpu.dma_semaphore, #tpu.memory_space<semaphore_mem>>) src(%arg10 : memref<40000xf32, #tpu.memory_space<hbm>>) dst(%arg24 : memref<40000xf32, #tpu.memory_space<vmem_shared>>)
        tpu.yield
      }) : () -> ()
    } else {
    }
    %eq3A_8 = arith.constant 0 : i32
    %eq3A_9 = arith.cmpi eq, %arg0, %eq3A_8 : i32
    %convert_element_type3A_10 = arith.extui %eq3A_9 : i1 to i32
    %cond3A_11 = arith.constant 0 : i32
    %cond3A_12 = arith.cmpi ne, %convert_element_type3A_10, %cond3A_11 : i32
    scf.if %cond3A_12 {
      "tpu.region"() ({
        %run_scoped3A = tpu.sem_alloc : memref<!tpu.dma_semaphore, #tpu.memory_space<semaphore_mem>>
        tpu.enqueue_dma source(%arg10 : memref<40000xf32, #tpu.memory_space<hbm>>) target(%arg22 : memref<40000xf32, #tpu.memory_space<vmem>>) target_semaphore(%run_scoped3A : memref<!tpu.dma_semaphore, #tpu.memory_space<semaphore_mem>>)
        tpu.wait_dma2 semaphore(%run_scoped3A : memref<!tpu.dma_semaphore, #tpu.memory_space<semaphore_mem>>) src(%arg10 : memref<40000xf32, #tpu.memory_space<hbm>>) dst(%arg22 : memref<40000xf32, #tpu.memory_space<vmem>>)
        tpu.yield
      }) : () -> ()
    } else {
    }
    %barrier3A = arith.constant 0 : index
    tpu.barrier barrier_id(%barrier3A)
    %mul3A = arith.constant 20000 : i32
    %mul3A_13 = arith.muli %arg1, %mul3A : i32
    %mul3A_14 = arith.constant 5000 : i32
    %mul3A_15 = arith.muli %arg0, %mul3A_14 : i32
    %scan3A_16 = arith.constant 0 : i32
    %scan3A_17 = arith.constant 0 : i32
    %scan3A_18 = arith.constant 250 : i32
    %scan3A_19 = arith.addi %scan3A_17, %scan3A_18 : i32
    %scan3A_20 = arith.constant 1 : i32
    %scan3A_21 = scf.for %scan3A_43 = %scan3A_17 to %scan3A_19 step %scan3A_20 iter_args(%scan3A_44 = %scan3A_16) -> (i32)  : i32 {
      %mul3A_45 = arith.constant 80 : i32
      %mul3A_46 = arith.muli %scan3A_43, %mul3A_45 : i32
      %add3A = arith.addi %mul3A_13, %mul3A_46 : i32
      "tpu.region"() ({
        %run_scoped3A = tpu.sem_alloc : memref<!tpu.dma_semaphore, #tpu.memory_space<semaphore_mem>>
        %dma_start3A_61 = tpu.memref_slice %arg3[%add3A] : memref<320000xi32, #tpu.memory_space<hbm>> -> memref<80xi32, #tpu.memory_space<hbm>>
        %dma_start3A_62 = tpu.memref_slice %arg3[%add3A] : memref<320000xi32, #tpu.memory_space<hbm>> -> memref<80xi32, #tpu.memory_space<hbm>>
        tpu.enqueue_dma source(%dma_start3A_62 : memref<80xi32, #tpu.memory_space<hbm>>) target(%arg14 : memref<80xi32, #tpu.memory_space<vmem>>) target_semaphore(%run_scoped3A : memref<!tpu.dma_semaphore, #tpu.memory_space<semaphore_mem>>)
        %dma_wait3A_63 = tpu.memref_slice %arg3[%add3A] : memref<320000xi32, #tpu.memory_space<hbm>> -> memref<80xi32, #tpu.memory_space<hbm>>
        %dma_wait3A_64 = tpu.memref_slice %arg3[%add3A] : memref<320000xi32, #tpu.memory_space<hbm>> -> memref<80xi32, #tpu.memory_space<hbm>>
        tpu.wait_dma2 semaphore(%run_scoped3A : memref<!tpu.dma_semaphore, #tpu.memory_space<semaphore_mem>>) src(%dma_wait3A_64 : memref<80xi32, #tpu.memory_space<hbm>>) dst(%arg14 : memref<80xi32, #tpu.memory_space<vmem>>)
        tpu.yield
      }) : () -> ()
      %dma_start3A = arith.constant 0 : i32
      %dma_start3A_47 = tpu.memref_slice %arg2[%add3A, %dma_start3A] : memref<320000x128xf32, #tpu.memory_space<hbm>> -> memref<80x128xf32, #tpu.memory_space<hbm>>
      %dma_start3A_48 = arith.constant 0 : i32
      %dma_start3A_49 = tpu.memref_slice %arg2[%add3A, %dma_start3A_48] : memref<320000x128xf32, #tpu.memory_space<hbm>> -> memref<80x128xf32, #tpu.memory_space<hbm>>
      tpu.enqueue_dma source(%dma_start3A_49 : memref<80x128xf32, #tpu.memory_space<hbm>>) target(%arg16 : memref<80x128xf32, #tpu.memory_space<vmem>>) target_semaphore(%arg25 : memref<!tpu.dma_semaphore, #tpu.memory_space<semaphore_mem>>)
      "tpu.region"() ({
        %run_scoped3A = tpu.sem_alloc : memref<!tpu.dma_semaphore, #tpu.memory_space<semaphore_mem>>
        %dma_start3A_61 = tpu.memref_slice %arg4[%add3A] : memref<320000xf32, #tpu.memory_space<hbm>> -> memref<80xf32, #tpu.memory_space<hbm>>
        %dma_start3A_62 = tpu.memref_slice %arg4[%add3A] : memref<320000xf32, #tpu.memory_space<hbm>> -> memref<80xf32, #tpu.memory_space<hbm>>
        tpu.enqueue_dma source(%dma_start3A_62 : memref<80xf32, #tpu.memory_space<hbm>>) target(%arg17 : memref<80xf32, #tpu.memory_space<vmem>>) target_semaphore(%run_scoped3A : memref<!tpu.dma_semaphore, #tpu.memory_space<semaphore_mem>>)
        %dma_wait3A_63 = tpu.memref_slice %arg4[%add3A] : memref<320000xf32, #tpu.memory_space<hbm>> -> memref<80xf32, #tpu.memory_space<hbm>>
        %dma_wait3A_64 = tpu.memref_slice %arg4[%add3A] : memref<320000xf32, #tpu.memory_space<hbm>> -> memref<80xf32, #tpu.memory_space<hbm>>
        tpu.wait_dma2 semaphore(%run_scoped3A : memref<!tpu.dma_semaphore, #tpu.memory_space<semaphore_mem>>) src(%dma_wait3A_64 : memref<80xf32, #tpu.memory_space<hbm>>) dst(%arg17 : memref<80xf32, #tpu.memory_space<vmem>>)
        tpu.yield
      }) : () -> ()
      "tpu.region"() ({
        %run_scoped3A = tpu.sem_alloc : memref<!tpu.dma_semaphore, #tpu.memory_space<semaphore_mem>>
        %dma_start3A_61 = tpu.memref_slice %arg5[%add3A] : memref<320000xf32, #tpu.memory_space<hbm>> -> memref<80xf32, #tpu.memory_space<hbm>>
        %dma_start3A_62 = tpu.memref_slice %arg5[%add3A] : memref<320000xf32, #tpu.memory_space<hbm>> -> memref<80xf32, #tpu.memory_space<hbm>>
        tpu.enqueue_dma source(%dma_start3A_62 : memref<80xf32, #tpu.memory_space<hbm>>) target(%arg18 : memref<80xf32, #tpu.memory_space<vmem>>) target_semaphore(%run_scoped3A : memref<!tpu.dma_semaphore, #tpu.memory_space<semaphore_mem>>)
        %dma_wait3A_63 = tpu.memref_slice %arg5[%add3A] : memref<320000xf32, #tpu.memory_space<hbm>> -> memref<80xf32, #tpu.memory_space<hbm>>
        %dma_wait3A_64 = tpu.memref_slice %arg5[%add3A] : memref<320000xf32, #tpu.memory_space<hbm>> -> memref<80xf32, #tpu.memory_space<hbm>>
        tpu.wait_dma2 semaphore(%run_scoped3A : memref<!tpu.dma_semaphore, #tpu.memory_space<semaphore_mem>>) src(%dma_wait3A_64 : memref<80xf32, #tpu.memory_space<hbm>>) dst(%arg18 : memref<80xf32, #tpu.memory_space<vmem>>)
        tpu.yield
      }) : () -> ()
      "tpu.region"() ({
        %run_scoped3A = tpu.sem_alloc : memref<!tpu.dma_semaphore, #tpu.memory_space<semaphore_mem>>
        %dma_start3A_61 = tpu.memref_slice %arg6[%add3A] : memref<320000xf32, #tpu.memory_space<hbm>> -> memref<80xf32, #tpu.memory_space<hbm>>
        %dma_start3A_62 = tpu.memref_slice %arg6[%add3A] : memref<320000xf32, #tpu.memory_space<hbm>> -> memref<80xf32, #tpu.memory_space<hbm>>
        tpu.enqueue_dma source(%dma_start3A_62 : memref<80xf32, #tpu.memory_space<hbm>>) target(%arg19 : memref<80xf32, #tpu.memory_space<vmem>>) target_semaphore(%run_scoped3A : memref<!tpu.dma_semaphore, #tpu.memory_space<semaphore_mem>>)
        %dma_wait3A_63 = tpu.memref_slice %arg6[%add3A] : memref<320000xf32, #tpu.memory_space<hbm>> -> memref<80xf32, #tpu.memory_space<hbm>>
        %dma_wait3A_64 = tpu.memref_slice %arg6[%add3A] : memref<320000xf32, #tpu.memory_space<hbm>> -> memref<80xf32, #tpu.memory_space<hbm>>
        tpu.wait_dma2 semaphore(%run_scoped3A : memref<!tpu.dma_semaphore, #tpu.memory_space<semaphore_mem>>) src(%dma_wait3A_64 : memref<80xf32, #tpu.memory_space<hbm>>) dst(%arg19 : memref<80xf32, #tpu.memory_space<vmem>>)
        tpu.yield
      }) : () -> ()
      "tpu.region"() ({
        %run_scoped3A = tpu.sem_alloc : memref<!tpu.dma_semaphore, #tpu.memory_space<semaphore_mem>>
        %dma_start3A_61 = tpu.memref_slice %arg7[%add3A] : memref<320000xf32, #tpu.memory_space<hbm>> -> memref<80xf32, #tpu.memory_space<hbm>>
        %dma_start3A_62 = tpu.memref_slice %arg7[%add3A] : memref<320000xf32, #tpu.memory_space<hbm>> -> memref<80xf32, #tpu.memory_space<hbm>>
        tpu.enqueue_dma source(%dma_start3A_62 : memref<80xf32, #tpu.memory_space<hbm>>) target(%arg20 : memref<80xf32, #tpu.memory_space<vmem>>) target_semaphore(%run_scoped3A : memref<!tpu.dma_semaphore, #tpu.memory_space<semaphore_mem>>)
        %dma_wait3A_63 = tpu.memref_slice %arg7[%add3A] : memref<320000xf32, #tpu.memory_space<hbm>> -> memref<80xf32, #tpu.memory_space<hbm>>
        %dma_wait3A_64 = tpu.memref_slice %arg7[%add3A] : memref<320000xf32, #tpu.memory_space<hbm>> -> memref<80xf32, #tpu.memory_space<hbm>>
        tpu.wait_dma2 semaphore(%run_scoped3A : memref<!tpu.dma_semaphore, #tpu.memory_space<semaphore_mem>>) src(%dma_wait3A_64 : memref<80xf32, #tpu.memory_space<hbm>>) dst(%arg20 : memref<80xf32, #tpu.memory_space<vmem>>)
        tpu.yield
      }) : () -> ()
      "tpu.region"() ({
        %run_scoped3A = tpu.sem_alloc : memref<!tpu.dma_semaphore, #tpu.memory_space<semaphore_mem>>
        %dma_start3A_61 = tpu.memref_slice %arg8[%add3A] : memref<320000xf32, #tpu.memory_space<hbm>> -> memref<80xf32, #tpu.memory_space<hbm>>
        %dma_start3A_62 = tpu.memref_slice %arg8[%add3A] : memref<320000xf32, #tpu.memory_space<hbm>> -> memref<80xf32, #tpu.memory_space<hbm>>
        tpu.enqueue_dma source(%dma_start3A_62 : memref<80xf32, #tpu.memory_space<hbm>>) target(%arg21 : memref<80xf32, #tpu.memory_space<vmem>>) target_semaphore(%run_scoped3A : memref<!tpu.dma_semaphore, #tpu.memory_space<semaphore_mem>>)
        %dma_wait3A_63 = tpu.memref_slice %arg8[%add3A] : memref<320000xf32, #tpu.memory_space<hbm>> -> memref<80xf32, #tpu.memory_space<hbm>>
        %dma_wait3A_64 = tpu.memref_slice %arg8[%add3A] : memref<320000xf32, #tpu.memory_space<hbm>> -> memref<80xf32, #tpu.memory_space<hbm>>
        tpu.wait_dma2 semaphore(%run_scoped3A : memref<!tpu.dma_semaphore, #tpu.memory_space<semaphore_mem>>) src(%dma_wait3A_64 : memref<80xf32, #tpu.memory_space<hbm>>) dst(%arg21 : memref<80xf32, #tpu.memory_space<vmem>>)
        tpu.yield
      }) : () -> ()
      %scan3A_50 = arith.constant 0 : i32
      %scan3A_51 = arith.constant 0 : i32
      %scan3A_52 = arith.constant 5 : i32
      %scan3A_53 = arith.addi %scan3A_51, %scan3A_52 : i32
      %scan3A_54 = arith.constant 1 : i32
      %scan3A_55 = scf.for %scan3A_61 = %scan3A_51 to %scan3A_53 step %scan3A_54 iter_args(%scan3A_62 = %scan3A_50) -> (i32)  : i32 {
        %mul3A_63 = arith.constant 16 : i32
        %mul3A_64 = arith.muli %scan3A_61, %mul3A_63 : i32
        %get3A = arith.index_cast %mul3A_64 : i32 to index
        %get3A_65 = tpu.vector_load %arg14[%get3A] {strides = array<i32>} : memref<80xi32, #tpu.memory_space<vmem>>, vector<16xi32>,
        %sub3A = vector.broadcast %mul3A_15 : i32 to vector<16xi32>
        %sub3A_66 = arith.subi %get3A_65, %sub3A : vector<16xi32>
        %ge3A = arith.constant 0 : i32
        %ge3A_67 = vector.broadcast %ge3A : i32 to vector<16xi32>
        %ge3A_68 = arith.cmpi sge, %sub3A_66, %ge3A_67 : vector<16xi32>
        %lt3A = arith.constant 5000 : i32
        %lt3A_69 = vector.broadcast %lt3A : i32 to vector<16xi32>
        %lt3A_70 = arith.cmpi slt, %sub3A_66, %lt3A_69 : vector<16xi32>
        %and3A_71 = arith.andi %ge3A_68, %lt3A_70 : vector<16xi1>
        %jit3A = arith.constant 5000 : i32
        %broadcast_in_dim3A = vector.broadcast %jit3A : i32 to vector<16xi32>
        %select_n3A = arith.select %and3A_71, %sub3A_66, %broadcast_in_dim3A : vector<16xi1>, vector<16xi32>
        %swap3A = arith.index_cast %mul3A_64 : i32 to index
        %swap3A_72 = tpu.vector_load %arg15[%swap3A] {strides = array<i32>} : memref<80xi32, #tpu.memory_space<vmem>>, vector<16xi32>,
        tpu.vector_store %arg15[%swap3A], %select_n3A {strides = array<i32>} : memref<80xi32, #tpu.memory_space<vmem>>, vector<16xi32>,
        %eq3A_73 = arith.constant 0 : i32
        %eq3A_74 = arith.cmpi eq, %arg0, %eq3A_73 : i32
        %convert_element_type3A_75 = arith.extui %eq3A_74 : i1 to i32
        %cond3A_76 = arith.constant 0 : i32
        %cond3A_77 = arith.cmpi ne, %convert_element_type3A_75, %cond3A_76 : i32
        scf.if %cond3A_77 {
          %get3A_79 = arith.index_cast %mul3A_64 : i32 to index
          %get3A_80 = tpu.vector_load %arg17[%get3A_79] {strides = array<i32>} : memref<80xf32, #tpu.memory_space<vmem>>, vector<16xf32>,
          %get3A_81 = arith.index_cast %mul3A_64 : i32 to index
          %get3A_82 = tpu.vector_load %arg19[%get3A_81] {strides = array<i32>} : memref<80xf32, #tpu.memory_space<vmem>>, vector<16xf32>,
          %mul3A_83 = arith.mulf %get3A_82, %get3A_80 : vector<16xf32>
          tpu.vector_store_idx %arg22[%get3A_65], %mul3A_83 {add = true} : memref<40000xf32, #tpu.memory_space<vmem>>[vector<16xi32>], vector<16xf32>,
          %add3A_84 = arith.constant 10000 : i32
          %add3A_85 = vector.broadcast %add3A_84 : i32 to vector<16xi32>
          %add3A_86 = arith.addi %get3A_65, %add3A_85 : vector<16xi32>
          %get3A_87 = arith.index_cast %mul3A_64 : i32 to index
          %get3A_88 = tpu.vector_load %arg20[%get3A_87] {strides = array<i32>} : memref<80xf32, #tpu.memory_space<vmem>>, vector<16xf32>,
          %mul3A_89 = arith.mulf %get3A_88, %get3A_80 : vector<16xf32>
          tpu.vector_store_idx %arg22[%add3A_86], %mul3A_89 {add = true} : memref<40000xf32, #tpu.memory_space<vmem>>[vector<16xi32>], vector<16xf32>,
          %add3A_90 = arith.constant 20000 : i32
          %add3A_91 = vector.broadcast %add3A_90 : i32 to vector<16xi32>
          %add3A_92 = arith.addi %get3A_65, %add3A_91 : vector<16xi32>
          %get3A_93 = arith.index_cast %mul3A_64 : i32 to index
          %get3A_94 = tpu.vector_load %arg21[%get3A_93] {strides = array<i32>} : memref<80xf32, #tpu.memory_space<vmem>>, vector<16xf32>,
          %mul3A_95 = arith.mulf %get3A_94, %get3A_80 : vector<16xf32>
          tpu.vector_store_idx %arg22[%add3A_92], %mul3A_95 {add = true} : memref<40000xf32, #tpu.memory_space<vmem>>[vector<16xi32>], vector<16xf32>,
          %add3A_96 = arith.constant 30000 : i32
          %add3A_97 = vector.broadcast %add3A_96 : i32 to vector<16xi32>
          %add3A_98 = arith.addi %get3A_65, %add3A_97 : vector<16xi32>
          %get3A_99 = arith.index_cast %mul3A_64 : i32 to index
          %get3A_100 = tpu.vector_load %arg18[%get3A_99] {strides = array<i32>} : memref<80xf32, #tpu.memory_space<vmem>>, vector<16xf32>,
          tpu.vector_store_idx %arg22[%add3A_98], %get3A_100 {add = true} : memref<40000xf32, #tpu.memory_space<vmem>>[vector<16xi32>], vector<16xf32>,
        } else {
        }
        %scan3A_78 = arith.constant 0 : i32
        scf.yield %scan3A_78 : i32
      }
      %scan3A_56 = arith.constant 5 : i32
      %dma_wait3A = arith.constant 0 : i32
      %dma_wait3A_57 = tpu.memref_slice %arg2[%add3A, %dma_wait3A] : memref<320000x128xf32, #tpu.memory_space<hbm>> -> memref<80x128xf32, #tpu.memory_space<hbm>>
      %dma_wait3A_58 = arith.constant 0 : i32
      %dma_wait3A_59 = tpu.memref_slice %arg2[%add3A, %dma_wait3A_58] : memref<320000x128xf32, #tpu.memory_space<hbm>> -> memref<80x128xf32, #tpu.memory_space<hbm>>
      tpu.wait_dma2 semaphore(%arg25 : memref<!tpu.dma_semaphore, #tpu.memory_space<semaphore_mem>>) src(%dma_wait3A_59 : memref<80x128xf32, #tpu.memory_space<hbm>>) dst(%arg16 : memref<80x128xf32, #tpu.memory_space<vmem>>)
      "tpu.region"() ({
        %run_scoped3A = tpu.sem_alloc : memref<!tpu.dma_semaphore, #tpu.memory_space<semaphore_mem>>
        %dma_start3A_61 = arith.constant 0 : i32
        %dma_start3A_62 = arith.constant 0 : i32
        %dma_start3A_63 = tpu.memref_slice %arg23[%dma_start3A_61, %dma_start3A_62] : memref<5008x128xf32, #tpu.memory_space<vmem_shared>> -> memref<5008x128xf32, #tpu.memory_space<vmem_shared>>
        tpu.enqueue_indirect_dma source(%arg16 : memref<80x128xf32, #tpu.memory_space<vmem>>) target(%dma_start3A_63 : memref<5008x128xf32, #tpu.memory_space<vmem_shared>>) offsets(%arg15 : memref<80xi32, #tpu.memory_space<vmem>>) semaphore(%run_scoped3A : memref<!tpu.dma_semaphore, #tpu.memory_space<semaphore_mem>>) {add = true}
        %dma_wait3A_64 = arith.constant 0 : i32
        %dma_wait3A_65 = arith.constant 0 : i32
        %dma_wait3A_66 = tpu.memref_slice %arg23[%dma_wait3A_64, %dma_wait3A_65] : memref<5008x128xf32, #tpu.memory_space<vmem_shared>> -> memref<5008x128xf32, #tpu.memory_space<vmem_shared>>
        tpu.wait_indirect_dma semaphore(%run_scoped3A : memref<!tpu.dma_semaphore, #tpu.memory_space<semaphore_mem>>) src(%arg16 : memref<80x128xf32, #tpu.memory_space<vmem>>) dst(%dma_wait3A_66 : memref<5008x128xf32, #tpu.memory_space<vmem_shared>>)
        tpu.yield
      }) : () -> ()
      %scan3A_60 = arith.constant 0 : i32
      scf.yield %scan3A_60 : i32
    }
    %scan3A_22 = arith.constant 250 : i32
    %eq3A_23 = arith.constant 0 : i32
    %eq3A_24 = arith.cmpi eq, %arg0, %eq3A_23 : i32
    %convert_element_type3A_25 = arith.extui %eq3A_24 : i1 to i32
    %cond3A_26 = arith.constant 0 : i32
    %cond3A_27 = arith.cmpi ne, %convert_element_type3A_25, %cond3A_26 : i32
    scf.if %cond3A_27 {
      %scan3A_43 = arith.constant 0 : i32
      %scan3A_44 = arith.constant 0 : i32
      %scan3A_45 = arith.constant 500 : i32
      %scan3A_46 = arith.addi %scan3A_44, %scan3A_45 : i32
      %scan3A_47 = arith.constant 1 : i32
      %scan3A_48 = scf.for %scan3A_50 = %scan3A_44 to %scan3A_46 step %scan3A_47 iter_args(%scan3A_51 = %scan3A_43) -> (i32)  : i32 {
        %mul3A_52 = arith.constant 80 : i32
        %mul3A_53 = arith.muli %scan3A_50, %mul3A_52 : i32
        "tpu.region"() ({
          %run_scoped3A = tpu.sem_alloc : memref<!tpu.dma_semaphore, #tpu.memory_space<semaphore_mem>>
          %dma_start3A = tpu.memref_slice %arg11[%mul3A_53] : memref<40000xi32, #tpu.memory_space<hbm>> -> memref<80xi32, #tpu.memory_space<hbm>>
          %dma_start3A_57 = tpu.memref_slice %arg11[%mul3A_53] : memref<40000xi32, #tpu.memory_space<hbm>> -> memref<80xi32, #tpu.memory_space<hbm>>
          tpu.enqueue_dma source(%dma_start3A_57 : memref<80xi32, #tpu.memory_space<hbm>>) target(%arg14 : memref<80xi32, #tpu.memory_space<vmem>>) target_semaphore(%run_scoped3A : memref<!tpu.dma_semaphore, #tpu.memory_space<semaphore_mem>>)
          %dma_wait3A = tpu.memref_slice %arg11[%mul3A_53] : memref<40000xi32, #tpu.memory_space<hbm>> -> memref<80xi32, #tpu.memory_space<hbm>>
          %dma_wait3A_58 = tpu.memref_slice %arg11[%mul3A_53] : memref<40000xi32, #tpu.memory_space<hbm>> -> memref<80xi32, #tpu.memory_space<hbm>>
          tpu.wait_dma2 semaphore(%run_scoped3A : memref<!tpu.dma_semaphore, #tpu.memory_space<semaphore_mem>>) src(%dma_wait3A_58 : memref<80xi32, #tpu.memory_space<hbm>>) dst(%arg14 : memref<80xi32, #tpu.memory_space<vmem>>)
          tpu.yield
        }) : () -> ()
        %mul3A_54 = arith.constant 80 : i32
        %mul3A_55 = arith.muli %scan3A_50, %mul3A_54 : i32
        "tpu.region"() ({
          %run_scoped3A = tpu.sem_alloc : memref<!tpu.dma_semaphore, #tpu.memory_space<semaphore_mem>>
          %dma_start3A = tpu.memref_slice %arg22[%mul3A_55] : memref<40000xf32, #tpu.memory_space<vmem>> -> memref<80xf32, #tpu.memory_space<vmem>>
          %dma_start3A_57 = arith.constant 0 : i32
          %dma_start3A_58 = tpu.memref_slice %arg24[%dma_start3A_57] : memref<40000xf32, #tpu.memory_space<vmem_shared>> -> memref<40000xf32, #tpu.memory_space<vmem_shared>>
          tpu.enqueue_indirect_dma source(%dma_start3A : memref<80xf32, #tpu.memory_space<vmem>>) target(%dma_start3A_58 : memref<40000xf32, #tpu.memory_space<vmem_shared>>) offsets(%arg14 : memref<80xi32, #tpu.memory_space<vmem>>) semaphore(%run_scoped3A : memref<!tpu.dma_semaphore, #tpu.memory_space<semaphore_mem>>) {add = true}
          %dma_wait3A = tpu.memref_slice %arg22[%mul3A_55] : memref<40000xf32, #tpu.memory_space<vmem>> -> memref<80xf32, #tpu.memory_space<vmem>>
          %dma_wait3A_59 = arith.constant 0 : i32
          %dma_wait3A_60 = tpu.memref_slice %arg24[%dma_wait3A_59] : memref<40000xf32, #tpu.memory_space<vmem_shared>> -> memref<40000xf32, #tpu.memory_space<vmem_shared>>
          tpu.wait_indirect_dma semaphore(%run_scoped3A : memref<!tpu.dma_semaphore, #tpu.memory_space<semaphore_mem>>) src(%dma_wait3A : memref<80xf32, #tpu.memory_space<vmem>>) dst(%dma_wait3A_60 : memref<40000xf32, #tpu.memory_space<vmem_shared>>)
          tpu.yield
        }) : () -> ()
        %scan3A_56 = arith.constant 0 : i32
        scf.yield %scan3A_56 : i32
      }
      %scan3A_49 = arith.constant 500 : i32
    } else {
    }
    %barrier3A_28 = arith.constant 0 : index
    tpu.barrier barrier_id(%barrier3A_28)
    %scan3A_29 = arith.constant 0 : i32
    %scan3A_30 = arith.constant 0 : i32
    %scan3A_31 = arith.constant 2 : i32
    %scan3A_32 = arith.addi %scan3A_30, %scan3A_31 : i32
    %scan3A_33 = arith.constant 1 : i32
    %scan3A_34 = scf.for %scan3A_43 = %scan3A_30 to %scan3A_32 step %scan3A_33 iter_args(%scan3A_44 = %scan3A_29) -> (i32)  : i32 {
      %mul3A_45 = arith.constant 16 : i32
      %mul3A_46 = arith.muli %scan3A_43, %mul3A_45 : i32
      %add3A = arith.addi %arg1, %mul3A_46 : i32
      %lt3A = arith.constant 25 : i32
      %lt3A_47 = arith.cmpi slt, %add3A, %lt3A : i32
      %convert_element_type3A_48 = arith.extui %lt3A_47 : i1 to i32
      %cond3A_49 = arith.constant 0 : i32
      %cond3A_50 = arith.cmpi ne, %convert_element_type3A_48, %cond3A_49 : i32
      scf.if %cond3A_50 {
        %mul3A_52 = arith.constant 200 : i32
        %mul3A_53 = arith.muli %add3A, %mul3A_52 : i32
        %mul3A_54 = arith.constant 200 : i32
        %mul3A_55 = arith.muli %add3A, %mul3A_54 : i32
        "tpu.region"() ({
          %run_scoped3A = tpu.sem_alloc : memref<!tpu.dma_semaphore, #tpu.memory_space<semaphore_mem>>
          %dma_start3A = arith.constant 0 : i32
          %dma_start3A_56 = tpu.memref_slice %arg12[%arg0, %mul3A_55, %dma_start3A] : memref<2x5008x128xf32, #tpu.memory_space<hbm>> -> memref<1x200x128xf32, #tpu.memory_space<hbm>>
          %dma_start3A_57 = tpu.memref_squeeze %dma_start3A_56 : memref<1x200x128xf32, #tpu.memory_space<hbm>> -> memref<200x128xf32, #tpu.memory_space<hbm>>
          %dma_start3A_58 = arith.constant 0 : i32
          %dma_start3A_59 = tpu.memref_slice %arg23[%mul3A_53, %dma_start3A_58] : memref<5008x128xf32, #tpu.memory_space<vmem_shared>> -> memref<200x128xf32, #tpu.memory_space<vmem_shared>>
          tpu.enqueue_dma source(%dma_start3A_59 : memref<200x128xf32, #tpu.memory_space<vmem_shared>>) target(%dma_start3A_57 : memref<200x128xf32, #tpu.memory_space<hbm>>) target_semaphore(%run_scoped3A : memref<!tpu.dma_semaphore, #tpu.memory_space<semaphore_mem>>)
          %dma_wait3A = arith.constant 0 : i32
          %dma_wait3A_60 = tpu.memref_slice %arg12[%arg0, %mul3A_55, %dma_wait3A] : memref<2x5008x128xf32, #tpu.memory_space<hbm>> -> memref<1x200x128xf32, #tpu.memory_space<hbm>>
          %dma_wait3A_61 = tpu.memref_squeeze %dma_wait3A_60 : memref<1x200x128xf32, #tpu.memory_space<hbm>> -> memref<200x128xf32, #tpu.memory_space<hbm>>
          %dma_wait3A_62 = arith.constant 0 : i32
          %dma_wait3A_63 = tpu.memref_slice %arg23[%mul3A_53, %dma_wait3A_62] : memref<5008x128xf32, #tpu.memory_space<vmem_shared>> -> memref<200x128xf32, #tpu.memory_space<vmem_shared>>
          tpu.wait_dma2 semaphore(%run_scoped3A : memref<!tpu.dma_semaphore, #tpu.memory_space<semaphore_mem>>) src(%dma_wait3A_63 : memref<200x128xf32, #tpu.memory_space<vmem_shared>>) dst(%dma_wait3A_61 : memref<200x128xf32, #tpu.memory_space<hbm>>)
          tpu.yield
        }) : () -> ()
      } else {
      }
      %scan3A_51 = arith.constant 0 : i32
      scf.yield %scan3A_51 : i32
    }
    %scan3A_35 = arith.constant 2 : i32
    %eq3A_36 = arith.constant 1 : i32
    %eq3A_37 = arith.cmpi eq, %arg1, %eq3A_36 : i32
    %eq3A_38 = arith.constant 0 : i32
    %eq3A_39 = arith.cmpi eq, %arg0, %eq3A_38 : i32
    %and3A = arith.andi %eq3A_37, %eq3A_39 : i1
    %convert_element_type3A_40 = arith.extui %and3A : i1 to i32
    %cond3A_41 = arith.constant 0 : i32
    %cond3A_42 = arith.cmpi ne, %convert_element_type3A_40, %cond3A_41 : i32
    scf.if %cond3A_42 {
      %run_scoped3A = arith.constant 0 : i32
      "tpu.region"() ({
        %run_scoped3A_43 = tpu.sem_alloc : memref<!tpu.dma_semaphore, #tpu.memory_space<semaphore_mem>>
        %dma_start3A = arith.constant 0 : i32
        %dma_start3A_44 = tpu.memref_slice %arg13[%run_scoped3A, %dma_start3A] : memref<1x40000xf32, #tpu.memory_space<hbm>> -> memref<1x40000xf32, #tpu.memory_space<hbm>>
        %dma_start3A_45 = tpu.memref_squeeze %dma_start3A_44 : memref<1x40000xf32, #tpu.memory_space<hbm>> -> memref<40000xf32, #tpu.memory_space<hbm>>
        tpu.enqueue_dma source(%arg24 : memref<40000xf32, #tpu.memory_space<vmem_shared>>) target(%dma_start3A_45 : memref<40000xf32, #tpu.memory_space<hbm>>) target_semaphore(%run_scoped3A_43 : memref<!tpu.dma_semaphore, #tpu.memory_space<semaphore_mem>>)
        %dma_wait3A = arith.constant 0 : i32
        %dma_wait3A_46 = tpu.memref_slice %arg13[%run_scoped3A, %dma_wait3A] : memref<1x40000xf32, #tpu.memory_space<hbm>> -> memref<1x40000xf32, #tpu.memory_space<hbm>>
        %dma_wait3A_47 = tpu.memref_squeeze %dma_wait3A_46 : memref<1x40000xf32, #tpu.memory_space<hbm>> -> memref<40000xf32, #tpu.memory_space<hbm>>
        tpu.wait_dma2 semaphore(%run_scoped3A_43 : memref<!tpu.dma_semaphore, #tpu.memory_space<semaphore_mem>>) src(%arg24 : memref<40000xf32, #tpu.memory_space<vmem_shared>>) dst(%dma_wait3A_47 : memref<40000xf32, #tpu.memory_space<hbm>>)
        tpu.yield
      }) : () -> ()
    } else {
    }
    return
  }
}

#map = affine_map<(d0, d1) -> (0, 0)>
#map1 = affine_map<(d0, d1) -> (0)>
module attributes {stable_mosaic.version = 14 : i64} {
  func.func @_sc_mask_gather(%arg0: i32, %arg1: i32, %arg2: memref<10000x128xf32, #tpu.memory_space<hbm>>, %arg3: memref<5120xi32, #tpu.memory_space<hbm>>, %arg4: memref<5120x128xf32, #tpu.memory_space<hbm>>, %arg5: memref<80xi32, #tpu.memory_space<vmem>>, %arg6: memref<80x128xf32, #tpu.memory_space<vmem>>, %arg7: memref<!tpu.dma_semaphore, #tpu.memory_space<semaphore_mem>>) attributes {dimension_semantics = [#tpu.dimension_semantics<core_parallel>, #tpu.dimension_semantics<subcore_parallel>], iteration_bounds = array<i64: 2, 16>, scalar_prefetch = 0 : i64, scratch_operands = 3 : i64, tpu.core_type = #tpu.core_type<sc_vector_subcore>, window_params = [{transform_indices = #map}, {transform_indices = #map1}, {transform_indices = #map}]} {
    %mul3A = arith.constant 2 : i32
    %mul3A_0 = arith.muli %arg1, %mul3A : i32
    %add3A = arith.addi %mul3A_0, %arg0 : i32
    %scan3A = arith.constant 0 : i32
    %scan3A_1 = arith.constant 0 : i32
    %scan3A_2 = arith.constant 2 : i32
    %scan3A_3 = arith.addi %scan3A_1, %scan3A_2 : i32
    %scan3A_4 = arith.constant 1 : i32
    %scan3A_5 = scf.for %scan3A_7 = %scan3A_1 to %scan3A_3 step %scan3A_4 iter_args(%scan3A_8 = %scan3A) -> (i32)  : i32 {
      %mul3A_9 = arith.constant 160 : i32
      %mul3A_10 = arith.muli %add3A, %mul3A_9 : i32
      %mul3A_11 = arith.constant 80 : i32
      %mul3A_12 = arith.muli %scan3A_7, %mul3A_11 : i32
      %add3A_13 = arith.addi %mul3A_10, %mul3A_12 : i32
      "tpu.region"() ({
        %run_scoped3A = tpu.sem_alloc : memref<!tpu.dma_semaphore, #tpu.memory_space<semaphore_mem>>
        %dma_start3A_19 = tpu.memref_slice %arg3[%add3A_13] : memref<5120xi32, #tpu.memory_space<hbm>> -> memref<80xi32, #tpu.memory_space<hbm>>
        %dma_start3A_20 = tpu.memref_slice %arg3[%add3A_13] : memref<5120xi32, #tpu.memory_space<hbm>> -> memref<80xi32, #tpu.memory_space<hbm>>
        tpu.enqueue_dma source(%dma_start3A_20 : memref<80xi32, #tpu.memory_space<hbm>>) target(%arg5 : memref<80xi32, #tpu.memory_space<vmem>>) target_semaphore(%run_scoped3A : memref<!tpu.dma_semaphore, #tpu.memory_space<semaphore_mem>>)
        %dma_wait3A_21 = tpu.memref_slice %arg3[%add3A_13] : memref<5120xi32, #tpu.memory_space<hbm>> -> memref<80xi32, #tpu.memory_space<hbm>>
        %dma_wait3A_22 = tpu.memref_slice %arg3[%add3A_13] : memref<5120xi32, #tpu.memory_space<hbm>> -> memref<80xi32, #tpu.memory_space<hbm>>
        tpu.wait_dma2 semaphore(%run_scoped3A : memref<!tpu.dma_semaphore, #tpu.memory_space<semaphore_mem>>) src(%dma_wait3A_22 : memref<80xi32, #tpu.memory_space<hbm>>) dst(%arg5 : memref<80xi32, #tpu.memory_space<vmem>>)
        tpu.yield
      }) : () -> ()
      %dma_start3A = arith.constant 0 : i32
      %dma_start3A_14 = arith.constant 0 : i32
      %dma_start3A_15 = tpu.memref_slice %arg2[%dma_start3A, %dma_start3A_14] : memref<10000x128xf32, #tpu.memory_space<hbm>> -> memref<10000x128xf32, #tpu.memory_space<hbm>>
      tpu.enqueue_indirect_dma source(%dma_start3A_15 : memref<10000x128xf32, #tpu.memory_space<hbm>>) target(%arg6 : memref<80x128xf32, #tpu.memory_space<vmem>>) offsets(%arg5 : memref<80xi32, #tpu.memory_space<vmem>>) semaphore(%arg7 : memref<!tpu.dma_semaphore, #tpu.memory_space<semaphore_mem>>)
      %dma_wait3A = arith.constant 0 : i32
      %dma_wait3A_16 = arith.constant 0 : i32
      %dma_wait3A_17 = tpu.memref_slice %arg2[%dma_wait3A, %dma_wait3A_16] : memref<10000x128xf32, #tpu.memory_space<hbm>> -> memref<10000x128xf32, #tpu.memory_space<hbm>>
      tpu.wait_indirect_dma semaphore(%arg7 : memref<!tpu.dma_semaphore, #tpu.memory_space<semaphore_mem>>) src(%dma_wait3A_17 : memref<10000x128xf32, #tpu.memory_space<hbm>>) dst(%arg6 : memref<80x128xf32, #tpu.memory_space<vmem>>)
      "tpu.region"() ({
        %run_scoped3A = tpu.sem_alloc : memref<!tpu.dma_semaphore, #tpu.memory_space<semaphore_mem>>
        %dma_start3A_19 = arith.constant 0 : i32
        %dma_start3A_20 = tpu.memref_slice %arg4[%add3A_13, %dma_start3A_19] : memref<5120x128xf32, #tpu.memory_space<hbm>> -> memref<80x128xf32, #tpu.memory_space<hbm>>
        %dma_start3A_21 = arith.constant 0 : i32
        %dma_start3A_22 = tpu.memref_slice %arg4[%add3A_13, %dma_start3A_21] : memref<5120x128xf32, #tpu.memory_space<hbm>> -> memref<80x128xf32, #tpu.memory_space<hbm>>
        tpu.enqueue_dma source(%arg6 : memref<80x128xf32, #tpu.memory_space<vmem>>) target(%dma_start3A_22 : memref<80x128xf32, #tpu.memory_space<hbm>>) target_semaphore(%run_scoped3A : memref<!tpu.dma_semaphore, #tpu.memory_space<semaphore_mem>>)
        %dma_wait3A_23 = arith.constant 0 : i32
        %dma_wait3A_24 = tpu.memref_slice %arg4[%add3A_13, %dma_wait3A_23] : memref<5120x128xf32, #tpu.memory_space<hbm>> -> memref<80x128xf32, #tpu.memory_space<hbm>>
        %dma_wait3A_25 = arith.constant 0 : i32
        %dma_wait3A_26 = tpu.memref_slice %arg4[%add3A_13, %dma_wait3A_25] : memref<5120x128xf32, #tpu.memory_space<hbm>> -> memref<80x128xf32, #tpu.memory_space<hbm>>
        tpu.wait_dma2 semaphore(%run_scoped3A : memref<!tpu.dma_semaphore, #tpu.memory_space<semaphore_mem>>) src(%arg6 : memref<80x128xf32, #tpu.memory_space<vmem>>) dst(%dma_wait3A_26 : memref<80x128xf32, #tpu.memory_space<hbm>>)
        tpu.yield
      }) : () -> ()
      %scan3A_18 = arith.constant 0 : i32
      scf.yield %scan3A_18 : i32
    }
    %scan3A_6 = arith.constant 2 : i32
    return
  }
}

#map = affine_map<(d0, d1) -> (0, 0)>
#map1 = affine_map<(d0, d1) -> (0)>
module attributes {stable_mosaic.version = 14 : i64} {
  func.func @_sc_gather(%arg0: i32, %arg1: i32, %arg2: memref<10000x128xf32, #tpu.memory_space<hbm>>, %arg3: memref<10000x128xf32, #tpu.memory_space<hbm>>, %arg4: memref<40000xf32, #tpu.memory_space<hbm>>, %arg5: memref<320000xi32, #tpu.memory_space<hbm>>, %arg6: memref<320000xi32, #tpu.memory_space<hbm>>, %arg7: memref<320000x128xf32, #tpu.memory_space<hbm>>, %arg8: memref<320000x128xf32, #tpu.memory_space<hbm>>, %arg9: memref<320000xf32, #tpu.memory_space<hbm>>, %arg10: memref<320000xf32, #tpu.memory_space<hbm>>, %arg11: memref<320000xf32, #tpu.memory_space<hbm>>, %arg12: memref<320000xf32, #tpu.memory_space<hbm>>, %arg13: memref<320000xf32, #tpu.memory_space<hbm>>, %arg14: memref<40000xf32, #tpu.memory_space<vmem>>, %arg15: memref<80xi32, #tpu.memory_space<vmem>>, %arg16: memref<80xi32, #tpu.memory_space<vmem>>, %arg17: memref<80x128xf32, #tpu.memory_space<vmem>>, %arg18: memref<80xf32, #tpu.memory_space<vmem>>, %arg19: memref<80xf32, #tpu.memory_space<vmem>>, %arg20: memref<80xf32, #tpu.memory_space<vmem>>, %arg21: memref<80xf32, #tpu.memory_space<vmem>>, %arg22: memref<80xf32, #tpu.memory_space<vmem>>, %arg23: memref<!tpu.dma_semaphore, #tpu.memory_space<semaphore_mem>>) attributes {dimension_semantics = [#tpu.dimension_semantics<core_parallel>, #tpu.dimension_semantics<subcore_parallel>], iteration_bounds = array<i64: 2, 16>, scalar_prefetch = 0 : i64, scratch_operands = 10 : i64, tpu.core_type = #tpu.core_type<sc_vector_subcore>, window_params = [{transform_indices = #map}, {transform_indices = #map}, {transform_indices = #map1}, {transform_indices = #map1}, {transform_indices = #map1}, {transform_indices = #map}, {transform_indices = #map}, {transform_indices = #map1}, {transform_indices = #map1}, {transform_indices = #map1}, {transform_indices = #map1}, {transform_indices = #map1}]} {
    %mul3A = arith.constant 2 : i32
    %mul3A_0 = arith.muli %arg1, %mul3A : i32
    %add3A = arith.addi %mul3A_0, %arg0 : i32
    %mul3A_1 = arith.constant 10000 : i32
    %mul3A_2 = arith.muli %add3A, %mul3A_1 : i32
    "tpu.region"() ({
      %run_scoped3A = tpu.sem_alloc : memref<!tpu.dma_semaphore, #tpu.memory_space<semaphore_mem>>
      tpu.enqueue_dma source(%arg4 : memref<40000xf32, #tpu.memory_space<hbm>>) target(%arg14 : memref<40000xf32, #tpu.memory_space<vmem>>) target_semaphore(%run_scoped3A : memref<!tpu.dma_semaphore, #tpu.memory_space<semaphore_mem>>)
      tpu.wait_dma2 semaphore(%run_scoped3A : memref<!tpu.dma_semaphore, #tpu.memory_space<semaphore_mem>>) src(%arg4 : memref<40000xf32, #tpu.memory_space<hbm>>) dst(%arg14 : memref<40000xf32, #tpu.memory_space<vmem>>)
      tpu.yield
    }) : () -> ()
    %scan3A = arith.constant 0 : i32
    %scan3A_3 = arith.constant 0 : i32
    %scan3A_4 = arith.constant 125 : i32
    %scan3A_5 = arith.addi %scan3A_3, %scan3A_4 : i32
    %scan3A_6 = arith.constant 1 : i32
    %scan3A_7 = scf.for %scan3A_9 = %scan3A_3 to %scan3A_5 step %scan3A_6 iter_args(%scan3A_10 = %scan3A) -> (i32)  : i32 {
      %mul3A_11 = arith.constant 80 : i32
      %mul3A_12 = arith.muli %scan3A_9, %mul3A_11 : i32
      %add3A_13 = arith.addi %mul3A_2, %mul3A_12 : i32
      "tpu.region"() ({
        %run_scoped3A = tpu.sem_alloc : memref<!tpu.dma_semaphore, #tpu.memory_space<semaphore_mem>>
        %dma_start3A_32 = tpu.memref_slice %arg5[%add3A_13] : memref<320000xi32, #tpu.memory_space<hbm>> -> memref<80xi32, #tpu.memory_space<hbm>>
        %dma_start3A_33 = tpu.memref_slice %arg5[%add3A_13] : memref<320000xi32, #tpu.memory_space<hbm>> -> memref<80xi32, #tpu.memory_space<hbm>>
        tpu.enqueue_dma source(%dma_start3A_33 : memref<80xi32, #tpu.memory_space<hbm>>) target(%arg15 : memref<80xi32, #tpu.memory_space<vmem>>) target_semaphore(%run_scoped3A : memref<!tpu.dma_semaphore, #tpu.memory_space<semaphore_mem>>)
        %dma_wait3A_34 = tpu.memref_slice %arg5[%add3A_13] : memref<320000xi32, #tpu.memory_space<hbm>> -> memref<80xi32, #tpu.memory_space<hbm>>
        %dma_wait3A_35 = tpu.memref_slice %arg5[%add3A_13] : memref<320000xi32, #tpu.memory_space<hbm>> -> memref<80xi32, #tpu.memory_space<hbm>>
        tpu.wait_dma2 semaphore(%run_scoped3A : memref<!tpu.dma_semaphore, #tpu.memory_space<semaphore_mem>>) src(%dma_wait3A_35 : memref<80xi32, #tpu.memory_space<hbm>>) dst(%arg15 : memref<80xi32, #tpu.memory_space<vmem>>)
        tpu.yield
      }) : () -> ()
      "tpu.region"() ({
        %run_scoped3A = tpu.sem_alloc : memref<!tpu.dma_semaphore, #tpu.memory_space<semaphore_mem>>
        %dma_start3A_32 = tpu.memref_slice %arg6[%add3A_13] : memref<320000xi32, #tpu.memory_space<hbm>> -> memref<80xi32, #tpu.memory_space<hbm>>
        %dma_start3A_33 = tpu.memref_slice %arg6[%add3A_13] : memref<320000xi32, #tpu.memory_space<hbm>> -> memref<80xi32, #tpu.memory_space<hbm>>
        tpu.enqueue_dma source(%dma_start3A_33 : memref<80xi32, #tpu.memory_space<hbm>>) target(%arg16 : memref<80xi32, #tpu.memory_space<vmem>>) target_semaphore(%run_scoped3A : memref<!tpu.dma_semaphore, #tpu.memory_space<semaphore_mem>>)
        %dma_wait3A_34 = tpu.memref_slice %arg6[%add3A_13] : memref<320000xi32, #tpu.memory_space<hbm>> -> memref<80xi32, #tpu.memory_space<hbm>>
        %dma_wait3A_35 = tpu.memref_slice %arg6[%add3A_13] : memref<320000xi32, #tpu.memory_space<hbm>> -> memref<80xi32, #tpu.memory_space<hbm>>
        tpu.wait_dma2 semaphore(%run_scoped3A : memref<!tpu.dma_semaphore, #tpu.memory_space<semaphore_mem>>) src(%dma_wait3A_35 : memref<80xi32, #tpu.memory_space<hbm>>) dst(%arg16 : memref<80xi32, #tpu.memory_space<vmem>>)
        tpu.yield
      }) : () -> ()
      %dma_start3A = arith.constant 0 : i32
      %dma_start3A_14 = arith.constant 0 : i32
      %dma_start3A_15 = tpu.memref_slice %arg2[%dma_start3A, %dma_start3A_14] : memref<10000x128xf32, #tpu.memory_space<hbm>> -> memref<10000x128xf32, #tpu.memory_space<hbm>>
      tpu.enqueue_indirect_dma source(%dma_start3A_15 : memref<10000x128xf32, #tpu.memory_space<hbm>>) target(%arg17 : memref<80x128xf32, #tpu.memory_space<vmem>>) offsets(%arg15 : memref<80xi32, #tpu.memory_space<vmem>>) semaphore(%arg23 : memref<!tpu.dma_semaphore, #tpu.memory_space<semaphore_mem>>)
      %scan3A_16 = arith.constant 0 : i32
      %scan3A_17 = arith.constant 0 : i32
      %scan3A_18 = arith.constant 5 : i32
      %scan3A_19 = arith.addi %scan3A_17, %scan3A_18 : i32
      %scan3A_20 = arith.constant 1 : i32
      %scan3A_21 = scf.for %scan3A_32 = %scan3A_17 to %scan3A_19 step %scan3A_20 iter_args(%scan3A_33 = %scan3A_16) -> (i32)  : i32 {
        %mul3A_34 = arith.constant 16 : i32
        %mul3A_35 = arith.muli %scan3A_32, %mul3A_34 : i32
        %get3A = arith.index_cast %mul3A_35 : i32 to index
        %get3A_36 = tpu.vector_load %arg15[%get3A] {strides = array<i32>} : memref<80xi32, #tpu.memory_space<vmem>>, vector<16xi32>,
        %get3A_37 = arith.index_cast %mul3A_35 : i32 to index
        %get3A_38 = tpu.vector_load %arg16[%get3A_37] {strides = array<i32>} : memref<80xi32, #tpu.memory_space<vmem>>, vector<16xi32>,
        %gather3A = tpu.vector_load_idx %arg14[%get3A_36] : memref<40000xf32, #tpu.memory_space<vmem>>[vector<16xi32>], vector<16xf32>,
        %gather3A_39 = tpu.vector_load_idx %arg14[%get3A_38] : memref<40000xf32, #tpu.memory_space<vmem>>[vector<16xi32>], vector<16xf32>,
        %sub3A = arith.subf %gather3A, %gather3A_39 : vector<16xf32>
        %add3A_40 = arith.constant 10000 : i32
        %add3A_41 = vector.broadcast %add3A_40 : i32 to vector<16xi32>
        %add3A_42 = arith.addi %get3A_36, %add3A_41 : vector<16xi32>
        %gather3A_43 = tpu.vector_load_idx %arg14[%add3A_42] : memref<40000xf32, #tpu.memory_space<vmem>>[vector<16xi32>], vector<16xf32>,
        %add3A_44 = arith.constant 10000 : i32
        %add3A_45 = vector.broadcast %add3A_44 : i32 to vector<16xi32>
        %add3A_46 = arith.addi %get3A_38, %add3A_45 : vector<16xi32>
        %gather3A_47 = tpu.vector_load_idx %arg14[%add3A_46] : memref<40000xf32, #tpu.memory_space<vmem>>[vector<16xi32>], vector<16xf32>,
        %sub3A_48 = arith.subf %gather3A_43, %gather3A_47 : vector<16xf32>
        %add3A_49 = arith.constant 20000 : i32
        %add3A_50 = vector.broadcast %add3A_49 : i32 to vector<16xi32>
        %add3A_51 = arith.addi %get3A_36, %add3A_50 : vector<16xi32>
        %gather3A_52 = tpu.vector_load_idx %arg14[%add3A_51] : memref<40000xf32, #tpu.memory_space<vmem>>[vector<16xi32>], vector<16xf32>,
        %add3A_53 = arith.constant 20000 : i32
        %add3A_54 = vector.broadcast %add3A_53 : i32 to vector<16xi32>
        %add3A_55 = arith.addi %get3A_38, %add3A_54 : vector<16xi32>
        %gather3A_56 = tpu.vector_load_idx %arg14[%add3A_55] : memref<40000xf32, #tpu.memory_space<vmem>>[vector<16xi32>], vector<16xf32>,
        %sub3A_57 = arith.subf %gather3A_52, %gather3A_56 : vector<16xf32>
        %add3A_58 = arith.constant 30000 : i32
        %add3A_59 = vector.broadcast %add3A_58 : i32 to vector<16xi32>
        %add3A_60 = arith.addi %get3A_36, %add3A_59 : vector<16xi32>
        %gather3A_61 = tpu.vector_load_idx %arg14[%add3A_60] : memref<40000xf32, #tpu.memory_space<vmem>>[vector<16xi32>], vector<16xf32>,
        %add3A_62 = arith.constant 30000 : i32
        %add3A_63 = vector.broadcast %add3A_62 : i32 to vector<16xi32>
        %add3A_64 = arith.addi %get3A_38, %add3A_63 : vector<16xi32>
        %gather3A_65 = tpu.vector_load_idx %arg14[%add3A_64] : memref<40000xf32, #tpu.memory_space<vmem>>[vector<16xi32>], vector<16xf32>,
        %mul3A_66 = arith.mulf %gather3A_61, %gather3A_65 : vector<16xf32>
        %mul3A_67 = arith.mulf %sub3A, %sub3A : vector<16xf32>
        %mul3A_68 = arith.mulf %sub3A_48, %sub3A_48 : vector<16xf32>
        %add3A_69 = arith.addf %mul3A_67, %mul3A_68 : vector<16xf32>
        %mul3A_70 = arith.mulf %sub3A_57, %sub3A_57 : vector<16xf32>
        %add3A_71 = arith.addf %add3A_69, %mul3A_70 : vector<16xf32>
        %swap3A = arith.index_cast %mul3A_35 : i32 to index
        %swap3A_72 = tpu.vector_load %arg18[%swap3A] {strides = array<i32>} : memref<80xf32, #tpu.memory_space<vmem>>, vector<16xf32>,
        tpu.vector_store %arg18[%swap3A], %add3A_71 {strides = array<i32>} : memref<80xf32, #tpu.memory_space<vmem>>, vector<16xf32>,
        %swap3A_73 = arith.index_cast %mul3A_35 : i32 to index
        %swap3A_74 = tpu.vector_load %arg19[%swap3A_73] {strides = array<i32>} : memref<80xf32, #tpu.memory_space<vmem>>, vector<16xf32>,
        tpu.vector_store %arg19[%swap3A_73], %mul3A_66 {strides = array<i32>} : memref<80xf32, #tpu.memory_space<vmem>>, vector<16xf32>,
        %swap3A_75 = arith.index_cast %mul3A_35 : i32 to index
        %swap3A_76 = tpu.vector_load %arg20[%swap3A_75] {strides = array<i32>} : memref<80xf32, #tpu.memory_space<vmem>>, vector<16xf32>,
        tpu.vector_store %arg20[%swap3A_75], %sub3A {strides = array<i32>} : memref<80xf32, #tpu.memory_space<vmem>>, vector<16xf32>,
        %swap3A_77 = arith.index_cast %mul3A_35 : i32 to index
        %swap3A_78 = tpu.vector_load %arg21[%swap3A_77] {strides = array<i32>} : memref<80xf32, #tpu.memory_space<vmem>>, vector<16xf32>,
        tpu.vector_store %arg21[%swap3A_77], %sub3A_48 {strides = array<i32>} : memref<80xf32, #tpu.memory_space<vmem>>, vector<16xf32>,
        %swap3A_79 = arith.index_cast %mul3A_35 : i32 to index
        %swap3A_80 = tpu.vector_load %arg22[%swap3A_79] {strides = array<i32>} : memref<80xf32, #tpu.memory_space<vmem>>, vector<16xf32>,
        tpu.vector_store %arg22[%swap3A_79], %sub3A_57 {strides = array<i32>} : memref<80xf32, #tpu.memory_space<vmem>>, vector<16xf32>,
        %scan3A_81 = arith.constant 0 : i32
        scf.yield %scan3A_81 : i32
      }
      %scan3A_22 = arith.constant 5 : i32
      "tpu.region"() ({
        %run_scoped3A = tpu.sem_alloc : memref<!tpu.dma_semaphore, #tpu.memory_space<semaphore_mem>>
        %dma_start3A_32 = tpu.memref_slice %arg9[%add3A_13] : memref<320000xf32, #tpu.memory_space<hbm>> -> memref<80xf32, #tpu.memory_space<hbm>>
        %dma_start3A_33 = tpu.memref_slice %arg9[%add3A_13] : memref<320000xf32, #tpu.memory_space<hbm>> -> memref<80xf32, #tpu.memory_space<hbm>>
        tpu.enqueue_dma source(%arg18 : memref<80xf32, #tpu.memory_space<vmem>>) target(%dma_start3A_33 : memref<80xf32, #tpu.memory_space<hbm>>) target_semaphore(%run_scoped3A : memref<!tpu.dma_semaphore, #tpu.memory_space<semaphore_mem>>)
        %dma_wait3A_34 = tpu.memref_slice %arg9[%add3A_13] : memref<320000xf32, #tpu.memory_space<hbm>> -> memref<80xf32, #tpu.memory_space<hbm>>
        %dma_wait3A_35 = tpu.memref_slice %arg9[%add3A_13] : memref<320000xf32, #tpu.memory_space<hbm>> -> memref<80xf32, #tpu.memory_space<hbm>>
        tpu.wait_dma2 semaphore(%run_scoped3A : memref<!tpu.dma_semaphore, #tpu.memory_space<semaphore_mem>>) src(%arg18 : memref<80xf32, #tpu.memory_space<vmem>>) dst(%dma_wait3A_35 : memref<80xf32, #tpu.memory_space<hbm>>)
        tpu.yield
      }) : () -> ()
      "tpu.region"() ({
        %run_scoped3A = tpu.sem_alloc : memref<!tpu.dma_semaphore, #tpu.memory_space<semaphore_mem>>
        %dma_start3A_32 = tpu.memref_slice %arg10[%add3A_13] : memref<320000xf32, #tpu.memory_space<hbm>> -> memref<80xf32, #tpu.memory_space<hbm>>
        %dma_start3A_33 = tpu.memref_slice %arg10[%add3A_13] : memref<320000xf32, #tpu.memory_space<hbm>> -> memref<80xf32, #tpu.memory_space<hbm>>
        tpu.enqueue_dma source(%arg19 : memref<80xf32, #tpu.memory_space<vmem>>) target(%dma_start3A_33 : memref<80xf32, #tpu.memory_space<hbm>>) target_semaphore(%run_scoped3A : memref<!tpu.dma_semaphore, #tpu.memory_space<semaphore_mem>>)
        %dma_wait3A_34 = tpu.memref_slice %arg10[%add3A_13] : memref<320000xf32, #tpu.memory_space<hbm>> -> memref<80xf32, #tpu.memory_space<hbm>>
        %dma_wait3A_35 = tpu.memref_slice %arg10[%add3A_13] : memref<320000xf32, #tpu.memory_space<hbm>> -> memref<80xf32, #tpu.memory_space<hbm>>
        tpu.wait_dma2 semaphore(%run_scoped3A : memref<!tpu.dma_semaphore, #tpu.memory_space<semaphore_mem>>) src(%arg19 : memref<80xf32, #tpu.memory_space<vmem>>) dst(%dma_wait3A_35 : memref<80xf32, #tpu.memory_space<hbm>>)
        tpu.yield
      }) : () -> ()
      "tpu.region"() ({
        %run_scoped3A = tpu.sem_alloc : memref<!tpu.dma_semaphore, #tpu.memory_space<semaphore_mem>>
        %dma_start3A_32 = tpu.memref_slice %arg11[%add3A_13] : memref<320000xf32, #tpu.memory_space<hbm>> -> memref<80xf32, #tpu.memory_space<hbm>>
        %dma_start3A_33 = tpu.memref_slice %arg11[%add3A_13] : memref<320000xf32, #tpu.memory_space<hbm>> -> memref<80xf32, #tpu.memory_space<hbm>>
        tpu.enqueue_dma source(%arg20 : memref<80xf32, #tpu.memory_space<vmem>>) target(%dma_start3A_33 : memref<80xf32, #tpu.memory_space<hbm>>) target_semaphore(%run_scoped3A : memref<!tpu.dma_semaphore, #tpu.memory_space<semaphore_mem>>)
        %dma_wait3A_34 = tpu.memref_slice %arg11[%add3A_13] : memref<320000xf32, #tpu.memory_space<hbm>> -> memref<80xf32, #tpu.memory_space<hbm>>
        %dma_wait3A_35 = tpu.memref_slice %arg11[%add3A_13] : memref<320000xf32, #tpu.memory_space<hbm>> -> memref<80xf32, #tpu.memory_space<hbm>>
        tpu.wait_dma2 semaphore(%run_scoped3A : memref<!tpu.dma_semaphore, #tpu.memory_space<semaphore_mem>>) src(%arg20 : memref<80xf32, #tpu.memory_space<vmem>>) dst(%dma_wait3A_35 : memref<80xf32, #tpu.memory_space<hbm>>)
        tpu.yield
      }) : () -> ()
      "tpu.region"() ({
        %run_scoped3A = tpu.sem_alloc : memref<!tpu.dma_semaphore, #tpu.memory_space<semaphore_mem>>
        %dma_start3A_32 = tpu.memref_slice %arg12[%add3A_13] : memref<320000xf32, #tpu.memory_space<hbm>> -> memref<80xf32, #tpu.memory_space<hbm>>
        %dma_start3A_33 = tpu.memref_slice %arg12[%add3A_13] : memref<320000xf32, #tpu.memory_space<hbm>> -> memref<80xf32, #tpu.memory_space<hbm>>
        tpu.enqueue_dma source(%arg21 : memref<80xf32, #tpu.memory_space<vmem>>) target(%dma_start3A_33 : memref<80xf32, #tpu.memory_space<hbm>>) target_semaphore(%run_scoped3A : memref<!tpu.dma_semaphore, #tpu.memory_space<semaphore_mem>>)
        %dma_wait3A_34 = tpu.memref_slice %arg12[%add3A_13] : memref<320000xf32, #tpu.memory_space<hbm>> -> memref<80xf32, #tpu.memory_space<hbm>>
        %dma_wait3A_35 = tpu.memref_slice %arg12[%add3A_13] : memref<320000xf32, #tpu.memory_space<hbm>> -> memref<80xf32, #tpu.memory_space<hbm>>
        tpu.wait_dma2 semaphore(%run_scoped3A : memref<!tpu.dma_semaphore, #tpu.memory_space<semaphore_mem>>) src(%arg21 : memref<80xf32, #tpu.memory_space<vmem>>) dst(%dma_wait3A_35 : memref<80xf32, #tpu.memory_space<hbm>>)
        tpu.yield
      }) : () -> ()
      "tpu.region"() ({
        %run_scoped3A = tpu.sem_alloc : memref<!tpu.dma_semaphore, #tpu.memory_space<semaphore_mem>>
        %dma_start3A_32 = tpu.memref_slice %arg13[%add3A_13] : memref<320000xf32, #tpu.memory_space<hbm>> -> memref<80xf32, #tpu.memory_space<hbm>>
        %dma_start3A_33 = tpu.memref_slice %arg13[%add3A_13] : memref<320000xf32, #tpu.memory_space<hbm>> -> memref<80xf32, #tpu.memory_space<hbm>>
        tpu.enqueue_dma source(%arg22 : memref<80xf32, #tpu.memory_space<vmem>>) target(%dma_start3A_33 : memref<80xf32, #tpu.memory_space<hbm>>) target_semaphore(%run_scoped3A : memref<!tpu.dma_semaphore, #tpu.memory_space<semaphore_mem>>)
        %dma_wait3A_34 = tpu.memref_slice %arg13[%add3A_13] : memref<320000xf32, #tpu.memory_space<hbm>> -> memref<80xf32, #tpu.memory_space<hbm>>
        %dma_wait3A_35 = tpu.memref_slice %arg13[%add3A_13] : memref<320000xf32, #tpu.memory_space<hbm>> -> memref<80xf32, #tpu.memory_space<hbm>>
        tpu.wait_dma2 semaphore(%run_scoped3A : memref<!tpu.dma_semaphore, #tpu.memory_space<semaphore_mem>>) src(%arg22 : memref<80xf32, #tpu.memory_space<vmem>>) dst(%dma_wait3A_35 : memref<80xf32, #tpu.memory_space<hbm>>)
        tpu.yield
      }) : () -> ()
      %dma_wait3A = arith.constant 0 : i32
      %dma_wait3A_23 = arith.constant 0 : i32
      %dma_wait3A_24 = tpu.memref_slice %arg2[%dma_wait3A, %dma_wait3A_23] : memref<10000x128xf32, #tpu.memory_space<hbm>> -> memref<10000x128xf32, #tpu.memory_space<hbm>>
      tpu.wait_indirect_dma semaphore(%arg23 : memref<!tpu.dma_semaphore, #tpu.memory_space<semaphore_mem>>) src(%dma_wait3A_24 : memref<10000x128xf32, #tpu.memory_space<hbm>>) dst(%arg17 : memref<80x128xf32, #tpu.memory_space<vmem>>)
      "tpu.region"() ({
        %run_scoped3A = tpu.sem_alloc : memref<!tpu.dma_semaphore, #tpu.memory_space<semaphore_mem>>
        %dma_start3A_32 = arith.constant 0 : i32
        %dma_start3A_33 = tpu.memref_slice %arg7[%add3A_13, %dma_start3A_32] : memref<320000x128xf32, #tpu.memory_space<hbm>> -> memref<80x128xf32, #tpu.memory_space<hbm>>
        %dma_start3A_34 = arith.constant 0 : i32
        %dma_start3A_35 = tpu.memref_slice %arg7[%add3A_13, %dma_start3A_34] : memref<320000x128xf32, #tpu.memory_space<hbm>> -> memref<80x128xf32, #tpu.memory_space<hbm>>
        tpu.enqueue_dma source(%arg17 : memref<80x128xf32, #tpu.memory_space<vmem>>) target(%dma_start3A_35 : memref<80x128xf32, #tpu.memory_space<hbm>>) target_semaphore(%run_scoped3A : memref<!tpu.dma_semaphore, #tpu.memory_space<semaphore_mem>>)
        %dma_wait3A_36 = arith.constant 0 : i32
        %dma_wait3A_37 = tpu.memref_slice %arg7[%add3A_13, %dma_wait3A_36] : memref<320000x128xf32, #tpu.memory_space<hbm>> -> memref<80x128xf32, #tpu.memory_space<hbm>>
        %dma_wait3A_38 = arith.constant 0 : i32
        %dma_wait3A_39 = tpu.memref_slice %arg7[%add3A_13, %dma_wait3A_38] : memref<320000x128xf32, #tpu.memory_space<hbm>> -> memref<80x128xf32, #tpu.memory_space<hbm>>
        tpu.wait_dma2 semaphore(%run_scoped3A : memref<!tpu.dma_semaphore, #tpu.memory_space<semaphore_mem>>) src(%arg17 : memref<80x128xf32, #tpu.memory_space<vmem>>) dst(%dma_wait3A_39 : memref<80x128xf32, #tpu.memory_space<hbm>>)
        tpu.yield
      }) : () -> ()
      %dma_start3A_25 = arith.constant 0 : i32
      %dma_start3A_26 = arith.constant 0 : i32
      %dma_start3A_27 = tpu.memref_slice %arg3[%dma_start3A_25, %dma_start3A_26] : memref<10000x128xf32, #tpu.memory_space<hbm>> -> memref<10000x128xf32, #tpu.memory_space<hbm>>
      tpu.enqueue_indirect_dma source(%dma_start3A_27 : memref<10000x128xf32, #tpu.memory_space<hbm>>) target(%arg17 : memref<80x128xf32, #tpu.memory_space<vmem>>) offsets(%arg16 : memref<80xi32, #tpu.memory_space<vmem>>) semaphore(%arg23 : memref<!tpu.dma_semaphore, #tpu.memory_space<semaphore_mem>>)
      %dma_wait3A_28 = arith.constant 0 : i32
      %dma_wait3A_29 = arith.constant 0 : i32
      %dma_wait3A_30 = tpu.memref_slice %arg3[%dma_wait3A_28, %dma_wait3A_29] : memref<10000x128xf32, #tpu.memory_space<hbm>> -> memref<10000x128xf32, #tpu.memory_space<hbm>>
      tpu.wait_indirect_dma semaphore(%arg23 : memref<!tpu.dma_semaphore, #tpu.memory_space<semaphore_mem>>) src(%dma_wait3A_30 : memref<10000x128xf32, #tpu.memory_space<hbm>>) dst(%arg17 : memref<80x128xf32, #tpu.memory_space<vmem>>)
      "tpu.region"() ({
        %run_scoped3A = tpu.sem_alloc : memref<!tpu.dma_semaphore, #tpu.memory_space<semaphore_mem>>
        %dma_start3A_32 = arith.constant 0 : i32
        %dma_start3A_33 = tpu.memref_slice %arg8[%add3A_13, %dma_start3A_32] : memref<320000x128xf32, #tpu.memory_space<hbm>> -> memref<80x128xf32, #tpu.memory_space<hbm>>
        %dma_start3A_34 = arith.constant 0 : i32
        %dma_start3A_35 = tpu.memref_slice %arg8[%add3A_13, %dma_start3A_34] : memref<320000x128xf32, #tpu.memory_space<hbm>> -> memref<80x128xf32, #tpu.memory_space<hbm>>
        tpu.enqueue_dma source(%arg17 : memref<80x128xf32, #tpu.memory_space<vmem>>) target(%dma_start3A_35 : memref<80x128xf32, #tpu.memory_space<hbm>>) target_semaphore(%run_scoped3A : memref<!tpu.dma_semaphore, #tpu.memory_space<semaphore_mem>>)
        %dma_wait3A_36 = arith.constant 0 : i32
        %dma_wait3A_37 = tpu.memref_slice %arg8[%add3A_13, %dma_wait3A_36] : memref<320000x128xf32, #tpu.memory_space<hbm>> -> memref<80x128xf32, #tpu.memory_space<hbm>>
        %dma_wait3A_38 = arith.constant 0 : i32
        %dma_wait3A_39 = tpu.memref_slice %arg8[%add3A_13, %dma_wait3A_38] : memref<320000x128xf32, #tpu.memory_space<hbm>> -> memref<80x128xf32, #tpu.memory_space<hbm>>
        tpu.wait_dma2 semaphore(%run_scoped3A : memref<!tpu.dma_semaphore, #tpu.memory_space<semaphore_mem>>) src(%arg17 : memref<80x128xf32, #tpu.memory_space<vmem>>) dst(%dma_wait3A_39 : memref<80x128xf32, #tpu.memory_space<hbm>>)
        tpu.yield
      }) : () -> ()
      %scan3A_31 = arith.constant 0 : i32
      scf.yield %scan3A_31 : i32
    }
    %scan3A_8 = arith.constant 125 : i32
    return
  }
}

module attributes {stable_mosaic.version = 14 : i64} {
  func.func @_tables_body(%arg0: i32, %arg1: memref<2000x128xf32, #tpu.memory_space<vmem>>, %arg2: memref<2x128x128xf32, #tpu.memory_space<vmem>>, %arg3: memref<1x128xf32, #tpu.memory_space<vmem>>, %arg4: memref<2000x128xf32, #tpu.memory_space<vmem>>, %arg5: memref<2000x128xf32, #tpu.memory_space<vmem>>) attributes {dimension_semantics = [#tpu.dimension_semantics<arbitrary>], iteration_bounds = array<i64: 5>, scalar_prefetch = 0 : i64, scratch_operands = 0 : i64, tpu.core_type = #tpu.core_type<tc>, window_params = [{transform_indices = @transform_0, window_bounds = array<i64: 2000, 128>}, {pipeline_mode = #tpu.pipeline_mode<synchronous>, transform_indices = @transform_1, window_bounds = array<i64: 2, 128, 128>}, {pipeline_mode = #tpu.pipeline_mode<synchronous>, transform_indices = @transform_2, window_bounds = array<i64: 1, 128>}, {transform_indices = @transform_3, window_bounds = array<i64: 2000, 128>}, {transform_indices = @transform_4, window_bounds = array<i64: 2000, 128>}]} {
    %get3A = arith.constant 0 : index
    %get3A_0 = arith.constant 0 : index
    %get3A_1 = vector.load %arg1[%get3A, %get3A_0] : memref<2000x128xf32, #tpu.memory_space<vmem>>, vector<2000x128xf32>
    %get3A_2 = arith.constant 0 : index
    %get3A_3 = arith.constant 0 : index
    %get3A_4 = arith.constant 0 : index
    %get3A_5 = vector.load %arg2[%get3A_2, %get3A_3, %get3A_4] : memref<2x128x128xf32, #tpu.memory_space<vmem>>, vector<1x128x128xf32>
    %get3A_6 = vector.shape_cast %get3A_5 : vector<1x128x128xf32> to vector<128x128xf32>
    %dot_general3A = arith.constant dense<0.000000e+00> : vector<2000x128xf32>
    %dot_general3A_7 = tpu.matmul %get3A_1, %get3A_6, %dot_general3A {dimension_numbers = #tpu.dot_dimension_numbers<[1], [0], [0], [1], [0, 0, 1, 1], [], []>, transpose_lhs_hint = false} : vector<2000x128xf32>, vector<128x128xf32>, vector<2000x128xf32> -> vector<2000x128xf32>
    %get3A_8 = arith.constant 0 : index
    %get3A_9 = arith.constant 0 : index
    %get3A_10 = vector.load %arg3[%get3A_8, %get3A_9] : memref<1x128xf32, #tpu.memory_space<vmem>>, vector<1x128xf32>
    %add3A = vector.broadcast %get3A_10 : vector<1x128xf32> to vector<2000x128xf32>
    %add3A_11 = arith.addf %dot_general3A_7, %add3A : vector<2000x128xf32>
    %swap3A = arith.constant 0 : index
    %swap3A_12 = arith.constant 0 : index
    %swap3A_13 = vector.load %arg4[%swap3A, %swap3A_12] : memref<2000x128xf32, #tpu.memory_space<vmem>>, vector<2000x128xf32>
    tpu.vector_store %arg4[%swap3A, %swap3A_12], %add3A_11 {strides = array<i32>} : memref<2000x128xf32, #tpu.memory_space<vmem>>, vector<2000x128xf32>,
    %get3A_14 = arith.constant 1 : index
    %get3A_15 = arith.constant 0 : index
    %get3A_16 = arith.constant 0 : index
    %get3A_17 = vector.load %arg2[%get3A_14, %get3A_15, %get3A_16] : memref<2x128x128xf32, #tpu.memory_space<vmem>>, vector<1x128x128xf32>
    %get3A_18 = vector.shape_cast %get3A_17 : vector<1x128x128xf32> to vector<128x128xf32>
    %dot_general3A_19 = arith.constant dense<0.000000e+00> : vector<2000x128xf32>
    %dot_general3A_20 = tpu.matmul %get3A_1, %get3A_18, %dot_general3A_19 {dimension_numbers = #tpu.dot_dimension_numbers<[1], [0], [0], [1], [0, 0, 1, 1], [], []>, transpose_lhs_hint = false} : vector<2000x128xf32>, vector<128x128xf32>, vector<2000x128xf32> -> vector<2000x128xf32>
    %swap3A_21 = arith.constant 0 : index
    %swap3A_22 = arith.constant 0 : index
    %swap3A_23 = vector.load %arg5[%swap3A_21, %swap3A_22] : memref<2000x128xf32, #tpu.memory_space<vmem>>, vector<2000x128xf32>
    tpu.vector_store %arg5[%swap3A_21, %swap3A_22], %dot_general3A_20 {strides = array<i32>} : memref<2000x128xf32, #tpu.memory_space<vmem>>, vector<2000x128xf32>,
    return
  }
  func.func @transform_0(%arg0: i32) -> (i32, i32) {
    %c0_i32 = arith.constant 0 : i32
    %c0_i32_0 = arith.constant 0 : i32
    return %arg0, %c0_i32 : i32, i32
  }
  func.func @transform_1(%arg0: i32) -> (i32, i32, i32) {
    %c0_i32 = arith.constant 0 : i32
    %c0_i32_0 = arith.constant 0 : i32
    %c0_i32_1 = arith.constant 0 : i32
    %c0_i32_2 = arith.constant 0 : i32
    return %c0_i32, %c0_i32_0, %c0_i32_1 : i32, i32, i32
  }
  func.func @transform_2(%arg0: i32) -> (i32, i32) {
    %c0_i32 = arith.constant 0 : i32
    %c0_i32_0 = arith.constant 0 : i32
    %c0_i32_1 = arith.constant 0 : i32
    return %c0_i32, %c0_i32_0 : i32, i32
  }
  func.func @transform_3(%arg0: i32) -> (i32, i32) {
    %c0_i32 = arith.constant 0 : i32
    %c0_i32_0 = arith.constant 0 : i32
    return %arg0, %c0_i32 : i32, i32
  }
  func.func @transform_4(%arg0: i32) -> (i32, i32) {
    %c0_i32 = arith.constant 0 : i32
    %c0_i32_0 = arith.constant 0 : i32
    return %arg0, %c0_i32 : i32, i32
  }
}

module attributes {stable_mosaic.version = 14 : i64} {
  func.func @_edge_body(%arg0: i32, %arg1: memref<512x128xf32, #tpu.memory_space<vmem>>, %arg2: memref<512x128xf32, #tpu.memory_space<vmem>>, %arg3: memref<512x18xf32, #tpu.memory_space<vmem>>, %arg4: memref<18x128xf32, #tpu.memory_space<vmem>>, %arg5: memref<128x1xf32, #tpu.memory_space<vmem>>, %arg6: memref<512x128xf32, #tpu.memory_space<vmem>>, %arg7: memref<512xf32, #tpu.memory_space<vmem>>) attributes {dimension_semantics = [#tpu.dimension_semantics<arbitrary>], iteration_bounds = array<i64: 625>, scalar_prefetch = 0 : i64, scratch_operands = 0 : i64, tpu.core_type = #tpu.core_type<tc>, window_params = [{transform_indices = @transform_0, window_bounds = array<i64: 512, 128>}, {transform_indices = @transform_1, window_bounds = array<i64: 512, 128>}, {transform_indices = @transform_2, window_bounds = array<i64: 512, 18>}, {pipeline_mode = #tpu.pipeline_mode<synchronous>, transform_indices = @transform_3, window_bounds = array<i64: 18, 128>}, {pipeline_mode = #tpu.pipeline_mode<synchronous>, transform_indices = @transform_4, window_bounds = array<i64: 128, 1>}, {transform_indices = @transform_5, window_bounds = array<i64: 512, 128>}, {transform_indices = @transform_6, window_bounds = array<i64: 512>}]} {
    %get3A = arith.constant 0 : index
    %get3A_0 = arith.constant 0 : index
    %get3A_1 = vector.load %arg1[%get3A, %get3A_0] : memref<512x128xf32, #tpu.memory_space<vmem>>, vector<512x128xf32>
    %get3A_2 = arith.constant 0 : index
    %get3A_3 = arith.constant 0 : index
    %get3A_4 = vector.load %arg2[%get3A_2, %get3A_3] : memref<512x128xf32, #tpu.memory_space<vmem>>, vector<512x128xf32>
    %get3A_5 = arith.constant 0 : index
    %get3A_6 = arith.constant 0 : index
    %get3A_7 = vector.load %arg3[%get3A_5, %get3A_6] : memref<512x18xf32, #tpu.memory_space<vmem>>, vector<512x18xf32>
    %slice3A = vector.extract_strided_slice %get3A_7 {offsets = [0, 17], sizes = [512, 1], strides = [1, 1]} : vector<512x18xf32> to vector<512x1xf32>
    %add3A = arith.addf %get3A_1, %get3A_4 : vector<512x128xf32>
    %get3A_8 = arith.constant 0 : index
    %get3A_9 = arith.constant 0 : index
    %get3A_10 = vector.load %arg4[%get3A_8, %get3A_9] : memref<18x128xf32, #tpu.memory_space<vmem>>, vector<18x128xf32>
    %dot_general3A = arith.constant dense<0.000000e+00> : vector<512x128xf32>
    %dot_general3A_11 = tpu.matmul %get3A_7, %get3A_10, %dot_general3A {dimension_numbers = #tpu.dot_dimension_numbers<[1], [0], [0], [1], [0, 0, 1, 1], [], []>, transpose_lhs_hint = false} : vector<512x18xf32>, vector<18x128xf32>, vector<512x128xf32> -> vector<512x128xf32>
    %add3A_12 = arith.addf %add3A, %dot_general3A_11 : vector<512x128xf32>
    %max3A = arith.constant 0.000000e+00 : f32
    %max3A_13 = vector.broadcast %max3A : f32 to vector<512x128xf32>
    %max3A_14 = arith.maximumf %add3A_12, %max3A_13 : vector<512x128xf32>
    %mul3A = vector.broadcast %slice3A : vector<512x1xf32> to vector<512x128xf32>
    %mul3A_15 = arith.mulf %max3A_14, %mul3A : vector<512x128xf32>
    %get3A_16 = arith.constant 0 : index
    %get3A_17 = arith.constant 0 : index
    %get3A_18 = vector.load %arg5[%get3A_16, %get3A_17] : memref<128x1xf32, #tpu.memory_space<vmem>>, vector<128x1xf32>
    %dot_general3A_19 = arith.constant dense<0.000000e+00> : vector<512x1xf32>
    %dot_general3A_20 = tpu.matmul %mul3A_15, %get3A_18, %dot_general3A_19 {dimension_numbers = #tpu.dot_dimension_numbers<[1], [0], [0], [1], [0, 0, 1, 1], [], []>, transpose_lhs_hint = false} : vector<512x128xf32>, vector<128x1xf32>, vector<512x1xf32> -> vector<512x1xf32>
    %tanh3A = math.tanh %dot_general3A_20 : vector<512x1xf32>
    %mul3A_21 = arith.mulf %tanh3A, %slice3A : vector<512x1xf32>
    %swap3A = arith.constant 0 : index
    %swap3A_22 = arith.constant 0 : index
    %swap3A_23 = vector.load %arg6[%swap3A, %swap3A_22] : memref<512x128xf32, #tpu.memory_space<vmem>>, vector<512x128xf32>
    tpu.vector_store %arg6[%swap3A, %swap3A_22], %mul3A_15 {strides = array<i32>} : memref<512x128xf32, #tpu.memory_space<vmem>>, vector<512x128xf32>,
    %reshape3A = vector.shape_cast %mul3A_21 : vector<512x1xf32> to vector<512xf32>
    %swap3A_24 = arith.constant 0 : index
    %swap3A_25 = vector.load %arg7[%swap3A_24] : memref<512xf32, #tpu.memory_space<vmem>>, vector<512xf32>
    tpu.vector_store %arg7[%swap3A_24], %reshape3A {strides = array<i32>} : memref<512xf32, #tpu.memory_space<vmem>>, vector<512xf32>,
    return
  }
  func.func @transform_0(%arg0: i32) -> (i32, i32) {
    %c0_i32 = arith.constant 0 : i32
    %c0_i32_0 = arith.constant 0 : i32
    return %arg0, %c0_i32 : i32, i32
  }
  func.func @transform_1(%arg0: i32) -> (i32, i32) {
    %c0_i32 = arith.constant 0 : i32
    %c0_i32_0 = arith.constant 0 : i32
    return %arg0, %c0_i32 : i32, i32
  }
  func.func @transform_2(%arg0: i32) -> (i32, i32) {
    %c0_i32 = arith.constant 0 : i32
    %c0_i32_0 = arith.constant 0 : i32
    return %arg0, %c0_i32 : i32, i32
  }
  func.func @transform_3(%arg0: i32) -> (i32, i32) {
    %c0_i32 = arith.constant 0 : i32
    %c0_i32_0 = arith.constant 0 : i32
    %c0_i32_1 = arith.constant 0 : i32
    return %c0_i32, %c0_i32_0 : i32, i32
  }
  func.func @transform_4(%arg0: i32) -> (i32, i32) {
    %c0_i32 = arith.constant 0 : i32
    %c0_i32_0 = arith.constant 0 : i32
    %c0_i32_1 = arith.constant 0 : i32
    return %c0_i32, %c0_i32_0 : i32, i32
  }
  func.func @transform_5(%arg0: i32) -> (i32, i32) {
    %c0_i32 = arith.constant 0 : i32
    %c0_i32_0 = arith.constant 0 : i32
    return %arg0, %c0_i32 : i32, i32
  }
  func.func @transform_6(%arg0: i32) -> i32 {
    %c0_i32 = arith.constant 0 : i32
    return %arg0 : i32
  }
}

module attributes {stable_mosaic.version = 14 : i64} {
  func.func @wrapped(%arg0: i32, %arg1: memref<2000x128xf32, #tpu.memory_space<vmem>>, %arg2: memref<2000x4xf32, #tpu.memory_space<vmem>>, %arg3: memref<2000x128xf32, #tpu.memory_space<vmem>>, %arg4: memref<2000x3xf32, #tpu.memory_space<vmem>>, %arg5: memref<2000x1xf32, #tpu.memory_space<vmem>>, %arg6: memref<2x128x128xf32, #tpu.memory_space<vmem>>, %arg7: memref<1x128xf32, #tpu.memory_space<vmem>>, %arg8: memref<1x128xf32, #tpu.memory_space<vmem>>, %arg9: memref<2000x3xf32, #tpu.memory_space<vmem>>, %arg10: memref<128x3xf32, #tpu.memory_space<vmem>>, %arg11: memref<1x3xf32, #tpu.memory_space<vmem>>, %arg12: memref<2000x128xf32, #tpu.memory_space<vmem>>, %arg13: memref<2000x3xf32, #tpu.memory_space<vmem>>) attributes {dimension_semantics = [#tpu.dimension_semantics<arbitrary>], iteration_bounds = array<i64: 5>, scalar_prefetch = 0 : i64, scratch_operands = 0 : i64, tpu.core_type = #tpu.core_type<tc>, window_params = [{transform_indices = @transform_0, window_bounds = array<i64: 2000, 128>}, {transform_indices = @transform_1, window_bounds = array<i64: 2000, 4>}, {transform_indices = @transform_2, window_bounds = array<i64: 2000, 128>}, {transform_indices = @transform_3, window_bounds = array<i64: 2000, 3>}, {transform_indices = @transform_4, window_bounds = array<i64: 2000, 1>}, {pipeline_mode = #tpu.pipeline_mode<synchronous>, transform_indices = @transform_5, window_bounds = array<i64: 2, 128, 128>}, {pipeline_mode = #tpu.pipeline_mode<synchronous>, transform_indices = @transform_6, window_bounds = array<i64: 1, 128>}, {pipeline_mode = #tpu.pipeline_mode<synchronous>, transform_indices = @transform_7, window_bounds = array<i64: 1, 128>}, {transform_indices = @transform_8, window_bounds = array<i64: 2000, 3>}, {pipeline_mode = #tpu.pipeline_mode<synchronous>, transform_indices = @transform_9, window_bounds = array<i64: 128, 3>}, {pipeline_mode = #tpu.pipeline_mode<synchronous>, transform_indices = @transform_10, window_bounds = array<i64: 1, 3>}, {transform_indices = @transform_11, window_bounds = array<i64: 2000, 128>}, {transform_indices = @transform_12, window_bounds = array<i64: 2000, 3>}]} {
    %get3A = arith.constant 0 : index
    %get3A_0 = arith.constant 0 : index
    %get3A_1 = vector.load %arg2[%get3A, %get3A_0] : memref<2000x4xf32, #tpu.memory_space<vmem>>, vector<2000x4xf32>
    %slice3A = vector.extract_strided_slice %get3A_1 {offsets = [0, 3], sizes = [2000, 1], strides = [1, 1]} : vector<2000x4xf32> to vector<2000x1xf32>
    %add3A = arith.constant 1.000000e+00 : f32
    %add3A_2 = vector.broadcast %add3A : f32 to vector<2000x1xf32>
    %add3A_3 = arith.addf %slice3A, %add3A_2 : vector<2000x1xf32>
    %get3A_4 = arith.constant 0 : index
    %get3A_5 = arith.constant 0 : index
    %get3A_6 = vector.load %arg1[%get3A_4, %get3A_5] : memref<2000x128xf32, #tpu.memory_space<vmem>>, vector<2000x128xf32>
    %get3A_7 = arith.constant 0 : index
    %get3A_8 = arith.constant 0 : index
    %get3A_9 = vector.load %arg3[%get3A_7, %get3A_8] : memref<2000x128xf32, #tpu.memory_space<vmem>>, vector<2000x128xf32>
    %get3A_10 = arith.constant 0 : index
    %get3A_11 = arith.constant 0 : index
    %get3A_12 = arith.constant 0 : index
    %get3A_13 = vector.load %arg6[%get3A_10, %get3A_11, %get3A_12] : memref<2x128x128xf32, #tpu.memory_space<vmem>>, vector<1x128x128xf32>
    %get3A_14 = vector.shape_cast %get3A_13 : vector<1x128x128xf32> to vector<128x128xf32>
    %dot_general3A = arith.constant dense<0.000000e+00> : vector<2000x128xf32>
    %dot_general3A_15 = tpu.matmul %get3A_9, %get3A_14, %dot_general3A {dimension_numbers = #tpu.dot_dimension_numbers<[1], [0], [0], [1], [0, 0, 1, 1], [], []>, transpose_lhs_hint = false} : vector<2000x128xf32>, vector<128x128xf32>, vector<2000x128xf32> -> vector<2000x128xf32>
    %get3A_16 = arith.constant 1 : index
    %get3A_17 = arith.constant 0 : index
    %get3A_18 = arith.constant 0 : index
    %get3A_19 = vector.load %arg6[%get3A_16, %get3A_17, %get3A_18] : memref<2x128x128xf32, #tpu.memory_space<vmem>>, vector<1x128x128xf32>
    %get3A_20 = vector.shape_cast %get3A_19 : vector<1x128x128xf32> to vector<128x128xf32>
    %dot_general3A_21 = arith.constant dense<0.000000e+00> : vector<2000x128xf32>
    %dot_general3A_22 = tpu.matmul %get3A_6, %get3A_20, %dot_general3A_21 {dimension_numbers = #tpu.dot_dimension_numbers<[1], [0], [0], [1], [0, 0, 1, 1], [], []>, transpose_lhs_hint = false} : vector<2000x128xf32>, vector<128x128xf32>, vector<2000x128xf32> -> vector<2000x128xf32>
    %div3A = vector.broadcast %add3A_3 : vector<2000x1xf32> to vector<2000x128xf32>
    %div3A_23 = arith.divf %dot_general3A_22, %div3A : vector<2000x128xf32>
    %add3A_24 = arith.addf %dot_general3A_15, %div3A_23 : vector<2000x128xf32>
    %get3A_25 = arith.constant 0 : index
    %get3A_26 = arith.constant 0 : index
    %get3A_27 = vector.load %arg7[%get3A_25, %get3A_26] : memref<1x128xf32, #tpu.memory_space<vmem>>, vector<1x128xf32>
    %add3A_28 = vector.broadcast %get3A_27 : vector<1x128xf32> to vector<2000x128xf32>
    %add3A_29 = arith.addf %add3A_24, %add3A_28 : vector<2000x128xf32>
    %max3A = arith.constant 0.000000e+00 : f32
    %max3A_30 = vector.broadcast %max3A : f32 to vector<2000x128xf32>
    %max3A_31 = arith.maximumf %add3A_29, %max3A_30 : vector<2000x128xf32>
    %get3A_32 = arith.constant 0 : index
    %get3A_33 = arith.constant 0 : index
    %get3A_34 = vector.load %arg4[%get3A_32, %get3A_33] : memref<2000x3xf32, #tpu.memory_space<vmem>>, vector<2000x3xf32>
    %slice3A_35 = vector.extract_strided_slice %get3A_1 {offsets = [0, 0], sizes = [2000, 3], strides = [1, 1]} : vector<2000x4xf32> to vector<2000x3xf32>
    %div3A_36 = vector.broadcast %add3A_3 : vector<2000x1xf32> to vector<2000x3xf32>
    %div3A_37 = arith.divf %slice3A_35, %div3A_36 : vector<2000x3xf32>
    %add3A_38 = arith.addf %get3A_34, %div3A_37 : vector<2000x3xf32>
    %get3A_39 = arith.constant 0 : index
    %get3A_40 = arith.constant 0 : index
    %get3A_41 = vector.load %arg5[%get3A_39, %get3A_40] : memref<2000x1xf32, #tpu.memory_space<vmem>>, vector<2000x1xf32>
    %mul3A = vector.broadcast %get3A_41 : vector<2000x1xf32> to vector<2000x128xf32>
    %mul3A_42 = arith.mulf %mul3A, %max3A_31 : vector<2000x128xf32>
    %sub3A = arith.constant 1.000000e+00 : f32
    %sub3A_43 = vector.broadcast %sub3A : f32 to vector<2000x1xf32>
    %sub3A_44 = arith.subf %sub3A_43, %get3A_41 : vector<2000x1xf32>
    %get3A_45 = arith.constant 0 : index
    %get3A_46 = arith.constant 0 : index
    %get3A_47 = vector.load %arg8[%get3A_45, %get3A_46] : memref<1x128xf32, #tpu.memory_space<vmem>>, vector<1x128xf32>
    %mul3A_48 = vector.broadcast %sub3A_44 : vector<2000x1xf32> to vector<2000x128xf32>
    %mul3A_49 = vector.broadcast %get3A_47 : vector<1x128xf32> to vector<2000x128xf32>
    %mul3A_50 = arith.mulf %mul3A_48, %mul3A_49 : vector<2000x128xf32>
    %add3A_51 = arith.addf %mul3A_42, %mul3A_50 : vector<2000x128xf32>
    %swap3A = arith.constant 0 : index
    %swap3A_52 = arith.constant 0 : index
    %swap3A_53 = vector.load %arg12[%swap3A, %swap3A_52] : memref<2000x128xf32, #tpu.memory_space<vmem>>, vector<2000x128xf32>
    tpu.vector_store %arg12[%swap3A, %swap3A_52], %add3A_51 {strides = array<i32>} : memref<2000x128xf32, #tpu.memory_space<vmem>>, vector<2000x128xf32>,
    %mul3A_54 = vector.broadcast %get3A_41 : vector<2000x1xf32> to vector<2000x3xf32>
    %mul3A_55 = arith.mulf %mul3A_54, %add3A_38 : vector<2000x3xf32>
    %sub3A_56 = arith.constant 1.000000e+00 : f32
    %sub3A_57 = vector.broadcast %sub3A_56 : f32 to vector<2000x1xf32>
    %sub3A_58 = arith.subf %sub3A_57, %get3A_41 : vector<2000x1xf32>
    %get3A_59 = arith.constant 0 : index
    %get3A_60 = arith.constant 0 : index
    %get3A_61 = vector.load %arg9[%get3A_59, %get3A_60] : memref<2000x3xf32, #tpu.memory_space<vmem>>, vector<2000x3xf32>
    %mul3A_62 = vector.broadcast %sub3A_58 : vector<2000x1xf32> to vector<2000x3xf32>
    %mul3A_63 = arith.mulf %mul3A_62, %get3A_61 : vector<2000x3xf32>
    %add3A_64 = arith.addf %mul3A_55, %mul3A_63 : vector<2000x3xf32>
    %swap3A_65 = arith.constant 0 : index
    %swap3A_66 = arith.constant 0 : index
    %swap3A_67 = vector.load %arg13[%swap3A_65, %swap3A_66] : memref<2000x3xf32, #tpu.memory_space<vmem>>, vector<2000x3xf32>
    tpu.vector_store %arg13[%swap3A_65, %swap3A_66], %add3A_64 {strides = array<i32>} : memref<2000x3xf32, #tpu.memory_space<vmem>>, vector<2000x3xf32>,
    return
  }
  func.func @transform_0(%arg0: i32) -> (i32, i32) {
    %c0_i32 = arith.constant 0 : i32
    %c0_i32_0 = arith.constant 0 : i32
    return %arg0, %c0_i32 : i32, i32
  }
  func.func @transform_1(%arg0: i32) -> (i32, i32) {
    %c0_i32 = arith.constant 0 : i32
    %c0_i32_0 = arith.constant 0 : i32
    return %arg0, %c0_i32 : i32, i32
  }
  func.func @transform_2(%arg0: i32) -> (i32, i32) {
    %c0_i32 = arith.constant 0 : i32
    %c0_i32_0 = arith.constant 0 : i32
    return %arg0, %c0_i32 : i32, i32
  }
  func.func @transform_3(%arg0: i32) -> (i32, i32) {
    %c0_i32 = arith.constant 0 : i32
    %c0_i32_0 = arith.constant 0 : i32
    return %arg0, %c0_i32 : i32, i32
  }
  func.func @transform_4(%arg0: i32) -> (i32, i32) {
    %c0_i32 = arith.constant 0 : i32
    %c0_i32_0 = arith.constant 0 : i32
    return %arg0, %c0_i32 : i32, i32
  }
  func.func @transform_5(%arg0: i32) -> (i32, i32, i32) {
    %c0_i32 = arith.constant 0 : i32
    %c0_i32_0 = arith.constant 0 : i32
    %c0_i32_1 = arith.constant 0 : i32
    %c0_i32_2 = arith.constant 0 : i32
    return %c0_i32, %c0_i32_0, %c0_i32_1 : i32, i32, i32
  }
  func.func @transform_6(%arg0: i32) -> (i32, i32) {
    %c0_i32 = arith.constant 0 : i32
    %c0_i32_0 = arith.constant 0 : i32
    %c0_i32_1 = arith.constant 0 : i32
    return %c0_i32, %c0_i32_0 : i32, i32
  }
  func.func @transform_7(%arg0: i32) -> (i32, i32) {
    %c0_i32 = arith.constant 0 : i32
    %c0_i32_0 = arith.constant 0 : i32
    %c0_i32_1 = arith.constant 0 : i32
    return %c0_i32, %c0_i32_0 : i32, i32
  }
  func.func @transform_8(%arg0: i32) -> (i32, i32) {
    %c0_i32 = arith.constant 0 : i32
    %c0_i32_0 = arith.constant 0 : i32
    return %arg0, %c0_i32 : i32, i32
  }
  func.func @transform_9(%arg0: i32) -> (i32, i32) {
    %c0_i32 = arith.constant 0 : i32
    %c0_i32_0 = arith.constant 0 : i32
    %c0_i32_1 = arith.constant 0 : i32
    return %c0_i32, %c0_i32_0 : i32, i32
  }
  func.func @transform_10(%arg0: i32) -> (i32, i32) {
    %c0_i32 = arith.constant 0 : i32
    %c0_i32_0 = arith.constant 0 : i32
    %c0_i32_1 = arith.constant 0 : i32
    return %c0_i32, %c0_i32_0 : i32, i32
  }
  func.func @transform_11(%arg0: i32) -> (i32, i32) {
    %c0_i32 = arith.constant 0 : i32
    %c0_i32_0 = arith.constant 0 : i32
    return %arg0, %c0_i32 : i32, i32
  }
  func.func @transform_12(%arg0: i32) -> (i32, i32) {
    %c0_i32 = arith.constant 0 : i32
    %c0_i32_0 = arith.constant 0 : i32
    return %arg0, %c0_i32 : i32, i32
  }
}

module attributes {stable_mosaic.version = 14 : i64} {
  func.func @wrapped(%arg0: i32, %arg1: memref<2000x128xf32, #tpu.memory_space<vmem>>, %arg2: memref<2000x4xf32, #tpu.memory_space<vmem>>, %arg3: memref<2000x128xf32, #tpu.memory_space<vmem>>, %arg4: memref<2000x3xf32, #tpu.memory_space<vmem>>, %arg5: memref<2000x1xf32, #tpu.memory_space<vmem>>, %arg6: memref<2x128x128xf32, #tpu.memory_space<vmem>>, %arg7: memref<1x128xf32, #tpu.memory_space<vmem>>, %arg8: memref<1x128xf32, #tpu.memory_space<vmem>>, %arg9: memref<2000x3xf32, #tpu.memory_space<vmem>>, %arg10: memref<128x3xf32, #tpu.memory_space<vmem>>, %arg11: memref<1x3xf32, #tpu.memory_space<vmem>>, %arg12: memref<2000x128xf32, #tpu.memory_space<vmem>>) attributes {dimension_semantics = [#tpu.dimension_semantics<arbitrary>], iteration_bounds = array<i64: 5>, scalar_prefetch = 0 : i64, scratch_operands = 0 : i64, tpu.core_type = #tpu.core_type<tc>, window_params = [{transform_indices = @transform_0, window_bounds = array<i64: 2000, 128>}, {transform_indices = @transform_1, window_bounds = array<i64: 2000, 4>}, {transform_indices = @transform_2, window_bounds = array<i64: 2000, 128>}, {transform_indices = @transform_3, window_bounds = array<i64: 2000, 3>}, {transform_indices = @transform_4, window_bounds = array<i64: 2000, 1>}, {pipeline_mode = #tpu.pipeline_mode<synchronous>, transform_indices = @transform_5, window_bounds = array<i64: 2, 128, 128>}, {pipeline_mode = #tpu.pipeline_mode<synchronous>, transform_indices = @transform_6, window_bounds = array<i64: 1, 128>}, {pipeline_mode = #tpu.pipeline_mode<synchronous>, transform_indices = @transform_7, window_bounds = array<i64: 1, 128>}, {transform_indices = @transform_8, window_bounds = array<i64: 2000, 3>}, {pipeline_mode = #tpu.pipeline_mode<synchronous>, transform_indices = @transform_9, window_bounds = array<i64: 128, 3>}, {pipeline_mode = #tpu.pipeline_mode<synchronous>, transform_indices = @transform_10, window_bounds = array<i64: 1, 3>}, {transform_indices = @transform_11, window_bounds = array<i64: 2000, 128>}]} {
    %get3A = arith.constant 0 : index
    %get3A_0 = arith.constant 0 : index
    %get3A_1 = vector.load %arg2[%get3A, %get3A_0] : memref<2000x4xf32, #tpu.memory_space<vmem>>, vector<2000x4xf32>
    %slice3A = vector.extract_strided_slice %get3A_1 {offsets = [0, 3], sizes = [2000, 1], strides = [1, 1]} : vector<2000x4xf32> to vector<2000x1xf32>
    %add3A = arith.constant 1.000000e+00 : f32
    %add3A_2 = vector.broadcast %add3A : f32 to vector<2000x1xf32>
    %add3A_3 = arith.addf %slice3A, %add3A_2 : vector<2000x1xf32>
    %get3A_4 = arith.constant 0 : index
    %get3A_5 = arith.constant 0 : index
    %get3A_6 = vector.load %arg1[%get3A_4, %get3A_5] : memref<2000x128xf32, #tpu.memory_space<vmem>>, vector<2000x128xf32>
    %get3A_7 = arith.constant 0 : index
    %get3A_8 = arith.constant 0 : index
    %get3A_9 = vector.load %arg3[%get3A_7, %get3A_8] : memref<2000x128xf32, #tpu.memory_space<vmem>>, vector<2000x128xf32>
    %get3A_10 = arith.constant 0 : index
    %get3A_11 = arith.constant 0 : index
    %get3A_12 = arith.constant 0 : index
    %get3A_13 = vector.load %arg6[%get3A_10, %get3A_11, %get3A_12] : memref<2x128x128xf32, #tpu.memory_space<vmem>>, vector<1x128x128xf32>
    %get3A_14 = vector.shape_cast %get3A_13 : vector<1x128x128xf32> to vector<128x128xf32>
    %dot_general3A = arith.constant dense<0.000000e+00> : vector<2000x128xf32>
    %dot_general3A_15 = tpu.matmul %get3A_9, %get3A_14, %dot_general3A {dimension_numbers = #tpu.dot_dimension_numbers<[1], [0], [0], [1], [0, 0, 1, 1], [], []>, transpose_lhs_hint = false} : vector<2000x128xf32>, vector<128x128xf32>, vector<2000x128xf32> -> vector<2000x128xf32>
    %get3A_16 = arith.constant 1 : index
    %get3A_17 = arith.constant 0 : index
    %get3A_18 = arith.constant 0 : index
    %get3A_19 = vector.load %arg6[%get3A_16, %get3A_17, %get3A_18] : memref<2x128x128xf32, #tpu.memory_space<vmem>>, vector<1x128x128xf32>
    %get3A_20 = vector.shape_cast %get3A_19 : vector<1x128x128xf32> to vector<128x128xf32>
    %dot_general3A_21 = arith.constant dense<0.000000e+00> : vector<2000x128xf32>
    %dot_general3A_22 = tpu.matmul %get3A_6, %get3A_20, %dot_general3A_21 {dimension_numbers = #tpu.dot_dimension_numbers<[1], [0], [0], [1], [0, 0, 1, 1], [], []>, transpose_lhs_hint = false} : vector<2000x128xf32>, vector<128x128xf32>, vector<2000x128xf32> -> vector<2000x128xf32>
    %div3A = vector.broadcast %add3A_3 : vector<2000x1xf32> to vector<2000x128xf32>
    %div3A_23 = arith.divf %dot_general3A_22, %div3A : vector<2000x128xf32>
    %add3A_24 = arith.addf %dot_general3A_15, %div3A_23 : vector<2000x128xf32>
    %get3A_25 = arith.constant 0 : index
    %get3A_26 = arith.constant 0 : index
    %get3A_27 = vector.load %arg7[%get3A_25, %get3A_26] : memref<1x128xf32, #tpu.memory_space<vmem>>, vector<1x128xf32>
    %add3A_28 = vector.broadcast %get3A_27 : vector<1x128xf32> to vector<2000x128xf32>
    %add3A_29 = arith.addf %add3A_24, %add3A_28 : vector<2000x128xf32>
    %max3A = arith.constant 0.000000e+00 : f32
    %max3A_30 = vector.broadcast %max3A : f32 to vector<2000x128xf32>
    %max3A_31 = arith.maximumf %add3A_29, %max3A_30 : vector<2000x128xf32>
    %get3A_32 = arith.constant 0 : index
    %get3A_33 = arith.constant 0 : index
    %get3A_34 = vector.load %arg4[%get3A_32, %get3A_33] : memref<2000x3xf32, #tpu.memory_space<vmem>>, vector<2000x3xf32>
    %slice3A_35 = vector.extract_strided_slice %get3A_1 {offsets = [0, 0], sizes = [2000, 3], strides = [1, 1]} : vector<2000x4xf32> to vector<2000x3xf32>
    %div3A_36 = vector.broadcast %add3A_3 : vector<2000x1xf32> to vector<2000x3xf32>
    %div3A_37 = arith.divf %slice3A_35, %div3A_36 : vector<2000x3xf32>
    %add3A_38 = arith.addf %get3A_34, %div3A_37 : vector<2000x3xf32>
    %get3A_39 = arith.constant 0 : index
    %get3A_40 = arith.constant 0 : index
    %get3A_41 = vector.load %arg10[%get3A_39, %get3A_40] : memref<128x3xf32, #tpu.memory_space<vmem>>, vector<128x3xf32>
    %dot_general3A_42 = arith.constant dense<0.000000e+00> : vector<2000x3xf32>
    %dot_general3A_43 = tpu.matmul %max3A_31, %get3A_41, %dot_general3A_42 {dimension_numbers = #tpu.dot_dimension_numbers<[1], [0], [0], [1], [0, 0, 1, 1], [], []>, transpose_lhs_hint = false} : vector<2000x128xf32>, vector<128x3xf32>, vector<2000x3xf32> -> vector<2000x3xf32>
    %get3A_44 = arith.constant 0 : index
    %get3A_45 = arith.constant 0 : index
    %get3A_46 = vector.load %arg11[%get3A_44, %get3A_45] : memref<1x3xf32, #tpu.memory_space<vmem>>, vector<1x3xf32>
    %add3A_47 = vector.broadcast %get3A_46 : vector<1x3xf32> to vector<2000x3xf32>
    %add3A_48 = arith.addf %dot_general3A_43, %add3A_47 : vector<2000x3xf32>
    %add3A_49 = arith.addf %add3A_48, %add3A_38 : vector<2000x3xf32>
    %broadcast_in_dim3A = arith.constant 0.000000e+00 : f32
    %broadcast_in_dim3A_50 = vector.broadcast %broadcast_in_dim3A : f32 to vector<2000x125xf32>
    %concatenate3A = tpu.concatenate %add3A_49, %broadcast_in_dim3A_50 in 1 : vector<2000x3xf32>, vector<2000x125xf32> -> vector<2000x128xf32>
    %swap3A = arith.constant 0 : index
    %swap3A_51 = arith.constant 0 : index
    %swap3A_52 = vector.load %arg12[%swap3A, %swap3A_51] : memref<2000x128xf32, #tpu.memory_space<vmem>>, vector<2000x128xf32>
    tpu.vector_store %arg12[%swap3A, %swap3A_51], %concatenate3A {strides = array<i32>} : memref<2000x128xf32, #tpu.memory_space<vmem>>, vector<2000x128xf32>,
    return
  }
  func.func @transform_0(%arg0: i32) -> (i32, i32) {
    %c0_i32 = arith.constant 0 : i32
    %c0_i32_0 = arith.constant 0 : i32
    return %arg0, %c0_i32 : i32, i32
  }
  func.func @transform_1(%arg0: i32) -> (i32, i32) {
    %c0_i32 = arith.constant 0 : i32
    %c0_i32_0 = arith.constant 0 : i32
    return %arg0, %c0_i32 : i32, i32
  }
  func.func @transform_2(%arg0: i32) -> (i32, i32) {
    %c0_i32 = arith.constant 0 : i32
    %c0_i32_0 = arith.constant 0 : i32
    return %arg0, %c0_i32 : i32, i32
  }
  func.func @transform_3(%arg0: i32) -> (i32, i32) {
    %c0_i32 = arith.constant 0 : i32
    %c0_i32_0 = arith.constant 0 : i32
    return %arg0, %c0_i32 : i32, i32
  }
  func.func @transform_4(%arg0: i32) -> (i32, i32) {
    %c0_i32 = arith.constant 0 : i32
    %c0_i32_0 = arith.constant 0 : i32
    return %arg0, %c0_i32 : i32, i32
  }
  func.func @transform_5(%arg0: i32) -> (i32, i32, i32) {
    %c0_i32 = arith.constant 0 : i32
    %c0_i32_0 = arith.constant 0 : i32
    %c0_i32_1 = arith.constant 0 : i32
    %c0_i32_2 = arith.constant 0 : i32
    return %c0_i32, %c0_i32_0, %c0_i32_1 : i32, i32, i32
  }
  func.func @transform_6(%arg0: i32) -> (i32, i32) {
    %c0_i32 = arith.constant 0 : i32
    %c0_i32_0 = arith.constant 0 : i32
    %c0_i32_1 = arith.constant 0 : i32
    return %c0_i32, %c0_i32_0 : i32, i32
  }
  func.func @transform_7(%arg0: i32) -> (i32, i32) {
    %c0_i32 = arith.constant 0 : i32
    %c0_i32_0 = arith.constant 0 : i32
    %c0_i32_1 = arith.constant 0 : i32
    return %c0_i32, %c0_i32_0 : i32, i32
  }
  func.func @transform_8(%arg0: i32) -> (i32, i32) {
    %c0_i32 = arith.constant 0 : i32
    %c0_i32_0 = arith.constant 0 : i32
    return %arg0, %c0_i32 : i32, i32
  }
  func.func @transform_9(%arg0: i32) -> (i32, i32) {
    %c0_i32 = arith.constant 0 : i32
    %c0_i32_0 = arith.constant 0 : i32
    %c0_i32_1 = arith.constant 0 : i32
    return %c0_i32, %c0_i32_0 : i32, i32
  }
  func.func @transform_10(%arg0: i32) -> (i32, i32) {
    %c0_i32 = arith.constant 0 : i32
    %c0_i32_0 = arith.constant 0 : i32
    %c0_i32_1 = arith.constant 0 : i32
    return %c0_i32, %c0_i32_0 : i32, i32
  }
  func.func @transform_11(%arg0: i32) -> (i32, i32) {
    %c0_i32 = arith.constant 0 : i32
    %c0_i32_0 = arith.constant 0 : i32
    return %arg0, %c0_i32 : i32, i32
  }
}

</mosaic_0001>

<sc_bundles>
// kernel: kernel.13.cloned.1.call-start
scs
__scs_entry_jumppad:
0x0: {  	(pc) =	sbr.rel $0x88, $3  }
0x1: {  	(tag) =	ssettag $0x0;
	lr =	simm.s32 $0x1  }
0x2: {  	[smem:$0x3F90] =	sst lr;
	_ =	strace $0xD0000000  }
0x3: {  	_ = 	snop  }
0x4: {  	_ = 	snop  }
0x5: {  	_ = 	snop  }
0x6: {  	_ = 	snop  }
0x7: {  	_ = 	snop  }
__scs_overlays_trampoline_lowered:
0x8: {  	[smem:$0x3F9F] =	sst s0  }
0x9: {  	[smem:$0x3FA0] =	sst s1  }
0xa: {  	[smem:$0x3FA1] =	sst s2  }
0xb: {  	[smem:$0x3FA2] =	sst s3  }
0xc: {  	[smem:$0x3FA3] =	sst s4  }
0xd: {  	[smem:$0x3FA4] =	sst s5  }
0xe: {  	[smem:$0x3FA5] =	sst s6  }
0xf: {  	[smem:$0x3FA6] =	sst s7  }
0x10: {  	[smem:$0x3FA7] =	sst s8  }
0x11: {  	[smem:$0x3FA8] =	sst s9;
	s0 =	simm.s32 @!p0 $0x0  }
0x12: {  	s1 =	sld [smem:$0x3F8E];
	s0 =	simm.s32 @p0 $0x1  }
0x13: {  	[smem:$0x3FA9] =	sst s0;
	s0 =	simm.s32 @!p1 $0x0  }
0x14: {  	s2 =	sld [smem:$0x3F8D];
	s0 =	simm.s32 @p1 $0x1  }
0x15: {  	[smem:$0x3FAA] =	sst s0;
	s0 =	simm.s32 @!p2 $0x0  }
0x16: {  	s3 =	sld [smem:$0x3FDB];
	s0 =	simm.s32 @p2 $0x1  }
0x17: {  	s4 =	simm.s32 $0x1BF5;
	[smem:$0x3FAC] =	sst s0  }
0x18: {  	s0 =	sld [smem:$0x3F8F];
	_ =	swait.ge [sflag:s4], $0x0  }
0x19: {  	s7 =	sld [smem:$0x3F90]  }
0x1a: {  	s8 =	sadd.s32 $0xFFFFE003, lr  }
0x1b: {  	s9 =	sadd.s32 $0xFFFFFEF7, lr;
	s5 =	simm.s32 $0xFFFFFFFF;
	p2 =	slt.u32 s8, $0xFFFFF086  }
0x1c: {  	p1 =	slt.u32 s9, $0xF7A;
	s5 =	simm.s32 @!p2 $0x0  }
0x1d: {  	s5 =	simm.s32 @p1 $0x1;
	p0 =	seq.s32 s7, s2  }
0x1e: {  	s7 =	smul.u32 @!p0 $0xF7A, s2;
	p2 =	seq.s32 @!p0 s5, $0x0  }
0x1f: {  	s9 =	smul.u32 $0xF7A, s1;
	s8 =	simm.s32 @!p0 $0x1BF5;
	p2 =	por !p2, p0  }
0x20: {  	[sflag:s8] =	ssyncset.s32 @!p0 $0xFFFFF086;
	s6 =	sadd.s32 @!p0 s3, s7;
	s7 =	simm.s32 @!p0 $0x108  }
0x21: {  	s3 =	sadd.s32 s3, s9;
	s6 =	sadd.s32 @!p0 $0x88, s6;
	s7 =	simm.s32 @p2 $0x1082  }
0x22: {  	[simem:s7], [sflag:s8] =	dma.local @!p0 [hbm:s6], $0xF7A  }
0x23: {  	s9 =	sor.u32 $0xD0000000, s2;
	s6 =	simm.s32 $0x108;
	_ =	swait.ge @!p0 [sflag:s8], $0x0  }
0x24: {  	s3 =	sadd.s32 $0x88, s3;
	s6 =	simm.s32 @!p1 $0x1082;
	[sflag:s4] =	ssyncset.s32 $0xFFFFF086  }
0x25: {  	[simem:s6], [sflag:s4] =	dma.local [hbm:s3], $0xF7A  }
0x26: {  	[smem:$0x3F90] =	sst s1;
	(tag) =	ssettag s2;
	_ =	strace s9  }
0x27: {  	s1 =	sld [smem:$0x3FA0]  }
0x28: {  	s2 =	sld [smem:$0x3FA1]  }
0x29: {  	s4 =	sld [smem:$0x3FA3]  }
0x2a: {  	p0 =	seq.s32 s5, $0x0;
	s5 =	sld [smem:$0x3FA4]  }
0x2b: {  	s6 =	sld [smem:$0x3FA5]  }
0x2c: {  	s7 =	sld [smem:$0x3FA6]  }
0x2d: {  	s3 =	simm.s32 $0x108;
	s8 =	sld [smem:$0x3FA7]  }
0x2e: {  	s3 =	simm.s32 @!p0 $0x1082;
	s9 =	sld [smem:$0x3FA8]  }
0x2f: {  	lr =	sadd.s32 s0, s3;
	s0 =	sld [smem:$0x3F9F]  }
0x30: {  	s3 =	sld [smem:$0x3FA2]  }
0x31: {  	[smem:$0x3FAB] =	sst s10  }
0x32: {  	s10 =	sld [smem:$0x3FA9];
	_ =	sdelay $0x3  }
0x33: {  	p0 =	seq.s32 s10, $0x1;
	s10 =	sld [smem:$0x3FAB];
	_ =	sdelay $0x3  }
0x34: {  	[smem:$0x3FAB] =	sst s10  }
0x35: {  	s10 =	sld [smem:$0x3FAA];
	_ =	sdelay $0x3  }
0x36: {  	p1 =	seq.s32 s10, $0x1;
	s10 =	sld [smem:$0x3FAB];
	_ =	sdelay $0x3  }
0x37: {  	[smem:$0x3FAB] =	sst s10  }
0x38: {  	s10 =	sld [smem:$0x3FAC]  }
0x39: {  	_ = 	snop;
	(pc) =	sbr.ind lr, $3  }
0x3a: {  	_ = 	snop  }
0x3b: {  	_ = 	snop  }
0x3c: {  	p2 =	seq.s32 s10, $0x1;
	s10 =	sld [smem:$0x3FAB]  }
0x3d: {  	_ =	shalt  }
0x3e: {  	_ =	shalt  }
0x3f: {  	_ =	shalt  }
0x40: {  	_ =	shalt  }
0x41: {  	_ =	shalt  }
0x42: {  	_ =	shalt  }
0x43: {  	_ =	shalt  }
0x44: {  	_ =	shalt  }
0x45: {  	_ =	shalt  }
0x46: {  	_ =	shalt  }
0x47: {  	_ =	shalt  }
0x48: {  	_ =	shalt  }
0x49: {  	_ =	shalt  }
0x4a: {  	_ =	shalt  }
0x4b: {  	_ =	shalt  }
0x4c: {  	_ =	shalt  }
0x4d: {  	_ =	shalt  }
0x4e: {  	_ =	shalt  }
0x4f: {  	_ =	shalt  }
0x50: {  	_ =	shalt  }
0x51: {  	_ =	shalt  }
0x52: {  	_ =	shalt  }
0x53: {  	_ =	shalt  }
0x54: {  	_ =	shalt  }
0x55: {  	_ =	shalt  }
0x56: {  	_ =	shalt  }
0x57: {  	_ =	shalt  }
0x58: {  	_ =	shalt  }
0x59: {  	_ =	shalt  }
0x5a: {  	_ =	shalt  }
0x5b: {  	_ =	shalt  }
0x5c: {  	_ =	shalt  }
0x5d: {  	_ =	shalt  }
0x5e: {  	_ =	shalt  }
0x5f: {  	_ =	shalt  }
0x60: {  	_ =	shalt  }
0x61: {  	_ =	shalt  }
0x62: {  	_ =	shalt  }
0x63: {  	_ =	shalt  }
0x64: {  	_ =	shalt  }
0x65: {  	_ =	shalt  }
0x66: {  	_ =	shalt  }
0x67: {  	_ =	shalt  }
0x68: {  	_ =	shalt  }
0x69: {  	_ =	shalt  }
0x6a: {  	_ =	shalt  }
0x6b: {  	_ =	shalt  }
0x6c: {  	_ =	shalt  }
0x6d: {  	_ =	shalt  }
0x6e: {  	_ =	shalt  }
0x6f: {  	_ =	shalt  }
0x70: {  	_ =	shalt  }
0x71: {  	_ =	shalt  }
0x72: {  	_ =	shalt  }
0x73: {  	_ =	shalt  }
0x74: {  	_ =	shalt  }
0x75: {  	_ =	shalt  }
0x76: {  	_ =	shalt  }
0x77: {  	_ =	shalt  }
0x78: {  	_ =	shalt  }
0x79: {  	_ =	shalt  }
0x7a: {  	_ =	shalt  }
0x7b: {  	_ =	shalt  }
0x7c: {  	_ =	shalt  }
0x7d: {  	_ =	shalt  }
0x7e: {  	_ =	shalt  }
0x7f: {  	_ =	shalt  }
0x80: {  	_ =	shalt  }
0x81: {  	_ =	shalt  }
0x82: {  	_ =	shalt  }
0x83: {  	_ =	shalt  }
0x84: {  	_ =	shalt  }
0x85: {  	_ =	shalt  }
0x86: {  	_ =	shalt  }
0x87: {  	_ =	shalt  }
.Lfunc_end0:
.L_simem_size_0:
called_computation_lowered:
.L_overlay_start_0:
0x88: {  	s2 =	sld [smem:$0x3FD9]  }
0x89: {  	s3 =	sld [smem:$0x3FFE];
	_ =	sdelay $0x1  }
0x8a: {  	s1 =	srdreg.scid  }
0x8b: {  	s0 =	sand.u32 $0x1, s1  }
0x8c: {  	s16 =	sshll.u32 s0, $0xA;
	s2 =	sadd.s32 s3, s2  }
0x8d: {  	s2 =	sadd.s32 s2, s16  }
0x8e: {  	[smem:$0x3FB7] =	sst s2  }
0x8f: {  	_ = 	snop  }
0x90: {  	(tm) =	ssettm $0x1  }
0x91: {  	s17 =	sld [smem:$0x3FFB];
	_ =	sdelay $0x3  }
0x92: {  	_ =	strace s17  }
0x93: {  	s2 =	sld [smem:$0x3FFC];
	_ =	sdelay $0x3  }
0x94: {  	_ =	strace s2  }
0x95: {  	s2 =	sld [smem:$0x3FFD];
	_ =	sdelay $0x3  }
0x96: {  	_ =	strace s2  }
0x97: {  	_ =	strace $0x8FFFFFFF  }
0x98: {  	s18 =	sld [smem:$0x3FDB];
	_ =	sdelay $0x1  }
0x99: {  	s19 =	simm.s32 $_scs_section_size  }
0x9a: {  	s4 =	simm.s32 $_size__tile_overlayer_lowered;
	s5 =	simm.s32 $_tile_overlayer_lowered  }
0x9b: {  	s22 =	simm.s32 $0x1BFF;
	s21 =	sshll.u32 s5, $0x1;
	s2 =	sadd.s32 s19, s18  }
0x9c: {  	s6 =	simm.s32 $0x0;
	s20 =	sshll.u32 s4, $0x1;
	s4 =	sadd.s32 s21, s2  }
0x9d: {  	[timem:s6], [sflag:s22] =	dma.local [hbm:s4], s20  }
0x9e: {  	_ =	swait.ge [sflag:s22], s20  }
0x9f: {  	s3 =	ssub.s32 $0x0, s20;
	[sflag:s22] =	ssyncset.done $0x0  }
0xa0: {  	[sflag:s22] =	ssyncadd.s32 s3;
	_ =	sdelay $0x1  }
0xa1: {  	s23 =	simm.s32 $0x1B8B  }
0xa2: {  	_ =	swait.ge [sflag:s23], $0x1  }
0xa3: {  	[sflag:s23] =	ssyncset.done $0x0  }
0xa4: {  	s25 =	simm.s32 $0x1B8E;
	s24 =	sld [smem:$0x3FFE];
	[sflag:s23] =	ssyncadd.s32 $0xFFFFFFFF  }
0xa5: {  	s26 =	simm.s32 $execute0_lowered;
	[smem:$0x3FD2] =	sst s25  }
0xa6: {  	s4 =	sshll.u32 s26, $0x1;
	_ =	strace $0x80000046;
	[dreg:$0x1] =	wrdreg $0xFFFFFFFF  }
0xa7: {  	s28 =	simm.s32 $_size_execute0_lowered;
	s2 =	sadd.s32 s2, s4;
	[dreg:$0x0] =	wrdreg $0x0  }
0xa8: {  	s4 =	sshll.u32 s28, $0x1;
	[dreg:$0x2] =	wrdreg s2  }
0xa9: {  	[dreg:$0x3] =	wrdreg s4  }
0xaa: {  	[dreg:$0x4] =	wrdreg $0xC0  }
0xab: {  	_ =	task [dreg:s6], $0x5FFFF  }
0xac: {  	[dreg:$0x1] =	wrdreg $0xFFFFFFFF  }
0xad: {  	[dreg:$0x0] =	wrdreg $0x60  }
0xae: {  	[dreg:$0x2] =	wrdreg s24  }
0xaf: {  	[dreg:$0x3] =	wrdreg $0x9  }
0xb0: {  	_ =	task.clear_ibuf [dreg:s6], $0x4FFFF;
	_ =	strace $0x90000046  }
0xb1: {  	s29 =	simm.s32 $0x9;
	_ =	strace $0x80000048  }
0xb2: {  	_ =	swait.ge [sflag:s29], $0x1  }
0xb3: {  	[sflag:s29] =	ssyncadd.s32 $0xFFFFFFFF  }
0xb4: {  	_ =	strace $0x90000048  }
0xb5: {  	_ =	sfence  }
0xb6: {  	s30 =	sld [smem:$0x0];
	_ =	sdelay $0x2  }
0xb7: {  	s31 =	sshll.u32 s1, $0xD;
	s1 =	sshrl.u32 s1, $0x2  }
0xb8: {  	s3 =	sand.u32 $0x4000, s31;
	s1 =	sadd.s32 s1, s30  }
0xb9: {  	s0 =	sor.u32 s3, s0;
	s1 =	sshll.u32 s1, $0x11  }
0xba: {  	s0 =	sor.u32 s1, s0  }
0xbb: {  	s0 =	sadd.s32 $0x8F2B, s0  }
0xbc: {  	[sflag:s0] =	ssyncadd.remote.s32 $0x1  }
0xbd: {  	_ =	sfence.sel $0xFFFF  }
0xbe: {  	[dreg:$0x0] =	wrdreg $0xFFFFFFFF;
	(pc) =	sbr.abs _section_cstart, $3  }
0xbf: {  	[dreg:$0x1] =	wrdreg $0xFFFFFFFF  }
0xc0: {  	_ =	task.clear_ibuf [dreg:s6], $0x2FFFF;
	_ =	strace $0x9FFFFFFF  }
0xc1: {  	(tm) =	ssettm $0x7FFFFFFF  }
tec
execute0_lowered:
.L_overlay_start_1:
0x0: {  	(tag) =	ssettag $0x1  }
0x1: {  	s0 =	rddreg [dreg:$0x0];
	s2 =	simm.s32 $0x0  }
0x2: {  	s1 =	srdreg.scid;
	s6 =	stileid.u32;
	s14 =	simm.s32 $0x2  }
0x3: {  	s15 =	simm.s32 $0x9C80;
	s16 =	simm.s32 $0x9D00;
	s17 =	simm.s32 $0x50  }
0x4: {  	s18 =	simm.s32 $0x9D80;
	s19 =	simm.s32 $0xC580;
	s20 =	simm.s32 $0xC600  }
0x5: {  	s21 =	simm.s32 $0xC680;
	s22 =	simm.s32 $0xC700;
	s23 =	simm.s32 $0xC780  }
0x6: {  	s24 =	simm.s32 $0x1;
	[smem:$0x7FF] =	sst s2;
	s1 =	sand.u32 $0x1, s1  }
0x7: {  	s3 =	smul.u32 $0x4E20, s6;
	s4 =	sadd.s32 $0x17400, s0;
	s26 =	sadd.s32 $0x3E600, s0  }
0x8: {  	s6 =	smul.u32 $0x4E200, s6;
	_ =	strace $0x80000047;
	[dreg:$0x2] =	wrdreg s4  }
0x9: {  	s30 =	sadd.s32 $0x65800, s0;
	s5 =	smul.u32 $0x2710, s1;
	[dreg:$0x3] =	wrdreg s26  }
0xa: {  	s25 =	simm.s32 $0x0;
	s29 =	smul.u32 $0x27100, s1;
	[dreg:$0x4] =	wrdreg s30  }
0xb: {  	s1 =	ssub.s32 $0x2, s1;
	s6 =	sadd.s32 s6, s0;
	s28 =	sadd.s32 s5, s3  }
0xc: {  	s31 =	sshrl.u32 s1, $0x1;
	s5 =	sadd.s32 s29, s6;
	s4 =	sshrl.u32 s28, $0x3  }
0xd: {  	s0 =	sadd.s32 s4, s0;
	s4 =	sadd.s32 $0x70A00, s5;
	s5 =	sadd.s32 $0x552A00, s5  }
0xe: {  	s1 =	ssub.s32 s1, s31;
	s6 =	sadd.s32 $0xA52400, s0;
	s7 =	sadd.s32 $0xA48600, s0  }
0xf: {  	s8 =	smax.u32 s1, $0x1;
	s9 =	sadd.s32 $0xA3E800, s0;
	s10 =	sadd.s32 $0xA34A00, s0  }
0x10: {  	s11 =	sadd.s32 $0x66C00, s0;
	s12 =	sadd.s32 $0xD600, s0;
	s13 =	sadd.s32 $0x3800, s0  }
.LBB2_1:
0x11: {  	s0 =	rddreg [dreg:$0x4]  }
0x12: {  	[tilespmem:s2], [sflag:$0x2] =	stream.linear.gather [hbm4b:s0+s2], $0x9C80, $0x38;
	[tilespmem:$0xC800] =	vst v63  }
0x13: {  	_ =	swait.ge [sflag:s14], $0x9C80  }
0x14: {  	[sflag:s14] =	ssyncset.done $0x0  }
0x15: {  	s26 =	sadd.s32 $0x0, s13;
	[sflag:s14] =	ssyncadd.s32 $0xFFFF6380  }
0x16: {  	[tilespmem:s15], [sflag:$0x2] =	stream.linear.gather [hbm4b:s26+s2], $0x50, $0x38;
	[tilespmem:$0xC800] =	vst v63  }
0x17: {  	_ =	swait.ge [sflag:s14], $0x50  }
0x18: {  	[sflag:s14] =	ssyncset.done $0x0  }
0x19: {  	s1 =	sadd.s32 $0x0, s12;
	[sflag:s14] =	ssyncadd.s32 $0xFFFFFFB0  }
0x1a: {  	[tilespmem:s16], [sflag:$0x2] =	stream.linear.gather [hbm4b:s1+s2], $0x50, $0x38;
	[tilespmem:$0xC800] =	vst v63  }
0x1b: {  	_ =	swait.ge [sflag:s14], $0x50  }
0x1c: {  	[sflag:s14] =	ssyncset.done $0x0  }
0x1d: {  	s3 =	rddreg [dreg:$0x2];
	[sflag:s14] =	ssyncadd.s32 $0xFFFFFFB0  }
0x1e: {  	[tilespmem:s18], [sflag:$0x1] =	stream.indirect.gather [hbm4b:s3+s17], $0x80, s15, s17, $0xb8;
	[tilespmem:$0xC800] =	vst v63  }
0x1f: {  	v0 =	vld [tilespmem:$0x9C80]  }
0x20: {  	v1 =	vld [tilespmem:$0x9D00];
	_ =	sdelay $0x3  }
0x21: {  	v2 =	vadd.s32 $0x2710, v0  }
0x22: {  	v3 =	vadd.s32 $0x2710, v1  }
0x23: {  	v4 =	vadd.s32 $0x4E20, v1  }
0x24: {  	v5 =	vadd.s32 $0x4E20, v0;
	v6 =	vld.idx.msk [tilespmem:v0+s2+$0x0], $0xffff  }
0x25: {  	v7 =	vld.idx.msk [tilespmem:v1+s2+$0x0], $0xffff  }
0x26: {  	v0 =	vadd.s32 $0x7530, v0;
	v2 =	vld.idx.msk [tilespmem:v2+s2+$0x0], $0xffff  }
0x27: {  	v1 =	vadd.s32 $0x7530, v1;
	v3 =	vld.idx.msk [tilespmem:v3+s2+$0x0], $0xffff  }
0x28: {  	v4 =	vld.idx.msk [tilespmem:v4+s2+$0x0], $0xffff  }
0x29: {  	v5 =	vld.idx.msk [tilespmem:v5+s2+$0x0], $0xffff  }
0x2a: {  	v8 =	vld [tilespmem:$0x9D10]  }
0x2b: {  	v0 =	vld.idx.msk [tilespmem:v0+s2+$0x0], $0xffff  }
0x2c: {  	v6 =	vsub.f32 v6, v7;
	v1 =	vld.idx.msk [tilespmem:v1+s2+$0x0], $0xffff;
	v2 =	vsub.f32 v2, v3;
	_ =	sdelay $0x1  }
0x2d: {  	v57 =	vld [tilespmem:$0x9C90];
	v55 =	vmul.f32 v6, v6;
	v4 =	vsub.f32 v5, v4;
	v56 =	vmul.f32 v2, v2;
	_ =	sdelay $0x1  }
0x2e: {  	v59 =	vadd.s32 $0x2710, v8;
	[tilespmem:$0xC680] =	vst v6;
	v58 =	vmul.f32 v4, v4;
	v3 =	vadd.f32 v56, v55  }
0x2f: {  	[tilespmem:$0xC780] =	vst v4;
	v0 =	vmul.f32 v1, v0  }
0x30: {  	[tilespmem:$0xC700] =	vst v2;
	v3 =	vadd.f32 v58, v3  }
0x31: {  	v60 =	vadd.s32 $0x2710, v57;
	[tilespmem:$0xC600] =	vst v0  }
0x32: {  	v61 =	vadd.s32 $0x4E20, v57;
	[tilespmem:$0xC580] =	vst v3  }
0x33: {  	v62 =	vadd.s32 $0x4E20, v8;
	v2 =	vld.idx.msk [tilespmem:v59+s2+$0x0], $0xffff  }
0x34: {  	v4 =	vld.idx.msk [tilespmem:v57+s2+$0x0], $0xffff  }
0x35: {  	v12 =	vadd.s32 $0x7530, v8;
	v63 =	vld.idx.msk [tilespmem:v8+s2+$0x0], $0xffff  }
0x36: {  	v7 =	vadd.s32 $0x7530, v57;
	v1 =	vld.idx.msk [tilespmem:v60+s2+$0x0], $0xffff  }
0x37: {  	v0 =	vld.idx.msk [tilespmem:v61+s2+$0x0], $0xffff  }
0x38: {  	v3 =	vld.idx.msk [tilespmem:v62+s2+$0x0], $0xffff  }
0x39: {  	v13 =	vld [tilespmem:$0x9CA0]  }
0x3a: {  	v14 =	vld.idx.msk [tilespmem:v12+s2+$0x0], $0xffff  }
0x3b: {  	v15 =	vld.idx.msk [tilespmem:v7+s2+$0x0], $0xffff;
	v4 =	vsub.f32 v4, v63;
	v1 =	vsub.f32 v1, v2  }
0x3c: {  	v9 =	vld [tilespmem:$0x9D20]  }
0x3d: {  	v0 =	vsub.f32 v0, v3;
	v16 =	vmul.f32 v4, v4;
	v17 =	vmul.f32 v1, v1;
	_ =	sdelay $0x1  }
0x3e: {  	v18 =	vmul.f32 v0, v0;
	[tilespmem:$0xC690] =	vst v4;
	v3 =	vadd.f32 v17, v16  }
0x3f: {  	v20 =	vmul.f32 v14, v15;
	[tilespmem:$0xC710] =	vst v1  }
0x40: {  	v21 =	vadd.s32 $0x2710, v9;
	[tilespmem:$0xC790] =	vst v0;
	v19 =	vadd.f32 v18, v3  }
0x41: {  	v22 =	vadd.s32 $0x2710, v13;
	[tilespmem:$0xC610] =	vst v20  }
0x42: {  	v23 =	vadd.s32 $0x4E20, v13;
	[tilespmem:$0xC590] =	vst v19  }
0x43: {  	v25 =	vadd.s32 $0x4E20, v9;
	v24 =	vld.idx.msk [tilespmem:v13+s2+$0x0], $0xffff  }
0x44: {  	v26 =	vld.idx.msk [tilespmem:v9+s2+$0x0], $0xffff  }
0x45: {  	v27 =	vadd.s32 $0x7530, v9;
	v2 =	vld.idx.msk [tilespmem:v21+s2+$0x0], $0xffff  }
0x46: {  	v28 =	vadd.s32 $0x7530, v13;
	v1 =	vld.idx.msk [tilespmem:v22+s2+$0x0], $0xffff  }
0x47: {  	v0 =	vld.idx.msk [tilespmem:v23+s2+$0x0], $0xffff  }
0x48: {  	v4 =	vld.idx.msk [tilespmem:v25+s2+$0x0], $0xffff  }
0x49: {  	v29 =	vld [tilespmem:$0x9CB0]  }
0x4a: {  	v6 =	vld.idx.msk [tilespmem:v27+s2+$0x0], $0xffff  }
0x4b: {  	v30 =	vld.idx.msk [tilespmem:v28+s2+$0x0], $0xffff;
	v3 =	vsub.f32 v24, v26;
	v1 =	vsub.f32 v1, v2;
	_ =	sdelay $0x1  }
0x4c: {  	v31 =	vld [tilespmem:$0x9D30];
	v0 =	vsub.f32 v0, v4;
	v32 =	vmul.f32 v3, v3;
	v33 =	vmul.f32 v1, v1;
	_ =	sdelay $0x1  }
0x4d: {  	v36 =	vadd.s32 $0x7530, v29;
	[tilespmem:$0xC6A0] =	vst v3;
	v35 =	vmul.f32 v0, v0;
	v34 =	vadd.f32 v33, v32  }
0x4e: {  	v37 =	vmul.f32 v6, v30;
	[tilespmem:$0xC720] =	vst v1  }
0x4f: {  	v39 =	vadd.s32 $0x2710, v29;
	[tilespmem:$0xC7A0] =	vst v0;
	v38 =	vadd.f32 v35, v34  }
0x50: {  	[tilespmem:$0xC620] =	vst v37  }
0x51: {  	v40 =	vadd.s32 $0x2710, v31;
	[tilespmem:$0xC5A0] =	vst v38  }
0x52: {  	v41 =	vadd.s32 $0x4E20, v31;
	v42 =	vld.idx.msk [tilespmem:v36+s2+$0x0], $0xffff  }
0x53: {  	v43 =	vadd.s32 $0x4E20, v29;
	v44 =	vld.idx.msk [tilespmem:v31+s2+$0x0], $0xffff  }
0x54: {  	v2 =	vadd.s32 $0x7530, v31;
	v3 =	vld.idx.msk [tilespmem:v39+s2+$0x0], $0xffff  }
0x55: {  	v45 =	vld.idx.msk [tilespmem:v29+s2+$0x0], $0xffff  }
0x56: {  	v0 =	vld.idx.msk [tilespmem:v40+s2+$0x0], $0xffff  }
0x57: {  	v1 =	vld.idx.msk [tilespmem:v41+s2+$0x0], $0xffff  }
0x58: {  	v5 =	vld.idx.msk [tilespmem:v43+s2+$0x0], $0xffff  }
0x59: {  	v2 =	vld.idx.msk [tilespmem:v2+s2+$0x0], $0xffff;
	_ =	sdelay $0x1  }
0x5a: {  	v46 =	vld [tilespmem:$0x9CC0];
	v6 =	vsub.f32 v45, v44;
	v0 =	vsub.f32 v3, v0  }
0x5b: {  	v47 =	vld [tilespmem:$0x9D40]  }
0x5c: {  	v1 =	vsub.f32 v5, v1;
	v48 =	vmul.f32 v6, v6;
	v49 =	vmul.f32 v0, v0  }
0x5d: {  	v2 =	vmul.f32 v2, v42  }
0x5e: {  	v50 =	vmul.f32 v1, v1;
	[tilespmem:$0xC7B0] =	vst v1;
	v51 =	vadd.f32 v49, v48  }
0x5f: {  	[tilespmem:$0xC630] =	vst v2  }
0x60: {  	v53 =	vadd.s32 $0x2710, v47;
	[tilespmem:$0xC730] =	vst v0;
	v52 =	vadd.f32 v50, v51  }
0x61: {  	v54 =	vadd.s32 $0x2710, v46;
	[tilespmem:$0xC6B0] =	vst v6  }
0x62: {  	v55 =	vadd.s32 $0x4E20, v46;
	[tilespmem:$0xC5B0] =	vst v52  }
0x63: {  	v56 =	vadd.s32 $0x4E20, v47;
	v57 =	vld.idx.msk [tilespmem:v46+s2+$0x0], $0xffff  }
0x64: {  	v6 =	vld.idx.msk [tilespmem:v47+s2+$0x0], $0xffff  }
0x65: {  	v58 =	vadd.s32 $0x7530, v46;
	v1 =	vld.idx.msk [tilespmem:v53+s2+$0x0], $0xffff  }
0x66: {  	v3 =	vadd.s32 $0x7530, v47;
	v2 =	vld.idx.msk [tilespmem:v54+s2+$0x0], $0xffff  }
0x67: {  	v4 =	vld.idx.msk [tilespmem:v55+s2+$0x0], $0xffff  }
0x68: {  	v0 =	vld.idx.msk [tilespmem:v56+s2+$0x0], $0xffff;
	_ =	sdelay $0x1  }
0x69: {  	v7 =	vld.idx.msk [tilespmem:v58+s2+$0x0], $0xffff  }
0x6a: {  	v3 =	vld.idx.msk [tilespmem:v3+s2+$0x0], $0xffff;
	v5 =	vsub.f32 v57, v6;
	v1 =	vsub.f32 v2, v1;
	_ =	sdelay $0x1  }
0x6b: {  	v0 =	vsub.f32 v4, v0;
	v59 =	vmul.f32 v5, v5;
	v60 =	vmul.f32 v1, v1;
	_ =	sdelay $0x1  }
0x6c: {  	[tilespmem:$0xC6C0] =	vst v5;
	v61 =	vmul.f32 v0, v0;
	v2 =	vadd.f32 v60, v59  }
0x6d: {  	v62 =	vmul.f32 v3, v7;
	[tilespmem:$0xC7C0] =	vst v0  }
0x6e: {  	[tilespmem:$0xC740] =	vst v1;
	v63 =	vadd.f32 v61, v2  }
0x6f: {  	[tilespmem:$0xC640] =	vst v62  }
0x70: {  	s26 =	sadd.s32 $0x0, s11;
	[tilespmem:$0xC5C0] =	vst v63  }
0x71: {  	[hbm4b:s26+s2] =	stream.linear.scatter [tilespmem:s19], [sflag:$0x2], $0x50, $0x38;
	[tilespmem:$0xC800] =	vst v63  }
0x72: {  	_ =	swait.ge [sflag:s14], $0x50  }
0x73: {  	[sflag:s14] =	ssyncset.done $0x0  }
0x74: {  	s1 =	sadd.s32 $0x0, s10;
	[sflag:s14] =	ssyncadd.s32 $0xFFFFFFB0  }
0x75: {  	[hbm4b:s1+s2] =	stream.linear.scatter [tilespmem:s20], [sflag:$0x2], $0x50, $0x38;
	[tilespmem:$0xC800] =	vst v63  }
0x76: {  	_ =	swait.ge [sflag:s14], $0x50  }
0x77: {  	[sflag:s14] =	ssyncset.done $0x0  }
0x78: {  	s3 =	sadd.s32 $0x0, s9;
	[sflag:s14] =	ssyncadd.s32 $0xFFFFFFB0  }
0x79: {  	[hbm4b:s3+s2] =	stream.linear.scatter [tilespmem:s21], [sflag:$0x2], $0x50, $0x38;
	[tilespmem:$0xC800] =	vst v63  }
0x7a: {  	_ =	swait.ge [sflag:s14], $0x50  }
0x7b: {  	s29 =	simm.s32 $0xA;
	s30 =	smov.u32 s4;
	[sflag:s14] =	ssyncset.done $0x0  }
0x7c: {  	s31 =	smov.u32 s5;
	s26 =	sadd.s32 $0x0, s7;
	[sflag:s14] =	ssyncadd.s32 $0xFFFFFFB0  }
0x7d: {  	[hbm4b:s26+s2] =	stream.linear.scatter [tilespmem:s22], [sflag:$0x2], $0x50, $0x38;
	[tilespmem:$0xC800] =	vst v63  }
0x7e: {  	s28 =	smov.u32 s4;
	s1 =	sadd.s32 $0x0, s6;
	s26 =	smov.u32 s5  }
.LBB2_2:
0x7f: {  	_ =	swait.ge [sflag:s14], $0x50  }
0x80: {  	[sflag:s14] =	ssyncset.done $0x0  }
0x81: {  	[sflag:s14] =	ssyncadd.s32 $0xFFFFFFB0  }
0x82: {  	[hbm4b:s1+s2] =	stream.linear.scatter [tilespmem:s23], [sflag:$0x2], $0x50, $0x38;
	[tilespmem:$0xC800] =	vst v63  }
0x83: {  	_ =	swait.ge [sflag:s14], $0x50  }
0x84: {  	[sflag:s14] =	ssyncset.done $0x0  }
0x85: {  	[sflag:s14] =	ssyncadd.s32 $0xFFFFFFB0  }
0x86: {  	_ =	swait.ge [sflag:s24], $0x2800  }
0x87: {  	[sflag:s24] =	ssyncset.done $0x0  }
0x88: {  	[sflag:s24] =	ssyncadd.s32 $0xFFFFD800  }
0x89: {  	[hbm4b:s28+s2] =	stream.linear.scatter [tilespmem:s18], [sflag:$0x2], $0x2800, $0x38;
	[tilespmem:$0xC800] =	vst v63  }
0x8a: {  	_ =	swait.ge [sflag:s14], $0x2800  }
0x8b: {  	[sflag:s14] =	ssyncset.done $0x0  }
0x8c: {  	s3 =	rddreg [dreg:$0x3];
	[sflag:s14] =	ssyncadd.s32 $0xFFFFD800  }
0x8d: {  	[tilespmem:s18], [sflag:$0x1] =	stream.indirect.gather [hbm4b:s3+s17], $0x80, s16, s17, $0xb8;
	[tilespmem:$0xC800] =	vst v63  }
0x8e: {  	_ =	swait.ge [sflag:s24], $0x2800  }
0x8f: {  	[sflag:s24] =	ssyncset.done $0x0  }
0x90: {  	[sflag:s24] =	ssyncadd.s32 $0xFFFFD800  }
0x91: {  	[hbm4b:s26+s2] =	stream.linear.scatter [tilespmem:s18], [sflag:$0x2], $0x2800, $0x38;
	[tilespmem:$0xC800] =	vst v63  }
0x92: {  	_ =	swait.ge [sflag:s14], $0x2800  }
0x93: {  	s0 =	smov.u32 s29;
	[sflag:s14] =	ssyncset.done $0x0  }
0x94: {  	s3 =	sadd.s32 s0, s13;
	[sflag:s14] =	ssyncadd.s32 $0xFFFFD800  }
0x95: {  	[tilespmem:s15], [sflag:$0x2] =	stream.linear.gather [hbm4b:s3+s2], $0x50, $0x38;
	[tilespmem:$0xC800] =	vst v63  }
0x96: {  	_ =	swait.ge [sflag:s14], $0x50  }
0x97: {  	[sflag:s14] =	ssyncset.done $0x0  }
0x98: {  	s3 =	sadd.s32 s0, s12;
	[sflag:s14] =	ssyncadd.s32 $0xFFFFFFB0  }
0x99: {  	[tilespmem:s16], [sflag:$0x2] =	stream.linear.gather [hbm4b:s3+s2], $0x50, $0x38;
	[tilespmem:$0xC800] =	vst v63  }
0x9a: {  	_ =	swait.ge [sflag:s14], $0x50  }
0x9b: {  	[sflag:s14] =	ssyncset.done $0x0  }
0x9c: {  	s3 =	rddreg [dreg:$0x2];
	[sflag:s14] =	ssyncadd.s32 $0xFFFFFFB0  }
0x9d: {  	[tilespmem:s18], [sflag:$0x1] =	stream.indirect.gather [hbm4b:s3+s17], $0x80, s15, s17, $0xb8;
	[tilespmem:$0xC800] =	vst v63  }
0x9e: {  	v0 =	vld [tilespmem:$0x9C80]  }
0x9f: {  	v1 =	vld [tilespmem:$0x9D00];
	_ =	sdelay $0x3  }
0xa0: {  	v7 =	vadd.s32 $0x2710, v0  }
0xa1: {  	v11 =	vadd.s32 $0x2710, v1  }
0xa2: {  	v12 =	vadd.s32 $0x4E20, v1  }
0xa3: {  	v8 =	vadd.s32 $0x4E20, v0;
	v14 =	vld.idx.msk [tilespmem:v0+s2+$0x0], $0xffff  }
0xa4: {  	v15 =	vld.idx.msk [tilespmem:v1+s2+$0x0], $0xffff  }
0xa5: {  	v9 =	vadd.s32 $0x7530, v0;
	v7 =	vld.idx.msk [tilespmem:v7+s2+$0x0], $0xffff  }
0xa6: {  	v13 =	vadd.s32 $0x7530, v1;
	v11 =	vld.idx.msk [tilespmem:v11+s2+$0x0], $0xffff  }
0xa7: {  	v12 =	vld.idx.msk [tilespmem:v12+s2+$0x0], $0xffff  }
0xa8: {  	v8 =	vld.idx.msk [tilespmem:v8+s2+$0x0], $0xffff  }
0xa9: {  	v4 =	vld [tilespmem:$0x9D10]  }
0xaa: {  	v9 =	vld.idx.msk [tilespmem:v9+s2+$0x0], $0xffff  }
0xab: {  	v26 =	vld.idx.msk [tilespmem:v13+s2+$0x0], $0xffff;
	v14 =	vsub.f32 v14, v15;
	v7 =	vsub.f32 v7, v11;
	_ =	sdelay $0x1  }
0xac: {  	v5 =	vld [tilespmem:$0x9C90];
	v27 =	vmul.f32 v14, v14;
	v8 =	vsub.f32 v8, v12;
	v28 =	vmul.f32 v7, v7;
	_ =	sdelay $0x1  }
0xad: {  	v29 =	vadd.s32 $0x2710, v4;
	[tilespmem:$0xC780] =	vst v8;
	v8 =	vmul.f32 v8, v8;
	v12 =	vadd.f32 v28, v27  }
0xae: {  	[tilespmem:$0xC680] =	vst v14;
	v9 =	vmul.f32 v26, v9  }
0xaf: {  	[tilespmem:$0xC700] =	vst v7;
	v8 =	vadd.f32 v8, v12  }
0xb0: {  	v30 =	vadd.s32 $0x2710, v5;
	[tilespmem:$0xC600] =	vst v9  }
0xb1: {  	v31 =	vadd.s32 $0x4E20, v5;
	[tilespmem:$0xC580] =	vst v8  }
0xb2: {  	v32 =	vadd.s32 $0x4E20, v4;
	v9 =	vld.idx.msk [tilespmem:v29+s2+$0x0], $0xffff  }
0xb3: {  	v33 =	vld.idx.msk [tilespmem:v5+s2+$0x0], $0xffff  }
0xb4: {  	v34 =	vadd.s32 $0x7530, v4;
	v4 =	vld.idx.msk [tilespmem:v4+s2+$0x0], $0xffff  }
0xb5: {  	v7 =	vld.idx.msk [tilespmem:v30+s2+$0x0], $0xffff;
	v5 =	vadd.s32 $0x7530, v5  }
0xb6: {  	v8 =	vld.idx.msk [tilespmem:v31+s2+$0x0], $0xffff  }
0xb7: {  	v11 =	vld.idx.msk [tilespmem:v32+s2+$0x0], $0xffff  }
0xb8: {  	v6 =	vld [tilespmem:$0x9CA0]  }
0xb9: {  	v13 =	vld.idx.msk [tilespmem:v34+s2+$0x0], $0xffff  }
0xba: {  	v4 =	vsub.f32 v33, v4;
	v7 =	vsub.f32 v7, v9;
	v5 =	vld.idx.msk [tilespmem:v5+s2+$0x0], $0xffff  }
0xbb: {  	v10 =	vld [tilespmem:$0x9D20]  }
0xbc: {  	v8 =	vsub.f32 v8, v11;
	[tilespmem:$0xC690] =	vst v4;
	v4 =	vmul.f32 v4, v4;
	v9 =	vmul.f32 v7, v7;
	_ =	sdelay $0x1  }
0xbd: {  	v35 =	vmul.f32 v8, v8;
	v4 =	vadd.f32 v9, v4  }
0xbe: {  	[tilespmem:$0xC710] =	vst v7;
	v5 =	vmul.f32 v13, v5  }
0xbf: {  	v36 =	vadd.s32 $0x2710, v10;
	[tilespmem:$0xC790] =	vst v8;
	v4 =	vadd.f32 v35, v4  }
0xc0: {  	v37 =	vadd.s32 $0x2710, v6;
	[tilespmem:$0xC610] =	vst v5  }
0xc1: {  	v38 =	vadd.s32 $0x4E20, v6;
	[tilespmem:$0xC590] =	vst v4  }
0xc2: {  	v39 =	vadd.s32 $0x4E20, v10;
	v8 =	vld.idx.msk [tilespmem:v6+s2+$0x0], $0xffff  }
0xc3: {  	v40 =	vld.idx.msk [tilespmem:v10+s2+$0x0], $0xffff  }
0xc4: {  	v7 =	vld.idx.msk [tilespmem:v36+s2+$0x0], $0xffff;
	v10 =	vadd.s32 $0x7530, v10  }
0xc5: {  	v4 =	vld.idx.msk [tilespmem:v37+s2+$0x0], $0xffff;
	v6 =	vadd.s32 $0x7530, v6  }
0xc6: {  	v5 =	vld.idx.msk [tilespmem:v38+s2+$0x0], $0xffff  }
0xc7: {  	v9 =	vld.idx.msk [tilespmem:v39+s2+$0x0], $0xffff  }
0xc8: {  	v2 =	vld [tilespmem:$0x9CB0]  }
0xc9: {  	v10 =	vld.idx.msk [tilespmem:v10+s2+$0x0], $0xffff  }
0xca: {  	v8 =	vsub.f32 v8, v40;
	v6 =	vld.idx.msk [tilespmem:v6+s2+$0x0], $0xffff;
	v4 =	vsub.f32 v4, v7;
	_ =	sdelay $0x1  }
0xcb: {  	v3 =	vld [tilespmem:$0x9D30];
	v5 =	vsub.f32 v5, v9;
	v41 =	vmul.f32 v8, v8;
	v42 =	vmul.f32 v4, v4;
	_ =	sdelay $0x1  }
0xcc: {  	v45 =	vadd.s32 $0x7530, v2;
	[tilespmem:$0xC6A0] =	vst v8;
	v44 =	vmul.f32 v5, v5;
	v43 =	vadd.f32 v42, v41  }
0xcd: {  	[tilespmem:$0xC720] =	vst v4;
	v6 =	vmul.f32 v10, v6  }
0xce: {  	v49 =	vadd.s32 $0x2710, v2;
	[tilespmem:$0xC7A0] =	vst v5;
	v4 =	vadd.f32 v44, v43  }
0xcf: {  	[tilespmem:$0xC620] =	vst v6  }
0xd0: {  	v50 =	vadd.s32 $0x2710, v3;
	[tilespmem:$0xC5A0] =	vst v4  }
0xd1: {  	v46 =	vadd.s32 $0x4E20, v3;
	v5 =	vld.idx.msk [tilespmem:v45+s2+$0x0], $0xffff  }
0xd2: {  	v47 =	vadd.s32 $0x4E20, v2;
	v48 =	vadd.s32 $0x7530, v3;
	v3 =	vld.idx.msk [tilespmem:v3+s2+$0x0], $0xffff  }
0xd3: {  	v4 =	vld.idx.msk [tilespmem:v49+s2+$0x0], $0xffff  }
0xd4: {  	v2 =	vld.idx.msk [tilespmem:v2+s2+$0x0], $0xffff  }
0xd5: {  	v9 =	vld.idx.msk [tilespmem:v50+s2+$0x0], $0xffff  }
0xd6: {  	v8 =	vld.idx.msk [tilespmem:v46+s2+$0x0], $0xffff  }
0xd7: {  	v7 =	vld.idx.msk [tilespmem:v47+s2+$0x0], $0xffff  }
0xd8: {  	v6 =	vld.idx.msk [tilespmem:v48+s2+$0x0], $0xffff;
	_ =	sdelay $0x1  }
0xd9: {  	v24 =	vld [tilespmem:$0x9CC0];
	v2 =	vsub.f32 v2, v3;
	v4 =	vsub.f32 v4, v9  }
0xda: {  	v25 =	vld [tilespmem:$0x9D40]  }
0xdb: {  	v7 =	vsub.f32 v7, v8;
	v53 =	vmul.f32 v2, v2;
	v54 =	vmul.f32 v4, v4  }
0xdc: {  	v51 =	vmul.f32 v6, v5  }
0xdd: {  	v52 =	vmul.f32 v7, v7;
	[tilespmem:$0xC7B0] =	vst v7;
	v55 =	vadd.f32 v54, v53  }
0xde: {  	[tilespmem:$0xC630] =	vst v51  }
0xdf: {  	v56 =	vadd.s32 $0x2710, v25;
	[tilespmem:$0xC6B0] =	vst v2;
	v2 =	vadd.f32 v52, v55  }
0xe0: {  	v58 =	vadd.s32 $0x2710, v24;
	[tilespmem:$0xC730] =	vst v4  }
0xe1: {  	v57 =	vadd.s32 $0x4E20, v24;
	[tilespmem:$0xC5B0] =	vst v2  }
0xe2: {  	v59 =	vadd.s32 $0x4E20, v25;
	v60 =	vld.idx.msk [tilespmem:v24+s2+$0x0], $0xffff  }
0xe3: {  	v1 =	vadd.s32 $0x7530, v24;
	v7 =	vld.idx.msk [tilespmem:v25+s2+$0x0], $0xffff  }
0xe4: {  	v0 =	vadd.s32 $0x7530, v25;
	v3 =	vld.idx.msk [tilespmem:v56+s2+$0x0], $0xffff  }
0xe5: {  	v2 =	vld.idx.msk [tilespmem:v58+s2+$0x0], $0xffff  }
0xe6: {  	v4 =	vld.idx.msk [tilespmem:v57+s2+$0x0], $0xffff  }
0xe7: {  	v5 =	vld.idx.msk [tilespmem:v59+s2+$0x0], $0xffff  }
0xe8: {  	v1 =	vld.idx.msk [tilespmem:v1+s2+$0x0], $0xffff  }
0xe9: {  	v0 =	vld.idx.msk [tilespmem:v0+s2+$0x0], $0xffff  }
0xea: {  	v6 =	vsub.f32 v60, v7;
	v2 =	vsub.f32 v2, v3;
	_ =	sdelay $0x1  }
0xeb: {  	v4 =	vsub.f32 v4, v5;
	v7 =	vmul.f32 v6, v6;
	v61 =	vmul.f32 v2, v2;
	_ =	sdelay $0x1  }
0xec: {  	v0 =	vmul.f32 v0, v1;
	[tilespmem:$0xC6C0] =	vst v6;
	v62 =	vmul.f32 v4, v4;
	v1 =	vadd.f32 v61, v7  }
0xed: {  	[tilespmem:$0xC7C0] =	vst v4  }
0xee: {  	[tilespmem:$0xC740] =	vst v2;
	v63 =	vadd.f32 v62, v1  }
0xef: {  	[tilespmem:$0xC640] =	vst v0  }
0xf0: {  	s3 =	sadd.s32 s0, s11;
	[tilespmem:$0xC5C0] =	vst v63  }
0xf1: {  	[hbm4b:s3+s2] =	stream.linear.scatter [tilespmem:s19], [sflag:$0x2], $0x50, $0x38;
	[tilespmem:$0xC800] =	vst v63  }
0xf2: {  	_ =	swait.ge [sflag:s14], $0x50  }
0xf3: {  	[sflag:s14] =	ssyncset.done $0x0  }
0xf4: {  	s3 =	sadd.s32 s0, s10;
	[sflag:s14] =	ssyncadd.s32 $0xFFFFFFB0  }
0xf5: {  	[hbm4b:s3+s2] =	stream.linear.scatter [tilespmem:s20], [sflag:$0x2], $0x50, $0x38;
	[tilespmem:$0xC800] =	vst v63  }
0xf6: {  	_ =	swait.ge [sflag:s14], $0x50  }
0xf7: {  	[sflag:s14] =	ssyncset.done $0x0  }
0xf8: {  	p0 =	sne.s32 s29, $0x4D8;
	s3 =	sadd.s32 s0, s9;
	[sflag:s14] =	ssyncadd.s32 $0xFFFFFFB0  }
0xf9: {  	[hbm4b:s3+s2] =	stream.linear.scatter [tilespmem:s21], [sflag:$0x2], $0x50, $0x38;
	[tilespmem:$0xC800] =	vst v63  }
.Ltmp0:
0xfa: {  	s30 =	sadd.s32 $0x500, s30;
	(pc) =	sbr.rel @p0 .LBB2_2-.Ltmp0, $4  }
0xfb: {  	s31 =	sadd.s32 $0x500, s31;
	s29 =	sadd.s32 $0xA, s29;
	_ =	swait.ge [sflag:s14], $0x50  }
0xfc: {  	s1 =	sadd.s32 s0, s6;
	s28 =	smov.u32 s30;
	[sflag:s14] =	ssyncset.done $0x0  }
0xfd: {  	s26 =	smov.u32 s31;
	s3 =	sadd.s32 s0, s7;
	[sflag:s14] =	ssyncadd.s32 $0xFFFFFFB0  }
0xfe: {  	[hbm4b:s3+s2] =	stream.linear.scatter [tilespmem:s22], [sflag:$0x2], $0x50, $0x38;
	[tilespmem:$0xC800] =	vst v63  }
0xff: {  	_ =	swait.ge [sflag:s14], $0x50  }
0x100: {  	[sflag:s14] =	ssyncset.done $0x0  }
0x101: {  	[sflag:s14] =	ssyncadd.s32 $0xFFFFFFB0  }
0x102: {  	[hbm4b:s1+s2] =	stream.linear.scatter [tilespmem:s23], [sflag:$0x2], $0x50, $0x38;
	[tilespmem:$0xC800] =	vst v63  }
0x103: {  	_ =	swait.ge [sflag:s14], $0x50  }
0x104: {  	[sflag:s14] =	ssyncset.done $0x0  }
0x105: {  	[sflag:s14] =	ssyncadd.s32 $0xFFFFFFB0  }
0x106: {  	_ =	swait.ge [sflag:s24], $0x2800  }
0x107: {  	[sflag:s24] =	ssyncset.done $0x0  }
0x108: {  	[sflag:s24] =	ssyncadd.s32 $0xFFFFD800  }
0x109: {  	[hbm4b:s28+s2] =	stream.linear.scatter [tilespmem:s18], [sflag:$0x2], $0x2800, $0x38;
	[tilespmem:$0xC800] =	vst v63  }
0x10a: {  	_ =	swait.ge [sflag:s14], $0x2800  }
0x10b: {  	[sflag:s14] =	ssyncset.done $0x0  }
0x10c: {  	s0 =	rddreg [dreg:$0x3];
	[sflag:s14] =	ssyncadd.s32 $0xFFFFD800  }
0x10d: {  	[tilespmem:s18], [sflag:$0x1] =	stream.indirect.gather [hbm4b:s0+s17], $0x80, s16, s17, $0xb8;
	[tilespmem:$0xC800] =	vst v63  }
0x10e: {  	s25 =	sadd.s32 $0x1, s25;
	_ =	swait.ge [sflag:s24], $0x2800  }
0x10f: {  	p0 =	sne.s32 s25, s8;
	[sflag:s24] =	ssyncset.done $0x0  }
.Ltmp1:
0x110: {  	[sflag:s24] =	ssyncadd.s32 $0xFFFFD800;
	(pc) =	sbr.rel @p0 .LBB2_1-.Ltmp1, $4  }
0x111: {  	[hbm4b:s26+s2] =	stream.linear.scatter [tilespmem:s18], [sflag:$0x2], $0x2800, $0x38;
	[tilespmem:$0xC800] =	vst v63  }
0x112: {  	_ =	swait.ge [sflag:s14], $0x2800  }
0x113: {  	[sflag:s14] =	ssyncset.done $0x0  }
0x114: {  	[sflag:s14] =	ssyncadd.s32 $0xFFFFD800  }
0x115: {  	_ =	sfence.sel $0x180000  }
0x116: {  	[bflag:$0x0] =	sbarrier.arrive $0xFFFF  }
0x117: {  	_ =	strace $0x90000047  }
0x118: {  	s0 =	stileid.u32;
	[bflag:$0x2] =	sbarrier.arrive $0xFFFF  }
0x119: {  	p0 =	sne.s32 s0, $0x0;
	s0 =	rddreg [dreg:$0x1]  }
0x11a: {  	s0 =	sadd.s32 @!p0 $0x100000, s0  }
0x11b: {  	[sflag:s0] =	ssyncadd.tile.s32 @!p0 $0x1;
	_ =	shalt  }
.Lfunc_end2:
_tile_overlayer_lowered:
.L_overlay_start_2:
0x11c: {  	(tag) =	ssettag $0x2  }
0x11d: {  	s0 =	rddreg [dreg:$0x0];
	s2 =	stileid.u32  }
0x11e: {  	s1 =	rddreg [dreg:$0x1];
	p0 =	sne.s32 s2, $0x0  }
0x11f: {  	s3 =	rddreg [dreg:$0x2];
	[bflag:$0x3] =	sbarrier.arrive $0xFFFF;
	s2 =	simm.s32 @!p0 $0x1C02  }
0x120: {  	[timem:s3], [sflag:s2] =	dma.local @!p0 [hbm:s0], s1  }
0x121: {  	s0 =	simm.s32 @!p0 $0x2  }
0x122: {  	_ =	swait.ge @!p0 [sflag:s0], s1  }
0x123: {  	s1 =	ssub.s32 @!p0 $0x0, s1;
	[sflag:s0] =	ssyncset.done @!p0 $0x0  }
0x124: {  	[sflag:s0] =	ssyncadd.s32 @!p0 s1  }
0x125: {  	[bflag:$0x3] =	sbarrier.arrive $0xFFFF  }
0x126: {  	_ =	shalt  }

// kernel: kernel.16.cloned.1.call-start
scs
__scs_entry_jumppad:
0x0: {  	(pc) =	sbr.rel $0x88, $3  }
0x1: {  	(tag) =	ssettag $0x0;
	lr =	simm.s32 $0x1  }
0x2: {  	[smem:$0x3F90] =	sst lr;
	_ =	strace $0xD0000000  }
0x3: {  	_ = 	snop  }
0x4: {  	_ = 	snop  }
0x5: {  	_ = 	snop  }
0x6: {  	_ = 	snop  }
0x7: {  	_ = 	snop  }
__scs_overlays_trampoline_lowered:
0x8: {  	[smem:$0x3F9F] =	sst s0  }
0x9: {  	[smem:$0x3FA0] =	sst s1  }
0xa: {  	[smem:$0x3FA1] =	sst s2  }
0xb: {  	[smem:$0x3FA2] =	sst s3  }
0xc: {  	[smem:$0x3FA3] =	sst s4  }
0xd: {  	[smem:$0x3FA4] =	sst s5  }
0xe: {  	[smem:$0x3FA5] =	sst s6  }
0xf: {  	[smem:$0x3FA6] =	sst s7  }
0x10: {  	[smem:$0x3FA7] =	sst s8  }
0x11: {  	[smem:$0x3FA8] =	sst s9;
	s0 =	simm.s32 @!p0 $0x0  }
0x12: {  	s1 =	sld [smem:$0x3F8E];
	s0 =	simm.s32 @p0 $0x1  }
0x13: {  	[smem:$0x3FA9] =	sst s0;
	s0 =	simm.s32 @!p1 $0x0  }
0x14: {  	s2 =	sld [smem:$0x3F8D];
	s0 =	simm.s32 @p1 $0x1  }
0x15: {  	[smem:$0x3FAA] =	sst s0;
	s0 =	simm.s32 @!p2 $0x0  }
0x16: {  	s3 =	sld [smem:$0x3FDB];
	s0 =	simm.s32 @p2 $0x1  }
0x17: {  	s4 =	simm.s32 $0x1BF5;
	[smem:$0x3FAC] =	sst s0  }
0x18: {  	s0 =	sld [smem:$0x3F8F];
	_ =	swait.ge [sflag:s4], $0x0  }
0x19: {  	s7 =	sld [smem:$0x3F90]  }
0x1a: {  	s8 =	sadd.s32 $0xFFFFE003, lr  }
0x1b: {  	s9 =	sadd.s32 $0xFFFFFEF7, lr;
	s5 =	simm.s32 $0xFFFFFFFF;
	p2 =	slt.u32 s8, $0xFFFFF086  }
0x1c: {  	p1 =	slt.u32 s9, $0xF7A;
	s5 =	simm.s32 @!p2 $0x0  }
0x1d: {  	s5 =	simm.s32 @p1 $0x1;
	p0 =	seq.s32 s7, s2  }
0x1e: {  	s7 =	smul.u32 @!p0 $0xF7A, s2;
	p2 =	seq.s32 @!p0 s5, $0x0  }
0x1f: {  	s9 =	smul.u32 $0xF7A, s1;
	s8 =	simm.s32 @!p0 $0x1BF5;
	p2 =	por !p2, p0  }
0x20: {  	[sflag:s8] =	ssyncset.s32 @!p0 $0xFFFFF086;
	s6 =	sadd.s32 @!p0 s3, s7;
	s7 =	simm.s32 @!p0 $0x108  }
0x21: {  	s3 =	sadd.s32 s3, s9;
	s6 =	sadd.s32 @!p0 $0x88, s6;
	s7 =	simm.s32 @p2 $0x1082  }
0x22: {  	[simem:s7], [sflag:s8] =	dma.local @!p0 [hbm:s6], $0xF7A  }
0x23: {  	s9 =	sor.u32 $0xD0000000, s2;
	s6 =	simm.s32 $0x108;
	_ =	swait.ge @!p0 [sflag:s8], $0x0  }
0x24: {  	s3 =	sadd.s32 $0x88, s3;
	s6 =	simm.s32 @!p1 $0x1082;
	[sflag:s4] =	ssyncset.s32 $0xFFFFF086  }
0x25: {  	[simem:s6], [sflag:s4] =	dma.local [hbm:s3], $0xF7A  }
0x26: {  	[smem:$0x3F90] =	sst s1;
	(tag) =	ssettag s2;
	_ =	strace s9  }
0x27: {  	s1 =	sld [smem:$0x3FA0]  }
0x28: {  	s2 =	sld [smem:$0x3FA1]  }
0x29: {  	s4 =	sld [smem:$0x3FA3]  }
0x2a: {  	p0 =	seq.s32 s5, $0x0;
	s5 =	sld [smem:$0x3FA4]  }
0x2b: {  	s6 =	sld [smem:$0x3FA5]  }
0x2c: {  	s7 =	sld [smem:$0x3FA6]  }
0x2d: {  	s3 =	simm.s32 $0x108;
	s8 =	sld [smem:$0x3FA7]  }
0x2e: {  	s3 =	simm.s32 @!p0 $0x1082;
	s9 =	sld [smem:$0x3FA8]  }
0x2f: {  	lr =	sadd.s32 s0, s3;
	s0 =	sld [smem:$0x3F9F]  }
0x30: {  	s3 =	sld [smem:$0x3FA2]  }
0x31: {  	[smem:$0x3FAB] =	sst s10  }
0x32: {  	s10 =	sld [smem:$0x3FA9];
	_ =	sdelay $0x3  }
0x33: {  	p0 =	seq.s32 s10, $0x1;
	s10 =	sld [smem:$0x3FAB];
	_ =	sdelay $0x3  }
0x34: {  	[smem:$0x3FAB] =	sst s10  }
0x35: {  	s10 =	sld [smem:$0x3FAA];
	_ =	sdelay $0x3  }
0x36: {  	p1 =	seq.s32 s10, $0x1;
	s10 =	sld [smem:$0x3FAB];
	_ =	sdelay $0x3  }
0x37: {  	[smem:$0x3FAB] =	sst s10  }
0x38: {  	s10 =	sld [smem:$0x3FAC]  }
0x39: {  	_ = 	snop;
	(pc) =	sbr.ind lr, $3  }
0x3a: {  	_ = 	snop  }
0x3b: {  	_ = 	snop  }
0x3c: {  	p2 =	seq.s32 s10, $0x1;
	s10 =	sld [smem:$0x3FAB]  }
0x3d: {  	_ =	shalt  }
0x3e: {  	_ =	shalt  }
0x3f: {  	_ =	shalt  }
0x40: {  	_ =	shalt  }
0x41: {  	_ =	shalt  }
0x42: {  	_ =	shalt  }
0x43: {  	_ =	shalt  }
0x44: {  	_ =	shalt  }
0x45: {  	_ =	shalt  }
0x46: {  	_ =	shalt  }
0x47: {  	_ =	shalt  }
0x48: {  	_ =	shalt  }
0x49: {  	_ =	shalt  }
0x4a: {  	_ =	shalt  }
0x4b: {  	_ =	shalt  }
0x4c: {  	_ =	shalt  }
0x4d: {  	_ =	shalt  }
0x4e: {  	_ =	shalt  }
0x4f: {  	_ =	shalt  }
0x50: {  	_ =	shalt  }
0x51: {  	_ =	shalt  }
0x52: {  	_ =	shalt  }
0x53: {  	_ =	shalt  }
0x54: {  	_ =	shalt  }
0x55: {  	_ =	shalt  }
0x56: {  	_ =	shalt  }
0x57: {  	_ =	shalt  }
0x58: {  	_ =	shalt  }
0x59: {  	_ =	shalt  }
0x5a: {  	_ =	shalt  }
0x5b: {  	_ =	shalt  }
0x5c: {  	_ =	shalt  }
0x5d: {  	_ =	shalt  }
0x5e: {  	_ =	shalt  }
0x5f: {  	_ =	shalt  }
0x60: {  	_ =	shalt  }
0x61: {  	_ =	shalt  }
0x62: {  	_ =	shalt  }
0x63: {  	_ =	shalt  }
0x64: {  	_ =	shalt  }
0x65: {  	_ =	shalt  }
0x66: {  	_ =	shalt  }
0x67: {  	_ =	shalt  }
0x68: {  	_ =	shalt  }
0x69: {  	_ =	shalt  }
0x6a: {  	_ =	shalt  }
0x6b: {  	_ =	shalt  }
0x6c: {  	_ =	shalt  }
0x6d: {  	_ =	shalt  }
0x6e: {  	_ =	shalt  }
0x6f: {  	_ =	shalt  }
0x70: {  	_ =	shalt  }
0x71: {  	_ =	shalt  }
0x72: {  	_ =	shalt  }
0x73: {  	_ =	shalt  }
0x74: {  	_ =	shalt  }
0x75: {  	_ =	shalt  }
0x76: {  	_ =	shalt  }
0x77: {  	_ =	shalt  }
0x78: {  	_ =	shalt  }
0x79: {  	_ =	shalt  }
0x7a: {  	_ =	shalt  }
0x7b: {  	_ =	shalt  }
0x7c: {  	_ =	shalt  }
0x7d: {  	_ =	shalt  }
0x7e: {  	_ =	shalt  }
0x7f: {  	_ =	shalt  }
0x80: {  	_ =	shalt  }
0x81: {  	_ =	shalt  }
0x82: {  	_ =	shalt  }
0x83: {  	_ =	shalt  }
0x84: {  	_ =	shalt  }
0x85: {  	_ =	shalt  }
0x86: {  	_ =	shalt  }
0x87: {  	_ =	shalt  }
.Lfunc_end0:
.L_simem_size_0:
called_computation.1_lowered:
.L_overlay_start_0:
0x88: {  	s2 =	sld [smem:$0x3FD9]  }
0x89: {  	s3 =	sld [smem:$0x3FFE];
	_ =	sdelay $0x1  }
0x8a: {  	s1 =	srdreg.scid  }
0x8b: {  	s0 =	sand.u32 $0x1, s1  }
0x8c: {  	s16 =	sshll.u32 s0, $0xA;
	s2 =	sadd.s32 s3, s2  }
0x8d: {  	s2 =	sadd.s32 s2, s16  }
0x8e: {  	[smem:$0x3FB7] =	sst s2  }
0x8f: {  	_ = 	snop  }
0x90: {  	(tm) =	ssettm $0x1  }
0x91: {  	s17 =	sld [smem:$0x3FFB];
	_ =	sdelay $0x3  }
0x92: {  	_ =	strace s17  }
0x93: {  	s2 =	sld [smem:$0x3FFC];
	_ =	sdelay $0x3  }
0x94: {  	_ =	strace s2  }
0x95: {  	s2 =	sld [smem:$0x3FFD];
	_ =	sdelay $0x3  }
0x96: {  	_ =	strace s2  }
0x97: {  	_ =	strace $0x8FFFFFFF  }
0x98: {  	s18 =	sld [smem:$0x3FDB];
	_ =	sdelay $0x1  }
0x99: {  	s19 =	simm.s32 $_scs_section_size  }
0x9a: {  	s4 =	simm.s32 $_size__tile_overlayer_lowered;
	s5 =	simm.s32 $_tile_overlayer_lowered  }
0x9b: {  	s22 =	simm.s32 $0x1BFF;
	s21 =	sshll.u32 s5, $0x1;
	s2 =	sadd.s32 s19, s18  }
0x9c: {  	s6 =	simm.s32 $0x0;
	s20 =	sshll.u32 s4, $0x1;
	s4 =	sadd.s32 s21, s2  }
0x9d: {  	[timem:s6], [sflag:s22] =	dma.local [hbm:s4], s20  }
0x9e: {  	_ =	swait.ge [sflag:s22], s20  }
0x9f: {  	s3 =	ssub.s32 $0x0, s20;
	[sflag:s22] =	ssyncset.done $0x0  }
0xa0: {  	[sflag:s22] =	ssyncadd.s32 s3;
	_ =	sdelay $0x1  }
0xa1: {  	s23 =	simm.s32 $0x1B8B  }
0xa2: {  	_ =	swait.ge [sflag:s23], $0x1  }
0xa3: {  	[sflag:s23] =	ssyncset.done $0x0  }
0xa4: {  	s25 =	simm.s32 $0x1B8E;
	s24 =	sld [smem:$0x3FFE];
	[sflag:s23] =	ssyncadd.s32 $0xFFFFFFFF  }
0xa5: {  	s26 =	simm.s32 $execute0_lowered;
	[smem:$0x3FD2] =	sst s25  }
0xa6: {  	s4 =	sshll.u32 s26, $0x1;
	_ =	strace $0x80000049;
	[dreg:$0x1] =	wrdreg $0xFFFFFFFF  }
0xa7: {  	s28 =	simm.s32 $_size_execute0_lowered;
	s2 =	sadd.s32 s2, s4;
	[dreg:$0x0] =	wrdreg $0x0  }
0xa8: {  	s4 =	sshll.u32 s28, $0x1;
	[dreg:$0x2] =	wrdreg s2  }
0xa9: {  	[dreg:$0x3] =	wrdreg s4  }
0xaa: {  	[dreg:$0x4] =	wrdreg $0xC0  }
0xab: {  	_ =	task [dreg:s6], $0x5FFFF  }
0xac: {  	[dreg:$0x1] =	wrdreg $0xFFFFFFFF  }
0xad: {  	[dreg:$0x0] =	wrdreg $0x60  }
0xae: {  	[dreg:$0x2] =	wrdreg s24  }
0xaf: {  	[dreg:$0x3] =	wrdreg $0xC8000  }
0xb0: {  	[dreg:$0x4] =	wrdreg $0x164800  }
0xb1: {  	[dreg:$0x5] =	wrdreg $0x9  }
0xb2: {  	_ =	task.clear_ibuf [dreg:s6], $0x6FFFF;
	_ =	strace $0x90000049  }
0xb3: {  	s29 =	simm.s32 $0x9;
	_ =	strace $0x8000004B  }
0xb4: {  	_ =	swait.ge [sflag:s29], $0x1  }
0xb5: {  	[sflag:s29] =	ssyncadd.s32 $0xFFFFFFFF  }
0xb6: {  	_ =	strace $0x9000004B  }
0xb7: {  	_ =	sfence  }
0xb8: {  	s30 =	sld [smem:$0x0];
	_ =	sdelay $0x2  }
0xb9: {  	s31 =	sshll.u32 s1, $0xD;
	s1 =	sshrl.u32 s1, $0x2  }
0xba: {  	s3 =	sand.u32 $0x4000, s31;
	s1 =	sadd.s32 s1, s30  }
0xbb: {  	s0 =	sor.u32 s3, s0;
	s1 =	sshll.u32 s1, $0x11  }
0xbc: {  	s0 =	sor.u32 s1, s0  }
0xbd: {  	s0 =	sadd.s32 $0x8F2B, s0  }
0xbe: {  	[sflag:s0] =	ssyncadd.remote.s32 $0x1  }
0xbf: {  	_ =	sfence.sel $0xFFFF  }
0xc0: {  	[dreg:$0x0] =	wrdreg $0xFFFFFFFF;
	(pc) =	sbr.abs _section_cstart, $3  }
0xc1: {  	[dreg:$0x1] =	wrdreg $0xFFFFFFFF  }
0xc2: {  	_ =	task.clear_ibuf [dreg:s6], $0x2FFFF;
	_ =	strace $0x9FFFFFFF  }
0xc3: {  	(tm) =	ssettm $0x7FFFFFFF  }
tec
execute0_lowered:
.L_overlay_start_1:
0x0: {  	(tag) =	ssettag $0x1  }
0x1: {  	s0 =	rddreg [dreg:$0x0]  }
0x2: {  	s2 =	rddreg [dreg:$0x1]  }
0x3: {  	s3 =	rddreg [dreg:$0x2];
	s22 =	stileid.u32  }
0x4: {  	s4 =	simm.s32 $0x0;
	s6 =	srdreg.scid;
	s28 =	simm.s32 $0x2A00  }
0x5: {  	s29 =	simm.s32 $0x2A80;
	s30 =	simm.s32 $0x2B00;
	s1 =	smul.u32 $0x4E200, s22  }
0x6: {  	s31 =	simm.s32 $0x2B80;
	[smem:$0x7FF] =	sst s4;
	s5 =	smul.u32 $0x9C4, s22  }
0x7: {  	s8 =	sadd.s32 $0xA67400, s0;
	s9 =	sand.u32 $0x1, s6;
	s15 =	smul.u32 $0x19000, s22  }
0x8: {  	s6 =	sadd.s32 $0xA66000, s0;
	s10 =	sadd.s32 $0xA8FA00, s0;
	s13 =	smul.u32 $0xFFFFEC78, s9  }
0x9: {  	p1 =	seq.s32 s22, $0x1;
	s16 =	sor.u32 $0x10, s22;
	s12 =	smul.u32 $0x9C800, s9  }
0xa: {  	s18 =	sshll.u32 s22, $0x6;
	_ =	strace $0x8000004A;
	s20 =	smul.u32 $0x6400, s16  }
0xb: {  	s11 =	ssub.s32 $0x2, s9;
	p0 =	seq.s32 s9, $0x0;
	s23 =	smul.u32 $0xC80, s16  }
0xc: {  	p2 =	sgt.u32 s16, $0x18;
	p4 =	sne.s32 s9, $0x0;
	s1 =	sadd.s32 s1, s0  }
0xd: {  	s7 =	sadd.s32 s5, s0;
	s5 =	sadd.s32 $0xA8E600, s0;
	s0 =	sadd.s32 $0xAB6C00, s0  }
0xe: {  	s14 =	sshrl.u32 s11, $0x1;
	p1 =	por !p1, !p0;
	s17 =	sshrl.u32 s15, $0x2  }
0xf: {  	s15 =	smul.u32 $0x19000, s16;
	p3 =	sne.s32 @!p2 s22, $0x1;
	[dreg:$0x4] =	wrdreg s0  }
0x10: {  	s0 =	ssub.s32 s11, s14;
	s14 =	smul.u32 $0xC80, s22;
	s11 =	sor.u32 $0x1C02, s18  }
0x11: {  	p1 =	por !p1, !p1;
	s26 =	sadd.s32 $0xF3E200, s1;
	s18 =	sadd.s32 $0xA48600, s7  }
0x12: {  	p3 =	por p3, p2;
	s1 =	simm.s32 $0x50;
	s0 =	smax.u32 s0, $0x1  }
0x13: {  	s21 =	sshrl.u32 s15, $0x2;
	s15 =	sadd.s32 s8, s23;
	[dreg:$0xb] =	wrdreg s26  }
0x14: {  	s23 =	simm.s32 $0x2;
	s26 =	simm.s32 $0x2980;
	[dreg:$0xc] =	wrdreg s11  }
0x15: {  	[dreg:$0x5] =	wrdreg s0;
	s0 =	sadd.s32 s17, s2;
	s17 =	smul.u32 $0x6400, s22  }
0x16: {  	s19 =	sadd.s32 s8, s14;
	s14 =	sadd.s32 s21, s2;
	[dreg:$0x6] =	wrdreg s0  }
0x17: {  	s21 =	sadd.s32 $0xA5C200, s7;
	s22 =	sadd.s32 $0xD600, s7;
	[dreg:$0x7] =	wrdreg s19  }
0x18: {  	s8 =	simm.s32 $0x0;
	[dreg:$0x8] =	wrdreg s14;
	s0 =	sadd.s32 s12, s20  }
.Ltmp0:
0x19: {  	s19 =	sadd.s32 $0xA3E800, s7;
	s17 =	sadd.s32 s12, s17;
	(pc) =	sbr.rel .LBB2_1-.Ltmp0, $4  }
0x1a: {  	s20 =	sadd.s32 $0xA34A00, s7;
	s0 =	sshrl.u32 s0, $0x3;
	s24 =	sshrl.u32 s17, $0x3  }
0x1b: {  	s0 =	sadd.s32 s10, s0;
	s17 =	sadd.s32 $0xA52400, s7;
	s7 =	simm.s32 $0x80  }
0x1c: {  	s25 =	sadd.s32 s10, s24;
	[dreg:$0xa] =	wrdreg s0;
	s24 =	simm.s32 $0x100  }
0x1d: {  	v0 =	vmov s13;
	s0 =	simm.s32 $0x1;
	[dreg:$0x9] =	wrdreg s25;
	s25 =	simm.s32 $0x2900  }
.LBB2_9:
0x1e: {  	s12 =	sadd.s32 s16, s6;
	[sflag:s23] =	ssyncadd.s32 $0xFFFFFFB0  }
0x1f: {  	[tilespmem:s4], [sflag:$0x2] =	stream.linear.gather [hbm4b:s12+s4], $0x50, $0x38;
	[tilespmem:$0x16E48] =	vst v63  }
0x20: {  	_ =	swait.ge [sflag:s23], $0x50  }
0x21: {  	[sflag:s23] =	ssyncset.done $0x0  }
0x22: {  	[sflag:s23] =	ssyncadd.s32 $0xFFFFFFB0  }
0x23: {  	[spmem:s3] =	stream.indirect.scatter.add.f32 [tilespmem:s13], [sflag:$0x2], $0x1, s4, s1, $0xb8;
	[tilespmem:$0x16E48] =	vst v63  }
0x24: {  	s15 =	smov.u32 s5;
	_ =	swait.ge [sflag:s23], $0x50  }
0x25: {  	s5 =	smov.u32 s9;
	s12 =	smov.u32 s10;
	[sflag:s23] =	ssyncset.done $0x0  }
0x26: {  	s10 =	smov.u32 s11;
	s11 =	rddreg [dreg:$0xc];
	[sflag:s23] =	ssyncadd.s32 $0xFFFFFFB0  }
.LBB2_10:
0x27: {  	[bflag:$0x0] =	sbarrier.arrive $0xFFFF  }
0x28: {  	s9 =	rddreg [dreg:$0x9]  }
0x29: {  	[hbm:s9], [sflag:s11] =	dma.local [spmem:s12], $0xC80  }
0x2a: {  	_ =	swait.ge [sflag:s23], $0xC80  }
0x2b: {  	[sflag:s23] =	ssyncset.done $0x0  }
0x2c: {  	s9 =	rddreg [dreg:$0xa];
	[sflag:s23] =	ssyncadd.s32 $0xFFFFF380  }
0x2d: {  	[hbm:s9], [sflag:s11] =	dma.local @!p2 [spmem:s10], $0xC80  }
0x2e: {  	s9 =	simm.s32 @!p2 $0x2  }
0x2f: {  	_ =	swait.ge @!p2 [sflag:s9], $0xC80  }
0x30: {  	s10 =	simm.s32 @p1 $0x1C42;
	[sflag:s9] =	ssyncset.done @!p2 $0x0  }
0x31: {  	s12 =	rddreg [dreg:$0x4];
	[sflag:s9] =	ssyncadd.s32 @!p2 $0xFFFFF380;
	s9 =	sshrl.u32 @p1 s3, $0x3  }
0x32: {  	[hbm:s12], [sflag:s10] =	dma.local @p1 [spmem:s9], $0x1390  }
0x33: {  	s9 =	simm.s32 @p1 $0x2  }
0x34: {  	_ =	swait.ge @p1 [sflag:s9], $0x1390  }
0x35: {  	s8 =	sadd.s32 $0x1, s8;
	s16 =	rddreg [dreg:$0x5]  }
0x36: {  	p5 =	sne.s32 s8, s16  }
.Ltmp1:
0x37: {  	_ = 	snop;
	(pc) =	sbr.rel @!p5 .LBB2_11-.Ltmp1, $3  }
0x38: {  	_ =	sdelay $0x1  }
0x39: {  	[sflag:s9] =	ssyncset.done @p1 $0x0  }
0x3a: {  	[sflag:s9] =	ssyncadd.s32 @p1 $0xFFFFEC70  }
.LBB2_1:
0x3b: {  	s9 =	rddreg [dreg:$0x6]  }
0x3c: {  	s10 =	rddreg [dreg:$0x7];
	s12 =	sshrl.u32 s9, $0x3  }
0x3d: {  	[spmem:s12], [sflag:s11] =	dma.local [hbm:s10], $0xC80  }
0x3e: {  	_ =	swait.ge [sflag:s23], $0xC80  }
0x3f: {  	[sflag:s23] =	ssyncset.done $0x0;
	s10 =	rddreg [dreg:$0x8]  }
0x40: {  	s13 =	simm.s32 @!p2 $0x2;
	[sflag:s23] =	ssyncadd.s32 $0xFFFFF380;
	s10 =	sshrl.u32 @!p2 s10, $0x3  }
0x41: {  	[spmem:s10], [sflag:s11] =	dma.local @!p2 [hbm:s15], $0xC80  }
0x42: {  	_ =	swait.ge @!p2 [sflag:s13], $0xC80  }
0x43: {  	[sflag:s13] =	ssyncset.done @!p2 $0x0  }
0x44: {  	s14 =	simm.s32 @!p3 $0x1C42;
	[sflag:s13] =	ssyncadd.s32 @!p2 $0xFFFFF380;
	s13 =	sshrl.u32 @!p3 s3, $0x3  }
0x45: {  	[spmem:s13], [sflag:s14] =	dma.local @!p3 [hbm:s5], $0x1390  }
0x46: {  	s13 =	simm.s32 @!p3 $0x2  }
0x47: {  	_ =	swait.ge @!p3 [sflag:s13], $0x1390  }
0x48: {  	[sflag:s13] =	ssyncset.done @!p3 $0x0  }
0x49: {  	s14 =	simm.s32 @!p4 $0x2B80;
	[sflag:s13] =	ssyncadd.s32 @!p3 $0xFFFFEC70;
	s13 =	simm.s32 @!p4 $0x0  }
0x4a: {  	[tilespmem:s14], [sflag:$0x2] =	stream.linear.gather @!p4 [hbm4b:s5+s13], $0x9C80, $0x38;
	[tilespmem:$0x16E48] =	vst v63  }
0x4b: {  	s13 =	simm.s32 @!p4 $0x2  }
.Ltmp2:
0x4c: {  	_ =	swait.ge @!p4 [sflag:s13], $0x9C80;
	(pc) =	sbr.rel .LBB2_2-.Ltmp2, $4  }
0x4d: {  	[sflag:s13] =	ssyncset.done @!p4 $0x0  }
0x4e: {  	[sflag:s13] =	ssyncadd.s32 @!p4 $0xFFFF6380  }
0x4f: {  	[bflag:$0x0] =	sbarrier.arrive $0xFFFF  }
0x50: {  	s13 =	simm.s32 $0x0;
	s16 =	rddreg [dreg:$0xb]  }
.LBB2_4:
0x51: {  	v2 =	vld [tilespmem:$0x2900]  }
0x52: {  	v3 =	vld [tilespmem:$0x2A00];
	_ =	sdelay $0x4  }
0x53: {  	v3 =	vmul.f32 v3, v2;
	_ =	sdelay $0x1  }
0x54: {  	[tilespmem:v1+s31+$0x0] =	vst.idx.add.f32.msk $0xffff, v3  }
0x55: {  	v3 =	vld [tilespmem:$0x2A80];
	_ =	sdelay $0x1  }
0x56: {  	v4 =	vadd.s32 $0x2710, v1;
	_ =	sdelay $0x2  }
0x57: {  	v3 =	vmul.f32 v3, v2;
	_ =	sdelay $0x1  }
0x58: {  	[tilespmem:v4+s31+$0x0] =	vst.idx.add.f32.msk $0xffff, v3  }
0x59: {  	v3 =	vld [tilespmem:$0x2B00];
	_ =	sdelay $0x1  }
0x5a: {  	v51 =	vadd.s32 $0x4E20, v1;
	_ =	sdelay $0x2  }
0x5b: {  	v2 =	vmul.f32 v3, v2;
	_ =	sdelay $0x1  }
0x5c: {  	[tilespmem:v51+s31+$0x0] =	vst.idx.add.f32.msk $0xffff, v2  }
0x5d: {  	v1 =	vadd.s32 $0x7530, v1;
	v2 =	vld [tilespmem:$0x2980];
	_ =	sdelay $0x4  }
0x5e: {  	[tilespmem:v1+s31+$0x0] =	vst.idx.add.f32.msk $0xffff, v2  }
0x5f: {  	v1 =	vld [tilespmem:$0x10]  }
0x60: {  	v2 =	vld [tilespmem:$0x2910]  }
0x61: {  	v3 =	vld [tilespmem:$0x2A10];
	_ =	sdelay $0x4  }
0x62: {  	v52 =	vmin.u32 v1, $0x1388;
	v3 =	vmul.f32 v3, v2  }
0x63: {  	[tilespmem:$0x90] =	vst v52  }
0x64: {  	[tilespmem:v1+s31+$0x0] =	vst.idx.add.f32.msk $0xffff, v3  }
0x65: {  	v3 =	vld [tilespmem:$0x2A90];
	_ =	sdelay $0x1  }
0x66: {  	v53 =	vadd.s32 $0x2710, v1;
	_ =	sdelay $0x2  }
0x67: {  	v3 =	vmul.f32 v3, v2;
	_ =	sdelay $0x1  }
0x68: {  	[tilespmem:v53+s31+$0x0] =	vst.idx.add.f32.msk $0xffff, v3  }
0x69: {  	v3 =	vld [tilespmem:$0x2B10];
	_ =	sdelay $0x1  }
0x6a: {  	v54 =	vadd.s32 $0x4E20, v1;
	_ =	sdelay $0x2  }
0x6b: {  	v2 =	vmul.f32 v3, v2;
	_ =	sdelay $0x1  }
0x6c: {  	[tilespmem:v54+s31+$0x0] =	vst.idx.add.f32.msk $0xffff, v2  }
0x6d: {  	v1 =	vadd.s32 $0x7530, v1;
	v2 =	vld [tilespmem:$0x2990];
	_ =	sdelay $0x4  }
0x6e: {  	[tilespmem:v1+s31+$0x0] =	vst.idx.add.f32.msk $0xffff, v2  }
0x6f: {  	v1 =	vld [tilespmem:$0x20]  }
0x70: {  	v2 =	vld [tilespmem:$0x2920]  }
0x71: {  	v3 =	vld [tilespmem:$0x2A20];
	_ =	sdelay $0x4  }
0x72: {  	v55 =	vmin.u32 v1, $0x1388;
	v3 =	vmul.f32 v3, v2  }
0x73: {  	[tilespmem:$0xA0] =	vst v55  }
0x74: {  	[tilespmem:v1+s31+$0x0] =	vst.idx.add.f32.msk $0xffff, v3  }
0x75: {  	v3 =	vld [tilespmem:$0x2AA0];
	_ =	sdelay $0x1  }
0x76: {  	v56 =	vadd.s32 $0x2710, v1;
	_ =	sdelay $0x2  }
0x77: {  	v3 =	vmul.f32 v3, v2;
	_ =	sdelay $0x1  }
0x78: {  	[tilespmem:v56+s31+$0x0] =	vst.idx.add.f32.msk $0xffff, v3  }
0x79: {  	v3 =	vld [tilespmem:$0x2B20];
	_ =	sdelay $0x1  }
0x7a: {  	v57 =	vadd.s32 $0x4E20, v1;
	_ =	sdelay $0x2  }
0x7b: {  	v2 =	vmul.f32 v3, v2;
	_ =	sdelay $0x1  }
0x7c: {  	[tilespmem:v57+s31+$0x0] =	vst.idx.add.f32.msk $0xffff, v2  }
0x7d: {  	v1 =	vadd.s32 $0x7530, v1;
	v2 =	vld [tilespmem:$0x29A0];
	_ =	sdelay $0x4  }
0x7e: {  	[tilespmem:v1+s31+$0x0] =	vst.idx.add.f32.msk $0xffff, v2  }
0x7f: {  	v1 =	vld [tilespmem:$0x30]  }
0x80: {  	v2 =	vld [tilespmem:$0x2930]  }
0x81: {  	v3 =	vld [tilespmem:$0x2A30];
	_ =	sdelay $0x4  }
0x82: {  	v58 =	vmin.u32 v1, $0x1388;
	v3 =	vmul.f32 v3, v2  }
0x83: {  	[tilespmem:$0xB0] =	vst v58  }
0x84: {  	[tilespmem:v1+s31+$0x0] =	vst.idx.add.f32.msk $0xffff, v3  }
0x85: {  	v3 =	vld [tilespmem:$0x2AB0];
	_ =	sdelay $0x1  }
0x86: {  	v59 =	vadd.s32 $0x2710, v1;
	_ =	sdelay $0x2  }
0x87: {  	v3 =	vmul.f32 v3, v2;
	_ =	sdelay $0x1  }
0x88: {  	[tilespmem:v59+s31+$0x0] =	vst.idx.add.f32.msk $0xffff, v3  }
0x89: {  	v3 =	vld [tilespmem:$0x2B30];
	_ =	sdelay $0x1  }
0x8a: {  	v60 =	vadd.s32 $0x4E20, v1;
	_ =	sdelay $0x2  }
0x8b: {  	v2 =	vmul.f32 v3, v2;
	_ =	sdelay $0x1  }
0x8c: {  	[tilespmem:v60+s31+$0x0] =	vst.idx.add.f32.msk $0xffff, v2  }
0x8d: {  	v1 =	vadd.s32 $0x7530, v1;
	v2 =	vld [tilespmem:$0x29B0];
	_ =	sdelay $0x4  }
0x8e: {  	[tilespmem:v1+s31+$0x0] =	vst.idx.add.f32.msk $0xffff, v2  }
0x8f: {  	v1 =	vld [tilespmem:$0x40]  }
0x90: {  	v2 =	vld [tilespmem:$0x2940]  }
0x91: {  	v3 =	vld [tilespmem:$0x2A40];
	_ =	sdelay $0x4  }
0x92: {  	v61 =	vmin.u32 v1, $0x1388;
	v3 =	vmul.f32 v3, v2  }
0x93: {  	[tilespmem:$0xC0] =	vst v61  }
0x94: {  	[tilespmem:v1+s31+$0x0] =	vst.idx.add.f32.msk $0xffff, v3  }
0x95: {  	v3 =	vld [tilespmem:$0x2AC0];
	_ =	sdelay $0x1  }
0x96: {  	v62 =	vadd.s32 $0x2710, v1;
	_ =	sdelay $0x2  }
0x97: {  	v3 =	vmul.f32 v3, v2;
	_ =	sdelay $0x1  }
0x98: {  	[tilespmem:v62+s31+$0x0] =	vst.idx.add.f32.msk $0xffff, v3  }
0x99: {  	v3 =	vld [tilespmem:$0x2B40];
	_ =	sdelay $0x1  }
0x9a: {  	v63 =	vadd.s32 $0x4E20, v1;
	_ =	sdelay $0x2  }
0x9b: {  	v2 =	vmul.f32 v3, v2;
	_ =	sdelay $0x1  }
0x9c: {  	[tilespmem:v63+s31+$0x0] =	vst.idx.add.f32.msk $0xffff, v2  }
0x9d: {  	v1 =	vadd.s32 $0x7530, v1;
	v2 =	vld [tilespmem:$0x29C0];
	_ =	sdelay $0x4  }
0x9e: {  	[tilespmem:v1+s31+$0x0] =	vst.idx.add.f32.msk $0xffff, v2  }
.LBB2_5:
0x9f: {  	_ =	swait.ge [sflag:s0], $0x2800;
	s13 =	sadd.s32 $0xA, s13  }
0xa0: {  	[sflag:s0] =	ssyncset.done $0x0;
	p5 =	sne.s32 s13, $0x9C4  }
.Ltmp3:
0xa1: {  	[sflag:s0] =	ssyncadd.s32 $0xFFFFD800;
	(pc) =	sbr.rel @!p5 .LBB2_6-.Ltmp3, $4  }
0xa2: {  	[spmem:s2] =	stream.indirect.scatter.add.f32 [tilespmem:s24], [sflag:$0x2], $0x80, s7, s1, $0xb8;
	[tilespmem:$0x16E48] =	vst v63  }
0xa3: {  	_ =	swait.ge [sflag:s23], $0x2800  }
0xa4: {  	[sflag:s23] =	ssyncset.done $0x0  }
0xa5: {  	s16 =	sadd.s32 $0x500, s16;
	[sflag:s23] =	ssyncadd.s32 $0xFFFFD800  }
.LBB2_2:
0xa6: {  	s14 =	sadd.s32 s13, s22  }
0xa7: {  	[tilespmem:s4], [sflag:$0x2] =	stream.linear.gather [hbm4b:s14+s4], $0x50, $0x38;
	[tilespmem:$0x16E48] =	vst v63  }
0xa8: {  	_ =	swait.ge [sflag:s23], $0x50  }
0xa9: {  	[sflag:s23] =	ssyncset.done $0x0  }
0xaa: {  	[sflag:s23] =	ssyncadd.s32 $0xFFFFFFB0  }
0xab: {  	[tilespmem:s24], [sflag:$0x1] =	stream.linear.gather [hbm4b:s16+s4], $0x2800, $0x38;
	[tilespmem:$0x16E48] =	vst v63  }
0xac: {  	s9 =	sadd.s32 s13, s21  }
0xad: {  	[tilespmem:s25], [sflag:$0x2] =	stream.linear.gather [hbm4b:s9+s4], $0x50, $0x38;
	[tilespmem:$0x16E48] =	vst v63  }
0xae: {  	_ =	swait.ge [sflag:s23], $0x50  }
0xaf: {  	[sflag:s23] =	ssyncset.done $0x0  }
0xb0: {  	s9 =	sadd.s32 s13, s20;
	[sflag:s23] =	ssyncadd.s32 $0xFFFFFFB0  }
0xb1: {  	[tilespmem:s26], [sflag:$0x2] =	stream.linear.gather [hbm4b:s9+s4], $0x50, $0x38;
	[tilespmem:$0x16E48] =	vst v63  }
0xb2: {  	_ =	swait.ge [sflag:s23], $0x50  }
0xb3: {  	[sflag:s23] =	ssyncset.done $0x0  }
0xb4: {  	s9 =	sadd.s32 s13, s19;
	[sflag:s23] =	ssyncadd.s32 $0xFFFFFFB0  }
0xb5: {  	[tilespmem:s28], [sflag:$0x2] =	stream.linear.gather [hbm4b:s9+s4], $0x50, $0x38;
	[tilespmem:$0x16E48] =	vst v63  }
0xb6: {  	_ =	swait.ge [sflag:s23], $0x50  }
0xb7: {  	[sflag:s23] =	ssyncset.done $0x0  }
0xb8: {  	s9 =	sadd.s32 s13, s18;
	[sflag:s23] =	ssyncadd.s32 $0xFFFFFFB0  }
0xb9: {  	[tilespmem:s29], [sflag:$0x2] =	stream.linear.gather [hbm4b:s9+s4], $0x50, $0x38;
	[tilespmem:$0x16E48] =	vst v63  }
0xba: {  	_ =	swait.ge [sflag:s23], $0x50  }
0xbb: {  	[sflag:s23] =	ssyncset.done $0x0  }
0xbc: {  	s9 =	sadd.s32 s13, s17;
	[sflag:s23] =	ssyncadd.s32 $0xFFFFFFB0  }
0xbd: {  	[tilespmem:s30], [sflag:$0x2] =	stream.linear.gather [hbm4b:s9+s4], $0x50, $0x38;
	[tilespmem:$0x16E48] =	vst v63  }
0xbe: {  	_ =	swait.ge [sflag:s23], $0x50  }
0xbf: {  	[sflag:s23] =	ssyncset.done $0x0  }
0xc0: {  	[sflag:s23] =	ssyncadd.s32 $0xFFFFFFB0  }
0xc1: {  	v1 =	vld [tilespmem:$0x0];
	_ =	sdelay $0x2  }
.Ltmp4:
0xc2: {  	_ = 	snop;
	(pc) =	sbr.rel @p0 .LBB2_4-.Ltmp4, $4  }
0xc3: {  	_ = 	snop  }
0xc4: {  	v2 =	vadd.s32 v0, v1  }
0xc5: {  	v2 =	vmin.u32 v2, $0x1388  }
0xc6: {  	[tilespmem:$0x80] =	vst v2  }
0xc7: {  	v1 =	vld [tilespmem:$0x10]  }
0xc8: {  	v2 =	vld [tilespmem:$0x20]  }
0xc9: {  	v3 =	vld [tilespmem:$0x30]  }
0xca: {  	v4 =	vld [tilespmem:$0x40];
	_ =	sdelay $0x1  }
0xcb: {  	v1 =	vadd.s32 v0, v1  }
.Ltmp5:
0xcc: {  	v2 =	vadd.s32 v0, v2;
	v1 =	vmin.u32 v1, $0x1388;
	(pc) =	sbr.rel .LBB2_5-.Ltmp5, $4  }
0xcd: {  	[tilespmem:$0x90] =	vst v1;
	v1 =	vmin.u32 v2, $0x1388;
	v2 =	vadd.s32 v0, v3  }
0xce: {  	[tilespmem:$0xA0] =	vst v1;
	v1 =	vmin.u32 v2, $0x1388;
	v2 =	vadd.s32 v0, v4  }
0xcf: {  	[tilespmem:$0xB0] =	vst v1;
	v1 =	vmin.u32 v2, $0x1388  }
0xd0: {  	[tilespmem:$0xC0] =	vst v1  }
.LBB2_6:
.Ltmp6:
0xd1: {  	(pc) =	sbr.rel @p4 .LBB2_10-.Ltmp6, $1  }
0xd2: {  	_ =	sdelay $0x3  }
0xd3: {  	s13 =	sadd.s32 $0x0, s6  }
0xd4: {  	[tilespmem:s4], [sflag:$0x2] =	stream.linear.gather [hbm4b:s13+s4], $0x50, $0x38;
	[tilespmem:$0x16E48] =	vst v63  }
0xd5: {  	_ =	swait.ge [sflag:s23], $0x50  }
0xd6: {  	s11 =	smov.u32 s10;
	s10 =	smov.u32 s12;
	[sflag:s23] =	ssyncset.done $0x0  }
0xd7: {  	s9 =	smov.u32 s5;
	s16 =	simm.s32 $0x2B80;
	[sflag:s23] =	ssyncadd.s32 $0xFFFFFFB0  }
0xd8: {  	[spmem:s3] =	stream.indirect.scatter.add.f32 [tilespmem:s16], [sflag:$0x2], $0x1, s4, s1, $0xb8;
	[tilespmem:$0x16E48] =	vst v63  }
0xd9: {  	s5 =	smov.u32 s15;
	s14 =	simm.s32 $0x14;
	_ =	swait.ge [sflag:s23], $0x50  }
0xda: {  	s13 =	simm.s32 $0x2BD0;
	s16 =	simm.s32 $0xA;
	[sflag:s23] =	ssyncset.done $0x0  }
.LBB2_8:
0xdb: {  	s15 =	sadd.s32 s16, s6  }
0xdc: {  	[sflag:s23] =	ssyncadd.s32 $0xFFFFFFB0;
	s16 =	smov.u32 s14;
	s12 =	sadd.s32 $0xA, s14  }
0xdd: {  	[tilespmem:s4], [sflag:$0x2] =	stream.linear.gather [hbm4b:s15+s4], $0x50, $0x38;
	[tilespmem:$0x16E48] =	vst v63  }
0xde: {  	p5 =	sne.s32 s14, $0x137E;
	_ =	swait.ge [sflag:s23], $0x50  }
.Ltmp7:
0xdf: {  	[sflag:s23] =	ssyncset.done $0x0;
	(pc) =	sbr.rel @p5 .LBB2_8-.Ltmp7, $4  }
0xe0: {  	[sflag:s23] =	ssyncadd.s32 $0xFFFFFFB0  }
0xe1: {  	[spmem:s3] =	stream.indirect.scatter.add.f32 [tilespmem:s13], [sflag:$0x2], $0x1, s4, s1, $0xb8;
	[tilespmem:$0x16E48] =	vst v63  }
0xe2: {  	_ =	swait.ge [sflag:s23], $0x50  }
0xe3: {  	s14 =	smov.u32 s12;
	s13 =	sadd.s32 $0x50, s13;
	[sflag:s23] =	ssyncset.done $0x0  }
.Ltmp8:
0xe4: {  	_ = 	snop;
	(pc) =	sbr.rel .LBB2_9-.Ltmp8, $1  }
0xe5: {  	_ =	sdelay $0x3  }
.LBB2_11:
0xe6: {  	_ =	sfence.sel $0x180000  }
0xe7: {  	[bflag:$0x0] =	sbarrier.arrive $0xFFFF  }
0xe8: {  	_ =	strace $0x9000004A  }
0xe9: {  	s0 =	stileid.u32;
	[bflag:$0x2] =	sbarrier.arrive $0xFFFF  }
0xea: {  	p0 =	sne.s32 s0, $0x0;
	s0 =	rddreg [dreg:$0x3]  }
0xeb: {  	s0 =	sadd.s32 @!p0 $0x100000, s0  }
0xec: {  	[sflag:s0] =	ssyncadd.tile.s32 @!p0 $0x1;
	_ =	shalt  }
.Lfunc_end2:
_tile_overlayer_lowered:
.L_overlay_start_2:
0xed: {  	(tag) =	ssettag $0x2  }
0xee: {  	s0 =	rddreg [dreg:$0x0];
	s2 =	stileid.u32  }
0xef: {  	s1 =	rddreg [dreg:$0x1];
	p0 =	sne.s32 s2, $0x0  }
0xf0: {  	s3 =	rddreg [dreg:$0x2];
	[bflag:$0x3] =	sbarrier.arrive $0xFFFF;
	s2 =	simm.s32 @!p0 $0x1C02  }
0xf1: {  	[timem:s3], [sflag:s2] =	dma.local @!p0 [hbm:s0], s1  }
0xf2: {  	s0 =	simm.s32 @!p0 $0x2  }
0xf3: {  	_ =	swait.ge @!p0 [sflag:s0], s1  }
0xf4: {  	s1 =	ssub.s32 @!p0 $0x0, s1;
	[sflag:s0] =	ssyncset.done @!p0 $0x0  }
0xf5: {  	[sflag:s0] =	ssyncadd.s32 @!p0 s1  }
0xf6: {  	[bflag:$0x3] =	sbarrier.arrive $0xFFFF  }
0xf7: {  	_ =	shalt  }

// kernel: kernel.19.cloned.1.call-start
scs
__scs_entry_jumppad:
0x0: {  	(pc) =	sbr.rel $0x88, $3  }
0x1: {  	(tag) =	ssettag $0x0;
	lr =	simm.s32 $0x1  }
0x2: {  	[smem:$0x3F90] =	sst lr;
	_ =	strace $0xD0000000  }
0x3: {  	_ = 	snop  }
0x4: {  	_ = 	snop  }
0x5: {  	_ = 	snop  }
0x6: {  	_ = 	snop  }
0x7: {  	_ = 	snop  }
__scs_overlays_trampoline_lowered:
0x8: {  	[smem:$0x3F9F] =	sst s0  }
0x9: {  	[smem:$0x3FA0] =	sst s1  }
0xa: {  	[smem:$0x3FA1] =	sst s2  }
0xb: {  	[smem:$0x3FA2] =	sst s3  }
0xc: {  	[smem:$0x3FA3] =	sst s4  }
0xd: {  	[smem:$0x3FA4] =	sst s5  }
0xe: {  	[smem:$0x3FA5] =	sst s6  }
0xf: {  	[smem:$0x3FA6] =	sst s7  }
0x10: {  	[smem:$0x3FA7] =	sst s8  }
0x11: {  	[smem:$0x3FA8] =	sst s9;
	s0 =	simm.s32 @!p0 $0x0  }
0x12: {  	s1 =	sld [smem:$0x3F8E];
	s0 =	simm.s32 @p0 $0x1  }
0x13: {  	[smem:$0x3FA9] =	sst s0;
	s0 =	simm.s32 @!p1 $0x0  }
0x14: {  	s2 =	sld [smem:$0x3F8D];
	s0 =	simm.s32 @p1 $0x1  }
0x15: {  	[smem:$0x3FAA] =	sst s0;
	s0 =	simm.s32 @!p2 $0x0  }
0x16: {  	s3 =	sld [smem:$0x3FDB];
	s0 =	simm.s32 @p2 $0x1  }
0x17: {  	s4 =	simm.s32 $0x1BF5;
	[smem:$0x3FAC] =	sst s0  }
0x18: {  	s0 =	sld [smem:$0x3F8F];
	_ =	swait.ge [sflag:s4], $0x0  }
0x19: {  	s7 =	sld [smem:$0x3F90]  }
0x1a: {  	s8 =	sadd.s32 $0xFFFFE003, lr  }
0x1b: {  	s9 =	sadd.s32 $0xFFFFFEF7, lr;
	s5 =	simm.s32 $0xFFFFFFFF;
	p2 =	slt.u32 s8, $0xFFFFF086  }
0x1c: {  	p1 =	slt.u32 s9, $0xF7A;
	s5 =	simm.s32 @!p2 $0x0  }
0x1d: {  	s5 =	simm.s32 @p1 $0x1;
	p0 =	seq.s32 s7, s2  }
0x1e: {  	s7 =	smul.u32 @!p0 $0xF7A, s2;
	p2 =	seq.s32 @!p0 s5, $0x0  }
0x1f: {  	s9 =	smul.u32 $0xF7A, s1;
	s8 =	simm.s32 @!p0 $0x1BF5;
	p2 =	por !p2, p0  }
0x20: {  	[sflag:s8] =	ssyncset.s32 @!p0 $0xFFFFF086;
	s6 =	sadd.s32 @!p0 s3, s7;
	s7 =	simm.s32 @!p0 $0x108  }
0x21: {  	s3 =	sadd.s32 s3, s9;
	s6 =	sadd.s32 @!p0 $0x88, s6;
	s7 =	simm.s32 @p2 $0x1082  }
0x22: {  	[simem:s7], [sflag:s8] =	dma.local @!p0 [hbm:s6], $0xF7A  }
0x23: {  	s9 =	sor.u32 $0xD0000000, s2;
	s6 =	simm.s32 $0x108;
	_ =	swait.ge @!p0 [sflag:s8], $0x0  }
0x24: {  	s3 =	sadd.s32 $0x88, s3;
	s6 =	simm.s32 @!p1 $0x1082;
	[sflag:s4] =	ssyncset.s32 $0xFFFFF086  }
0x25: {  	[simem:s6], [sflag:s4] =	dma.local [hbm:s3], $0xF7A  }
0x26: {  	[smem:$0x3F90] =	sst s1;
	(tag) =	ssettag s2;
	_ =	strace s9  }
0x27: {  	s1 =	sld [smem:$0x3FA0]  }
0x28: {  	s2 =	sld [smem:$0x3FA1]  }
0x29: {  	s4 =	sld [smem:$0x3FA3]  }
0x2a: {  	p0 =	seq.s32 s5, $0x0;
	s5 =	sld [smem:$0x3FA4]  }
0x2b: {  	s6 =	sld [smem:$0x3FA5]  }
0x2c: {  	s7 =	sld [smem:$0x3FA6]  }
0x2d: {  	s3 =	simm.s32 $0x108;
	s8 =	sld [smem:$0x3FA7]  }
0x2e: {  	s3 =	simm.s32 @!p0 $0x1082;
	s9 =	sld [smem:$0x3FA8]  }
0x2f: {  	lr =	sadd.s32 s0, s3;
	s0 =	sld [smem:$0x3F9F]  }
0x30: {  	s3 =	sld [smem:$0x3FA2]  }
0x31: {  	[smem:$0x3FAB] =	sst s10  }
0x32: {  	s10 =	sld [smem:$0x3FA9];
	_ =	sdelay $0x3  }
0x33: {  	p0 =	seq.s32 s10, $0x1;
	s10 =	sld [smem:$0x3FAB];
	_ =	sdelay $0x3  }
0x34: {  	[smem:$0x3FAB] =	sst s10  }
0x35: {  	s10 =	sld [smem:$0x3FAA];
	_ =	sdelay $0x3  }
0x36: {  	p1 =	seq.s32 s10, $0x1;
	s10 =	sld [smem:$0x3FAB];
	_ =	sdelay $0x3  }
0x37: {  	[smem:$0x3FAB] =	sst s10  }
0x38: {  	s10 =	sld [smem:$0x3FAC]  }
0x39: {  	_ = 	snop;
	(pc) =	sbr.ind lr, $3  }
0x3a: {  	_ = 	snop  }
0x3b: {  	_ = 	snop  }
0x3c: {  	p2 =	seq.s32 s10, $0x1;
	s10 =	sld [smem:$0x3FAB]  }
0x3d: {  	_ =	shalt  }
0x3e: {  	_ =	shalt  }
0x3f: {  	_ =	shalt  }
0x40: {  	_ =	shalt  }
0x41: {  	_ =	shalt  }
0x42: {  	_ =	shalt  }
0x43: {  	_ =	shalt  }
0x44: {  	_ =	shalt  }
0x45: {  	_ =	shalt  }
0x46: {  	_ =	shalt  }
0x47: {  	_ =	shalt  }
0x48: {  	_ =	shalt  }
0x49: {  	_ =	shalt  }
0x4a: {  	_ =	shalt  }
0x4b: {  	_ =	shalt  }
0x4c: {  	_ =	shalt  }
0x4d: {  	_ =	shalt  }
0x4e: {  	_ =	shalt  }
0x4f: {  	_ =	shalt  }
0x50: {  	_ =	shalt  }
0x51: {  	_ =	shalt  }
0x52: {  	_ =	shalt  }
0x53: {  	_ =	shalt  }
0x54: {  	_ =	shalt  }
0x55: {  	_ =	shalt  }
0x56: {  	_ =	shalt  }
0x57: {  	_ =	shalt  }
0x58: {  	_ =	shalt  }
0x59: {  	_ =	shalt  }
0x5a: {  	_ =	shalt  }
0x5b: {  	_ =	shalt  }
0x5c: {  	_ =	shalt  }
0x5d: {  	_ =	shalt  }
0x5e: {  	_ =	shalt  }
0x5f: {  	_ =	shalt  }
0x60: {  	_ =	shalt  }
0x61: {  	_ =	shalt  }
0x62: {  	_ =	shalt  }
0x63: {  	_ =	shalt  }
0x64: {  	_ =	shalt  }
0x65: {  	_ =	shalt  }
0x66: {  	_ =	shalt  }
0x67: {  	_ =	shalt  }
0x68: {  	_ =	shalt  }
0x69: {  	_ =	shalt  }
0x6a: {  	_ =	shalt  }
0x6b: {  	_ =	shalt  }
0x6c: {  	_ =	shalt  }
0x6d: {  	_ =	shalt  }
0x6e: {  	_ =	shalt  }
0x6f: {  	_ =	shalt  }
0x70: {  	_ =	shalt  }
0x71: {  	_ =	shalt  }
0x72: {  	_ =	shalt  }
0x73: {  	_ =	shalt  }
0x74: {  	_ =	shalt  }
0x75: {  	_ =	shalt  }
0x76: {  	_ =	shalt  }
0x77: {  	_ =	shalt  }
0x78: {  	_ =	shalt  }
0x79: {  	_ =	shalt  }
0x7a: {  	_ =	shalt  }
0x7b: {  	_ =	shalt  }
0x7c: {  	_ =	shalt  }
0x7d: {  	_ =	shalt  }
0x7e: {  	_ =	shalt  }
0x7f: {  	_ =	shalt  }
0x80: {  	_ =	shalt  }
0x81: {  	_ =	shalt  }
0x82: {  	_ =	shalt  }
0x83: {  	_ =	shalt  }
0x84: {  	_ =	shalt  }
0x85: {  	_ =	shalt  }
0x86: {  	_ =	shalt  }
0x87: {  	_ =	shalt  }
.Lfunc_end0:
.L_simem_size_0:
called_computation.2_lowered:
.L_overlay_start_0:
0x88: {  	s2 =	sld [smem:$0x3FD9]  }
0x89: {  	s3 =	sld [smem:$0x3FFE];
	_ =	sdelay $0x1  }
0x8a: {  	s1 =	srdreg.scid  }
0x8b: {  	s0 =	sand.u32 $0x1, s1  }
0x8c: {  	s16 =	sshll.u32 s0, $0xA;
	s2 =	sadd.s32 s3, s2  }
0x8d: {  	s2 =	sadd.s32 s2, s16  }
0x8e: {  	[smem:$0x3FB7] =	sst s2  }
0x8f: {  	_ = 	snop  }
0x90: {  	(tm) =	ssettm $0x1  }
0x91: {  	s17 =	sld [smem:$0x3FFB];
	_ =	sdelay $0x3  }
0x92: {  	_ =	strace s17  }
0x93: {  	s2 =	sld [smem:$0x3FFC];
	_ =	sdelay $0x3  }
0x94: {  	_ =	strace s2  }
0x95: {  	s2 =	sld [smem:$0x3FFD];
	_ =	sdelay $0x3  }
0x96: {  	_ =	strace s2  }
0x97: {  	_ =	strace $0x8FFFFFFF  }
0x98: {  	s18 =	sld [smem:$0x3FDB];
	_ =	sdelay $0x1  }
0x99: {  	s19 =	simm.s32 $_scs_section_size  }
0x9a: {  	s4 =	simm.s32 $_size__tile_overlayer_lowered;
	s5 =	simm.s32 $_tile_overlayer_lowered  }
0x9b: {  	s22 =	simm.s32 $0x1BFF;
	s21 =	sshll.u32 s5, $0x1;
	s2 =	sadd.s32 s19, s18  }
0x9c: {  	s6 =	simm.s32 $0x0;
	s20 =	sshll.u32 s4, $0x1;
	s4 =	sadd.s32 s21, s2  }
0x9d: {  	[timem:s6], [sflag:s22] =	dma.local [hbm:s4], s20  }
0x9e: {  	_ =	swait.ge [sflag:s22], s20  }
0x9f: {  	s3 =	ssub.s32 $0x0, s20;
	[sflag:s22] =	ssyncset.done $0x0  }
0xa0: {  	[sflag:s22] =	ssyncadd.s32 s3;
	_ =	sdelay $0x1  }
0xa1: {  	s23 =	simm.s32 $0x1B8B  }
0xa2: {  	_ =	swait.ge [sflag:s23], $0x1  }
0xa3: {  	[sflag:s23] =	ssyncset.done $0x0  }
0xa4: {  	s25 =	simm.s32 $0x1B8E;
	s24 =	sld [smem:$0x3FFE];
	[sflag:s23] =	ssyncadd.s32 $0xFFFFFFFF  }
0xa5: {  	s26 =	simm.s32 $execute0_lowered;
	[smem:$0x3FD2] =	sst s25  }
0xa6: {  	s4 =	sshll.u32 s26, $0x1;
	_ =	strace $0x8000004C;
	[dreg:$0x1] =	wrdreg $0xFFFFFFFF  }
0xa7: {  	s28 =	simm.s32 $_size_execute0_lowered;
	s2 =	sadd.s32 s2, s4;
	[dreg:$0x0] =	wrdreg $0x0  }
0xa8: {  	s4 =	sshll.u32 s28, $0x1;
	[dreg:$0x2] =	wrdreg s2  }
0xa9: {  	[dreg:$0x3] =	wrdreg s4  }
0xaa: {  	[dreg:$0x4] =	wrdreg $0xC0  }
0xab: {  	_ =	task [dreg:s6], $0x5FFFF  }
0xac: {  	[dreg:$0x1] =	wrdreg $0xFFFFFFFF  }
0xad: {  	[dreg:$0x0] =	wrdreg $0x60  }
0xae: {  	[dreg:$0x2] =	wrdreg s24  }
0xaf: {  	[dreg:$0x3] =	wrdreg $0x9  }
0xb0: {  	_ =	task.clear_ibuf [dreg:s6], $0x4FFFF;
	_ =	strace $0x9000004C  }
0xb1: {  	s29 =	simm.s32 $0x9;
	_ =	strace $0x8000004E  }
0xb2: {  	_ =	swait.ge [sflag:s29], $0x1  }
0xb3: {  	[sflag:s29] =	ssyncadd.s32 $0xFFFFFFFF  }
0xb4: {  	_ =	strace $0x9000004E  }
0xb5: {  	_ =	sfence  }
0xb6: {  	s30 =	sld [smem:$0x0];
	_ =	sdelay $0x2  }
0xb7: {  	s31 =	sshll.u32 s1, $0xD;
	s1 =	sshrl.u32 s1, $0x2  }
0xb8: {  	s3 =	sand.u32 $0x4000, s31;
	s1 =	sadd.s32 s1, s30  }
0xb9: {  	s0 =	sor.u32 s3, s0;
	s1 =	sshll.u32 s1, $0x11  }
0xba: {  	s0 =	sor.u32 s1, s0  }
0xbb: {  	s0 =	sadd.s32 $0x8F2B, s0  }
0xbc: {  	[sflag:s0] =	ssyncadd.remote.s32 $0x1  }
0xbd: {  	_ =	sfence.sel $0xFFFF  }
0xbe: {  	[dreg:$0x0] =	wrdreg $0xFFFFFFFF;
	(pc) =	sbr.abs _section_cstart, $3  }
0xbf: {  	[dreg:$0x1] =	wrdreg $0xFFFFFFFF  }
0xc0: {  	_ =	task.clear_ibuf [dreg:s6], $0x2FFFF;
	_ =	strace $0x9FFFFFFF  }
0xc1: {  	(tm) =	ssettm $0x7FFFFFFF  }
tec
execute0_lowered:
.L_overlay_start_1:
0x0: {  	(tag) =	ssettag $0x1  }
0x1: {  	s0 =	rddreg [dreg:$0x0];
	s2 =	simm.s32 $0x0  }
0x2: {  	s1 =	srdreg.scid;
	s6 =	stileid.u32;
	s14 =	simm.s32 $0x2  }
0x3: {  	s15 =	simm.s32 $0x9C80;
	s16 =	simm.s32 $0x9D00;
	s17 =	simm.s32 $0x50  }
0x4: {  	s18 =	simm.s32 $0x9D80;
	s19 =	simm.s32 $0xC580;
	s20 =	simm.s32 $0xC600  }
0x5: {  	s21 =	simm.s32 $0xC680;
	s22 =	simm.s32 $0xC700;
	s23 =	simm.s32 $0xC780  }
0x6: {  	s24 =	simm.s32 $0x1;
	[smem:$0x7FF] =	sst s2;
	s1 =	sand.u32 $0x1, s1  }
0x7: {  	s3 =	smul.u32 $0x4E20, s6;
	s4 =	sadd.s32 $0xADDE00, s0;
	s26 =	sadd.s32 $0x17400, s0  }
0x8: {  	s6 =	smul.u32 $0x4E200, s6;
	_ =	strace $0x8000004D;
	[dreg:$0x2] =	wrdreg s4  }
0x9: {  	s30 =	sadd.s32 $0x3E600, s0;
	s5 =	smul.u32 $0x2710, s1;
	[dreg:$0x3] =	wrdreg s26  }
0xa: {  	s25 =	simm.s32 $0x0;
	s29 =	smul.u32 $0x27100, s1;
	[dreg:$0x4] =	wrdreg s30  }
0xb: {  	s1 =	ssub.s32 $0x2, s1;
	s6 =	sadd.s32 s6, s0;
	s28 =	sadd.s32 s5, s3  }
0xc: {  	s31 =	sshrl.u32 s1, $0x1;
	s5 =	sadd.s32 s29, s6;
	s4 =	sshrl.u32 s28, $0x3  }
0xd: {  	s0 =	sadd.s32 s4, s0;
	s4 =	sadd.s32 $0x49800, s5;
	s5 =	sadd.s32 $0x52B800, s5  }
0xe: {  	s1 =	ssub.s32 s1, s31;
	s6 =	sadd.s32 $0xA2B200, s0;
	s7 =	sadd.s32 $0xA21400, s0  }
0xf: {  	s8 =	smax.u32 s1, $0x1;
	s9 =	sadd.s32 $0xA17600, s0;
	s10 =	sadd.s32 $0xA0D800, s0  }
0x10: {  	s11 =	sadd.s32 $0x3FA00, s0;
	s12 =	sadd.s32 $0xD600, s0;
	s13 =	sadd.s32 $0x3800, s0  }
.LBB2_1:
0x11: {  	s0 =	rddreg [dreg:$0x4]  }
0x12: {  	[tilespmem:s2], [sflag:$0x2] =	stream.linear.gather [hbm4b:s0+s2], $0x9C80, $0x38;
	[tilespmem:$0xC800] =	vst v63  }
0x13: {  	_ =	swait.ge [sflag:s14], $0x9C80  }
0x14: {  	[sflag:s14] =	ssyncset.done $0x0  }
0x15: {  	s26 =	sadd.s32 $0x0, s13;
	[sflag:s14] =	ssyncadd.s32 $0xFFFF6380  }
0x16: {  	[tilespmem:s15], [sflag:$0x2] =	stream.linear.gather [hbm4b:s26+s2], $0x50, $0x38;
	[tilespmem:$0xC800] =	vst v63  }
0x17: {  	_ =	swait.ge [sflag:s14], $0x50  }
0x18: {  	[sflag:s14] =	ssyncset.done $0x0  }
0x19: {  	s1 =	sadd.s32 $0x0, s12;
	[sflag:s14] =	ssyncadd.s32 $0xFFFFFFB0  }
0x1a: {  	[tilespmem:s16], [sflag:$0x2] =	stream.linear.gather [hbm4b:s1+s2], $0x50, $0x38;
	[tilespmem:$0xC800] =	vst v63  }
0x1b: {  	_ =	swait.ge [sflag:s14], $0x50  }
0x1c: {  	[sflag:s14] =	ssyncset.done $0x0  }
0x1d: {  	s3 =	rddreg [dreg:$0x2];
	[sflag:s14] =	ssyncadd.s32 $0xFFFFFFB0  }
0x1e: {  	[tilespmem:s18], [sflag:$0x1] =	stream.indirect.gather [hbm4b:s3+s17], $0x80, s15, s17, $0xb8;
	[tilespmem:$0xC800] =	vst v63  }
0x1f: {  	v0 =	vld [tilespmem:$0x9C80]  }
0x20: {  	v1 =	vld [tilespmem:$0x9D00];
	_ =	sdelay $0x3  }
0x21: {  	v2 =	vadd.s32 $0x2710, v0  }
0x22: {  	v3 =	vadd.s32 $0x2710, v1  }
0x23: {  	v4 =	vadd.s32 $0x4E20, v1  }
0x24: {  	v5 =	vadd.s32 $0x4E20, v0;
	v6 =	vld.idx.msk [tilespmem:v0+s2+$0x0], $0xffff  }
0x25: {  	v7 =	vld.idx.msk [tilespmem:v1+s2+$0x0], $0xffff  }
0x26: {  	v0 =	vadd.s32 $0x7530, v0;
	v2 =	vld.idx.msk [tilespmem:v2+s2+$0x0], $0xffff  }
0x27: {  	v1 =	vadd.s32 $0x7530, v1;
	v3 =	vld.idx.msk [tilespmem:v3+s2+$0x0], $0xffff  }
0x28: {  	v4 =	vld.idx.msk [tilespmem:v4+s2+$0x0], $0xffff  }
0x29: {  	v5 =	vld.idx.msk [tilespmem:v5+s2+$0x0], $0xffff  }
0x2a: {  	v8 =	vld [tilespmem:$0x9D10]  }
0x2b: {  	v0 =	vld.idx.msk [tilespmem:v0+s2+$0x0], $0xffff  }
0x2c: {  	v6 =	vsub.f32 v6, v7;
	v1 =	vld.idx.msk [tilespmem:v1+s2+$0x0], $0xffff;
	v2 =	vsub.f32 v2, v3;
	_ =	sdelay $0x1  }
0x2d: {  	v57 =	vld [tilespmem:$0x9C90];
	v55 =	vmul.f32 v6, v6;
	v4 =	vsub.f32 v5, v4;
	v56 =	vmul.f32 v2, v2;
	_ =	sdelay $0x1  }
0x2e: {  	v59 =	vadd.s32 $0x2710, v8;
	[tilespmem:$0xC680] =	vst v6;
	v58 =	vmul.f32 v4, v4;
	v3 =	vadd.f32 v56, v55  }
0x2f: {  	[tilespmem:$0xC780] =	vst v4;
	v0 =	vmul.f32 v1, v0  }
0x30: {  	[tilespmem:$0xC700] =	vst v2;
	v3 =	vadd.f32 v58, v3  }
0x31: {  	v60 =	vadd.s32 $0x2710, v57;
	[tilespmem:$0xC600] =	vst v0  }
0x32: {  	v61 =	vadd.s32 $0x4E20, v57;
	[tilespmem:$0xC580] =	vst v3  }
0x33: {  	v62 =	vadd.s32 $0x4E20, v8;
	v2 =	vld.idx.msk [tilespmem:v59+s2+$0x0], $0xffff  }
0x34: {  	v4 =	vld.idx.msk [tilespmem:v57+s2+$0x0], $0xffff  }
0x35: {  	v12 =	vadd.s32 $0x7530, v8;
	v63 =	vld.idx.msk [tilespmem:v8+s2+$0x0], $0xffff  }
0x36: {  	v7 =	vadd.s32 $0x7530, v57;
	v1 =	vld.idx.msk [tilespmem:v60+s2+$0x0], $0xffff  }
0x37: {  	v0 =	vld.idx.msk [tilespmem:v61+s2+$0x0], $0xffff  }
0x38: {  	v3 =	vld.idx.msk [tilespmem:v62+s2+$0x0], $0xffff  }
0x39: {  	v13 =	vld [tilespmem:$0x9CA0]  }
0x3a: {  	v14 =	vld.idx.msk [tilespmem:v12+s2+$0x0], $0xffff  }
0x3b: {  	v15 =	vld.idx.msk [tilespmem:v7+s2+$0x0], $0xffff;
	v4 =	vsub.f32 v4, v63;
	v1 =	vsub.f32 v1, v2  }
0x3c: {  	v9 =	vld [tilespmem:$0x9D20]  }
0x3d: {  	v0 =	vsub.f32 v0, v3;
	v16 =	vmul.f32 v4, v4;
	v17 =	vmul.f32 v1, v1;
	_ =	sdelay $0x1  }
0x3e: {  	v18 =	vmul.f32 v0, v0;
	[tilespmem:$0xC690] =	vst v4;
	v3 =	vadd.f32 v17, v16  }
0x3f: {  	v20 =	vmul.f32 v14, v15;
	[tilespmem:$0xC710] =	vst v1  }
0x40: {  	v21 =	vadd.s32 $0x2710, v9;
	[tilespmem:$0xC790] =	vst v0;
	v19 =	vadd.f32 v18, v3  }
0x41: {  	v22 =	vadd.s32 $0x2710, v13;
	[tilespmem:$0xC610] =	vst v20  }
0x42: {  	v23 =	vadd.s32 $0x4E20, v13;
	[tilespmem:$0xC590] =	vst v19  }
0x43: {  	v25 =	vadd.s32 $0x4E20, v9;
	v24 =	vld.idx.msk [tilespmem:v13+s2+$0x0], $0xffff  }
0x44: {  	v26 =	vld.idx.msk [tilespmem:v9+s2+$0x0], $0xffff  }
0x45: {  	v27 =	vadd.s32 $0x7530, v9;
	v2 =	vld.idx.msk [tilespmem:v21+s2+$0x0], $0xffff  }
0x46: {  	v28 =	vadd.s32 $0x7530, v13;
	v1 =	vld.idx.msk [tilespmem:v22+s2+$0x0], $0xffff  }
0x47: {  	v0 =	vld.idx.msk [tilespmem:v23+s2+$0x0], $0xffff  }
0x48: {  	v4 =	vld.idx.msk [tilespmem:v25+s2+$0x0], $0xffff  }
0x49: {  	v29 =	vld [tilespmem:$0x9CB0]  }
0x4a: {  	v6 =	vld.idx.msk [tilespmem:v27+s2+$0x0], $0xffff  }
0x4b: {  	v30 =	vld.idx.msk [tilespmem:v28+s2+$0x0], $0xffff;
	v3 =	vsub.f32 v24, v26;
	v1 =	vsub.f32 v1, v2;
	_ =	sdelay $0x1  }
0x4c: {  	v31 =	vld [tilespmem:$0x9D30];
	v0 =	vsub.f32 v0, v4;
	v32 =	vmul.f32 v3, v3;
	v33 =	vmul.f32 v1, v1;
	_ =	sdelay $0x1  }
0x4d: {  	v36 =	vadd.s32 $0x7530, v29;
	[tilespmem:$0xC6A0] =	vst v3;
	v35 =	vmul.f32 v0, v0;
	v34 =	vadd.f32 v33, v32  }
0x4e: {  	v37 =	vmul.f32 v6, v30;
	[tilespmem:$0xC720] =	vst v1  }
0x4f: {  	v39 =	vadd.s32 $0x2710, v29;
	[tilespmem:$0xC7A0] =	vst v0;
	v38 =	vadd.f32 v35, v34  }
0x50: {  	[tilespmem:$0xC620] =	vst v37  }
0x51: {  	v40 =	vadd.s32 $0x2710, v31;
	[tilespmem:$0xC5A0] =	vst v38  }
0x52: {  	v41 =	vadd.s32 $0x4E20, v31;
	v42 =	vld.idx.msk [tilespmem:v36+s2+$0x0], $0xffff  }
0x53: {  	v43 =	vadd.s32 $0x4E20, v29;
	v44 =	vld.idx.msk [tilespmem:v31+s2+$0x0], $0xffff  }
0x54: {  	v2 =	vadd.s32 $0x7530, v31;
	v3 =	vld.idx.msk [tilespmem:v39+s2+$0x0], $0xffff  }
0x55: {  	v45 =	vld.idx.msk [tilespmem:v29+s2+$0x0], $0xffff  }
0x56: {  	v0 =	vld.idx.msk [tilespmem:v40+s2+$0x0], $0xffff  }
0x57: {  	v1 =	vld.idx.msk [tilespmem:v41+s2+$0x0], $0xffff  }
0x58: {  	v5 =	vld.idx.msk [tilespmem:v43+s2+$0x0], $0xffff  }
0x59: {  	v2 =	vld.idx.msk [tilespmem:v2+s2+$0x0], $0xffff;
	_ =	sdelay $0x1  }
0x5a: {  	v46 =	vld [tilespmem:$0x9CC0];
	v6 =	vsub.f32 v45, v44;
	v0 =	vsub.f32 v3, v0  }
0x5b: {  	v47 =	vld [tilespmem:$0x9D40]  }
0x5c: {  	v1 =	vsub.f32 v5, v1;
	v48 =	vmul.f32 v6, v6;
	v49 =	vmul.f32 v0, v0  }
0x5d: {  	v2 =	vmul.f32 v2, v42  }
0x5e: {  	v50 =	vmul.f32 v1, v1;
	[tilespmem:$0xC7B0] =	vst v1;
	v51 =	vadd.f32 v49, v48  }
0x5f: {  	[tilespmem:$0xC630] =	vst v2  }
0x60: {  	v53 =	vadd.s32 $0x2710, v47;
	[tilespmem:$0xC730] =	vst v0;
	v52 =	vadd.f32 v50, v51  }
0x61: {  	v54 =	vadd.s32 $0x2710, v46;
	[tilespmem:$0xC6B0] =	vst v6  }
0x62: {  	v55 =	vadd.s32 $0x4E20, v46;
	[tilespmem:$0xC5B0] =	vst v52  }
0x63: {  	v56 =	vadd.s32 $0x4E20, v47;
	v57 =	vld.idx.msk [tilespmem:v46+s2+$0x0], $0xffff  }
0x64: {  	v6 =	vld.idx.msk [tilespmem:v47+s2+$0x0], $0xffff  }
0x65: {  	v58 =	vadd.s32 $0x7530, v46;
	v1 =	vld.idx.msk [tilespmem:v53+s2+$0x0], $0xffff  }
0x66: {  	v3 =	vadd.s32 $0x7530, v47;
	v2 =	vld.idx.msk [tilespmem:v54+s2+$0x0], $0xffff  }
0x67: {  	v4 =	vld.idx.msk [tilespmem:v55+s2+$0x0], $0xffff  }
0x68: {  	v0 =	vld.idx.msk [tilespmem:v56+s2+$0x0], $0xffff;
	_ =	sdelay $0x1  }
0x69: {  	v7 =	vld.idx.msk [tilespmem:v58+s2+$0x0], $0xffff  }
0x6a: {  	v3 =	vld.idx.msk [tilespmem:v3+s2+$0x0], $0xffff;
	v5 =	vsub.f32 v57, v6;
	v1 =	vsub.f32 v2, v1;
	_ =	sdelay $0x1  }
0x6b: {  	v0 =	vsub.f32 v4, v0;
	v59 =	vmul.f32 v5, v5;
	v60 =	vmul.f32 v1, v1;
	_ =	sdelay $0x1  }
0x6c: {  	[tilespmem:$0xC6C0] =	vst v5;
	v61 =	vmul.f32 v0, v0;
	v2 =	vadd.f32 v60, v59  }
0x6d: {  	v62 =	vmul.f32 v3, v7;
	[tilespmem:$0xC7C0] =	vst v0  }
0x6e: {  	[tilespmem:$0xC740] =	vst v1;
	v63 =	vadd.f32 v61, v2  }
0x6f: {  	[tilespmem:$0xC640] =	vst v62  }
0x70: {  	s26 =	sadd.s32 $0x0, s11;
	[tilespmem:$0xC5C0] =	vst v63  }
0x71: {  	[hbm4b:s26+s2] =	stream.linear.scatter [tilespmem:s19], [sflag:$0x2], $0x50, $0x38;
	[tilespmem:$0xC800] =	vst v63  }
0x72: {  	_ =	swait.ge [sflag:s14], $0x50  }
0x73: {  	[sflag:s14] =	ssyncset.done $0x0  }
0x74: {  	s1 =	sadd.s32 $0x0, s10;
	[sflag:s14] =	ssyncadd.s32 $0xFFFFFFB0  }
0x75: {  	[hbm4b:s1+s2] =	stream.linear.scatter [tilespmem:s20], [sflag:$0x2], $0x50, $0x38;
	[tilespmem:$0xC800] =	vst v63  }
0x76: {  	_ =	swait.ge [sflag:s14], $0x50  }
0x77: {  	[sflag:s14] =	ssyncset.done $0x0  }
0x78: {  	s3 =	sadd.s32 $0x0, s9;
	[sflag:s14] =	ssyncadd.s32 $0xFFFFFFB0  }
0x79: {  	[hbm4b:s3+s2] =	stream.linear.scatter [tilespmem:s21], [sflag:$0x2], $0x50, $0x38;
	[tilespmem:$0xC800] =	vst v63  }
0x7a: {  	_ =	swait.ge [sflag:s14], $0x50  }
0x7b: {  	s29 =	simm.s32 $0xA;
	s30 =	smov.u32 s4;
	[sflag:s14] =	ssyncset.done $0x0  }
0x7c: {  	s31 =	smov.u32 s5;
	s26 =	sadd.s32 $0x0, s7;
	[sflag:s14] =	ssyncadd.s32 $0xFFFFFFB0  }
0x7d: {  	[hbm4b:s26+s2] =	stream.linear.scatter [tilespmem:s22], [sflag:$0x2], $0x50, $0x38;
	[tilespmem:$0xC800] =	vst v63  }
0x7e: {  	s28 =	smov.u32 s4;
	s1 =	sadd.s32 $0x0, s6;
	s26 =	smov.u32 s5  }
.LBB2_2:
0x7f: {  	_ =	swait.ge [sflag:s14], $0x50  }
0x80: {  	[sflag:s14] =	ssyncset.done $0x0  }
0x81: {  	[sflag:s14] =	ssyncadd.s32 $0xFFFFFFB0  }
0x82: {  	[hbm4b:s1+s2] =	stream.linear.scatter [tilespmem:s23], [sflag:$0x2], $0x50, $0x38;
	[tilespmem:$0xC800] =	vst v63  }
0x83: {  	_ =	swait.ge [sflag:s14], $0x50  }
0x84: {  	[sflag:s14] =	ssyncset.done $0x0  }
0x85: {  	[sflag:s14] =	ssyncadd.s32 $0xFFFFFFB0  }
0x86: {  	_ =	swait.ge [sflag:s24], $0x2800  }
0x87: {  	[sflag:s24] =	ssyncset.done $0x0  }
0x88: {  	[sflag:s24] =	ssyncadd.s32 $0xFFFFD800  }
0x89: {  	[hbm4b:s28+s2] =	stream.linear.scatter [tilespmem:s18], [sflag:$0x2], $0x2800, $0x38;
	[tilespmem:$0xC800] =	vst v63  }
0x8a: {  	_ =	swait.ge [sflag:s14], $0x2800  }
0x8b: {  	[sflag:s14] =	ssyncset.done $0x0  }
0x8c: {  	s3 =	rddreg [dreg:$0x3];
	[sflag:s14] =	ssyncadd.s32 $0xFFFFD800  }
0x8d: {  	[tilespmem:s18], [sflag:$0x1] =	stream.indirect.gather [hbm4b:s3+s17], $0x80, s16, s17, $0xb8;
	[tilespmem:$0xC800] =	vst v63  }
0x8e: {  	_ =	swait.ge [sflag:s24], $0x2800  }
0x8f: {  	[sflag:s24] =	ssyncset.done $0x0  }
0x90: {  	[sflag:s24] =	ssyncadd.s32 $0xFFFFD800  }
0x91: {  	[hbm4b:s26+s2] =	stream.linear.scatter [tilespmem:s18], [sflag:$0x2], $0x2800, $0x38;
	[tilespmem:$0xC800] =	vst v63  }
0x92: {  	_ =	swait.ge [sflag:s14], $0x2800  }
0x93: {  	s0 =	smov.u32 s29;
	[sflag:s14] =	ssyncset.done $0x0  }
0x94: {  	s3 =	sadd.s32 s0, s13;
	[sflag:s14] =	ssyncadd.s32 $0xFFFFD800  }
0x95: {  	[tilespmem:s15], [sflag:$0x2] =	stream.linear.gather [hbm4b:s3+s2], $0x50, $0x38;
	[tilespmem:$0xC800] =	vst v63  }
0x96: {  	_ =	swait.ge [sflag:s14], $0x50  }
0x97: {  	[sflag:s14] =	ssyncset.done $0x0  }
0x98: {  	s3 =	sadd.s32 s0, s12;
	[sflag:s14] =	ssyncadd.s32 $0xFFFFFFB0  }
0x99: {  	[tilespmem:s16], [sflag:$0x2] =	stream.linear.gather [hbm4b:s3+s2], $0x50, $0x38;
	[tilespmem:$0xC800] =	vst v63  }
0x9a: {  	_ =	swait.ge [sflag:s14], $0x50  }
0x9b: {  	[sflag:s14] =	ssyncset.done $0x0  }
0x9c: {  	s3 =	rddreg [dreg:$0x2];
	[sflag:s14] =	ssyncadd.s32 $0xFFFFFFB0  }
0x9d: {  	[tilespmem:s18], [sflag:$0x1] =	stream.indirect.gather [hbm4b:s3+s17], $0x80, s15, s17, $0xb8;
	[tilespmem:$0xC800] =	vst v63  }
0x9e: {  	v0 =	vld [tilespmem:$0x9C80]  }
0x9f: {  	v1 =	vld [tilespmem:$0x9D00];
	_ =	sdelay $0x3  }
0xa0: {  	v7 =	vadd.s32 $0x2710, v0  }
0xa1: {  	v11 =	vadd.s32 $0x2710, v1  }
0xa2: {  	v12 =	vadd.s32 $0x4E20, v1  }
0xa3: {  	v8 =	vadd.s32 $0x4E20, v0;
	v14 =	vld.idx.msk [tilespmem:v0+s2+$0x0], $0xffff  }
0xa4: {  	v15 =	vld.idx.msk [tilespmem:v1+s2+$0x0], $0xffff  }
0xa5: {  	v9 =	vadd.s32 $0x7530, v0;
	v7 =	vld.idx.msk [tilespmem:v7+s2+$0x0], $0xffff  }
0xa6: {  	v13 =	vadd.s32 $0x7530, v1;
	v11 =	vld.idx.msk [tilespmem:v11+s2+$0x0], $0xffff  }
0xa7: {  	v12 =	vld.idx.msk [tilespmem:v12+s2+$0x0], $0xffff  }
0xa8: {  	v8 =	vld.idx.msk [tilespmem:v8+s2+$0x0], $0xffff  }
0xa9: {  	v4 =	vld [tilespmem:$0x9D10]  }
0xaa: {  	v9 =	vld.idx.msk [tilespmem:v9+s2+$0x0], $0xffff  }
0xab: {  	v26 =	vld.idx.msk [tilespmem:v13+s2+$0x0], $0xffff;
	v14 =	vsub.f32 v14, v15;
	v7 =	vsub.f32 v7, v11;
	_ =	sdelay $0x1  }
0xac: {  	v5 =	vld [tilespmem:$0x9C90];
	v27 =	vmul.f32 v14, v14;
	v8 =	vsub.f32 v8, v12;
	v28 =	vmul.f32 v7, v7;
	_ =	sdelay $0x1  }
0xad: {  	v29 =	vadd.s32 $0x2710, v4;
	[tilespmem:$0xC780] =	vst v8;
	v8 =	vmul.f32 v8, v8;
	v12 =	vadd.f32 v28, v27  }
0xae: {  	[tilespmem:$0xC680] =	vst v14;
	v9 =	vmul.f32 v26, v9  }
0xaf: {  	[tilespmem:$0xC700] =	vst v7;
	v8 =	vadd.f32 v8, v12  }
0xb0: {  	v30 =	vadd.s32 $0x2710, v5;
	[tilespmem:$0xC600] =	vst v9  }
0xb1: {  	v31 =	vadd.s32 $0x4E20, v5;
	[tilespmem:$0xC580] =	vst v8  }
0xb2: {  	v32 =	vadd.s32 $0x4E20, v4;
	v9 =	vld.idx.msk [tilespmem:v29+s2+$0x0], $0xffff  }
0xb3: {  	v33 =	vld.idx.msk [tilespmem:v5+s2+$0x0], $0xffff  }
0xb4: {  	v34 =	vadd.s32 $0x7530, v4;
	v4 =	vld.idx.msk [tilespmem:v4+s2+$0x0], $0xffff  }
0xb5: {  	v7 =	vld.idx.msk [tilespmem:v30+s2+$0x0], $0xffff;
	v5 =	vadd.s32 $0x7530, v5  }
0xb6: {  	v8 =	vld.idx.msk [tilespmem:v31+s2+$0x0], $0xffff  }
0xb7: {  	v11 =	vld.idx.msk [tilespmem:v32+s2+$0x0], $0xffff  }
0xb8: {  	v6 =	vld [tilespmem:$0x9CA0]  }
0xb9: {  	v13 =	vld.idx.msk [tilespmem:v34+s2+$0x0], $0xffff  }
0xba: {  	v4 =	vsub.f32 v33, v4;
	v7 =	vsub.f32 v7, v9;
	v5 =	vld.idx.msk [tilespmem:v5+s2+$0x0], $0xffff  }
0xbb: {  	v10 =	vld [tilespmem:$0x9D20]  }
0xbc: {  	v8 =	vsub.f32 v8, v11;
	[tilespmem:$0xC690] =	vst v4;
	v4 =	vmul.f32 v4, v4;
	v9 =	vmul.f32 v7, v7;
	_ =	sdelay $0x1  }
0xbd: {  	v35 =	vmul.f32 v8, v8;
	v4 =	vadd.f32 v9, v4  }
0xbe: {  	[tilespmem:$0xC710] =	vst v7;
	v5 =	vmul.f32 v13, v5  }
0xbf: {  	v36 =	vadd.s32 $0x2710, v10;
	[tilespmem:$0xC790] =	vst v8;
	v4 =	vadd.f32 v35, v4  }
0xc0: {  	v37 =	vadd.s32 $0x2710, v6;
	[tilespmem:$0xC610] =	vst v5  }
0xc1: {  	v38 =	vadd.s32 $0x4E20, v6;
	[tilespmem:$0xC590] =	vst v4  }
0xc2: {  	v39 =	vadd.s32 $0x4E20, v10;
	v8 =	vld.idx.msk [tilespmem:v6+s2+$0x0], $0xffff  }
0xc3: {  	v40 =	vld.idx.msk [tilespmem:v10+s2+$0x0], $0xffff  }
0xc4: {  	v7 =	vld.idx.msk [tilespmem:v36+s2+$0x0], $0xffff;
	v10 =	vadd.s32 $0x7530, v10  }
0xc5: {  	v4 =	vld.idx.msk [tilespmem:v37+s2+$0x0], $0xffff;
	v6 =	vadd.s32 $0x7530, v6  }
0xc6: {  	v5 =	vld.idx.msk [tilespmem:v38+s2+$0x0], $0xffff  }
0xc7: {  	v9 =	vld.idx.msk [tilespmem:v39+s2+$0x0], $0xffff  }
0xc8: {  	v2 =	vld [tilespmem:$0x9CB0]  }
0xc9: {  	v10 =	vld.idx.msk [tilespmem:v10+s2+$0x0], $0xffff  }
0xca: {  	v8 =	vsub.f32 v8, v40;
	v6 =	vld.idx.msk [tilespmem:v6+s2+$0x0], $0xffff;
	v4 =	vsub.f32 v4, v7;
	_ =	sdelay $0x1  }
0xcb: {  	v3 =	vld [tilespmem:$0x9D30];
	v5 =	vsub.f32 v5, v9;
	v41 =	vmul.f32 v8, v8;
	v42 =	vmul.f32 v4, v4;
	_ =	sdelay $0x1  }
0xcc: {  	v45 =	vadd.s32 $0x7530, v2;
	[tilespmem:$0xC6A0] =	vst v8;
	v44 =	vmul.f32 v5, v5;
	v43 =	vadd.f32 v42, v41  }
0xcd: {  	[tilespmem:$0xC720] =	vst v4;
	v6 =	vmul.f32 v10, v6  }
0xce: {  	v49 =	vadd.s32 $0x2710, v2;
	[tilespmem:$0xC7A0] =	vst v5;
	v4 =	vadd.f32 v44, v43  }
0xcf: {  	[tilespmem:$0xC620] =	vst v6  }
0xd0: {  	v50 =	vadd.s32 $0x2710, v3;
	[tilespmem:$0xC5A0] =	vst v4  }
0xd1: {  	v46 =	vadd.s32 $0x4E20, v3;
	v5 =	vld.idx.msk [tilespmem:v45+s2+$0x0], $0xffff  }
0xd2: {  	v47 =	vadd.s32 $0x4E20, v2;
	v48 =	vadd.s32 $0x7530, v3;
	v3 =	vld.idx.msk [tilespmem:v3+s2+$0x0], $0xffff  }
0xd3: {  	v4 =	vld.idx.msk [tilespmem:v49+s2+$0x0], $0xffff  }
0xd4: {  	v2 =	vld.idx.msk [tilespmem:v2+s2+$0x0], $0xffff  }
0xd5: {  	v9 =	vld.idx.msk [tilespmem:v50+s2+$0x0], $0xffff  }
0xd6: {  	v8 =	vld.idx.msk [tilespmem:v46+s2+$0x0], $0xffff  }
0xd7: {  	v7 =	vld.idx.msk [tilespmem:v47+s2+$0x0], $0xffff  }
0xd8: {  	v6 =	vld.idx.msk [tilespmem:v48+s2+$0x0], $0xffff;
	_ =	sdelay $0x1  }
0xd9: {  	v24 =	vld [tilespmem:$0x9CC0];
	v2 =	vsub.f32 v2, v3;
	v4 =	vsub.f32 v4, v9  }
0xda: {  	v25 =	vld [tilespmem:$0x9D40]  }
0xdb: {  	v7 =	vsub.f32 v7, v8;
	v53 =	vmul.f32 v2, v2;
	v54 =	vmul.f32 v4, v4  }
0xdc: {  	v51 =	vmul.f32 v6, v5  }
0xdd: {  	v52 =	vmul.f32 v7, v7;
	[tilespmem:$0xC7B0] =	vst v7;
	v55 =	vadd.f32 v54, v53  }
0xde: {  	[tilespmem:$0xC630] =	vst v51  }
0xdf: {  	v56 =	vadd.s32 $0x2710, v25;
	[tilespmem:$0xC6B0] =	vst v2;
	v2 =	vadd.f32 v52, v55  }
0xe0: {  	v58 =	vadd.s32 $0x2710, v24;
	[tilespmem:$0xC730] =	vst v4  }
0xe1: {  	v57 =	vadd.s32 $0x4E20, v24;
	[tilespmem:$0xC5B0] =	vst v2  }
0xe2: {  	v59 =	vadd.s32 $0x4E20, v25;
	v60 =	vld.idx.msk [tilespmem:v24+s2+$0x0], $0xffff  }
0xe3: {  	v1 =	vadd.s32 $0x7530, v24;
	v7 =	vld.idx.msk [tilespmem:v25+s2+$0x0], $0xffff  }
0xe4: {  	v0 =	vadd.s32 $0x7530, v25;
	v3 =	vld.idx.msk [tilespmem:v56+s2+$0x0], $0xffff  }
0xe5: {  	v2 =	vld.idx.msk [tilespmem:v58+s2+$0x0], $0xffff  }
0xe6: {  	v4 =	vld.idx.msk [tilespmem:v57+s2+$0x0], $0xffff  }
0xe7: {  	v5 =	vld.idx.msk [tilespmem:v59+s2+$0x0], $0xffff  }
0xe8: {  	v1 =	vld.idx.msk [tilespmem:v1+s2+$0x0], $0xffff  }
0xe9: {  	v0 =	vld.idx.msk [tilespmem:v0+s2+$0x0], $0xffff  }
0xea: {  	v6 =	vsub.f32 v60, v7;
	v2 =	vsub.f32 v2, v3;
	_ =	sdelay $0x1  }
0xeb: {  	v4 =	vsub.f32 v4, v5;
	v7 =	vmul.f32 v6, v6;
	v61 =	vmul.f32 v2, v2;
	_ =	sdelay $0x1  }
0xec: {  	v0 =	vmul.f32 v0, v1;
	[tilespmem:$0xC6C0] =	vst v6;
	v62 =	vmul.f32 v4, v4;
	v1 =	vadd.f32 v61, v7  }
0xed: {  	[tilespmem:$0xC7C0] =	vst v4  }
0xee: {  	[tilespmem:$0xC740] =	vst v2;
	v63 =	vadd.f32 v62, v1  }
0xef: {  	[tilespmem:$0xC640] =	vst v0  }
0xf0: {  	s3 =	sadd.s32 s0, s11;
	[tilespmem:$0xC5C0] =	vst v63  }
0xf1: {  	[hbm4b:s3+s2] =	stream.linear.scatter [tilespmem:s19], [sflag:$0x2], $0x50, $0x38;
	[tilespmem:$0xC800] =	vst v63  }
0xf2: {  	_ =	swait.ge [sflag:s14], $0x50  }
0xf3: {  	[sflag:s14] =	ssyncset.done $0x0  }
0xf4: {  	s3 =	sadd.s32 s0, s10;
	[sflag:s14] =	ssyncadd.s32 $0xFFFFFFB0  }
0xf5: {  	[hbm4b:s3+s2] =	stream.linear.scatter [tilespmem:s20], [sflag:$0x2], $0x50, $0x38;
	[tilespmem:$0xC800] =	vst v63  }
0xf6: {  	_ =	swait.ge [sflag:s14], $0x50  }
0xf7: {  	[sflag:s14] =	ssyncset.done $0x0  }
0xf8: {  	p0 =	sne.s32 s29, $0x4D8;
	s3 =	sadd.s32 s0, s9;
	[sflag:s14] =	ssyncadd.s32 $0xFFFFFFB0  }
0xf9: {  	[hbm4b:s3+s2] =	stream.linear.scatter [tilespmem:s21], [sflag:$0x2], $0x50, $0x38;
	[tilespmem:$0xC800] =	vst v63  }
.Ltmp0:
0xfa: {  	s30 =	sadd.s32 $0x500, s30;
	(pc) =	sbr.rel @p0 .LBB2_2-.Ltmp0, $4  }
0xfb: {  	s31 =	sadd.s32 $0x500, s31;
	s29 =	sadd.s32 $0xA, s29;
	_ =	swait.ge [sflag:s14], $0x50  }
0xfc: {  	s1 =	sadd.s32 s0, s6;
	s28 =	smov.u32 s30;
	[sflag:s14] =	ssyncset.done $0x0  }
0xfd: {  	s26 =	smov.u32 s31;
	s3 =	sadd.s32 s0, s7;
	[sflag:s14] =	ssyncadd.s32 $0xFFFFFFB0  }
0xfe: {  	[hbm4b:s3+s2] =	stream.linear.scatter [tilespmem:s22], [sflag:$0x2], $0x50, $0x38;
	[tilespmem:$0xC800] =	vst v63  }
0xff: {  	_ =	swait.ge [sflag:s14], $0x50  }
0x100: {  	[sflag:s14] =	ssyncset.done $0x0  }
0x101: {  	[sflag:s14] =	ssyncadd.s32 $0xFFFFFFB0  }
0x102: {  	[hbm4b:s1+s2] =	stream.linear.scatter [tilespmem:s23], [sflag:$0x2], $0x50, $0x38;
	[tilespmem:$0xC800] =	vst v63  }
0x103: {  	_ =	swait.ge [sflag:s14], $0x50  }
0x104: {  	[sflag:s14] =	ssyncset.done $0x0  }
0x105: {  	[sflag:s14] =	ssyncadd.s32 $0xFFFFFFB0  }
0x106: {  	_ =	swait.ge [sflag:s24], $0x2800  }
0x107: {  	[sflag:s24] =	ssyncset.done $0x0  }
0x108: {  	[sflag:s24] =	ssyncadd.s32 $0xFFFFD800  }
0x109: {  	[hbm4b:s28+s2] =	stream.linear.scatter [tilespmem:s18], [sflag:$0x2], $0x2800, $0x38;
	[tilespmem:$0xC800] =	vst v63  }
0x10a: {  	_ =	swait.ge [sflag:s14], $0x2800  }
0x10b: {  	[sflag:s14] =	ssyncset.done $0x0  }
0x10c: {  	s0 =	rddreg [dreg:$0x3];
	[sflag:s14] =	ssyncadd.s32 $0xFFFFD800  }
0x10d: {  	[tilespmem:s18], [sflag:$0x1] =	stream.indirect.gather [hbm4b:s0+s17], $0x80, s16, s17, $0xb8;
	[tilespmem:$0xC800] =	vst v63  }
0x10e: {  	s25 =	sadd.s32 $0x1, s25;
	_ =	swait.ge [sflag:s24], $0x2800  }
0x10f: {  	p0 =	sne.s32 s25, s8;
	[sflag:s24] =	ssyncset.done $0x0  }
.Ltmp1:
0x110: {  	[sflag:s24] =	ssyncadd.s32 $0xFFFFD800;
	(pc) =	sbr.rel @p0 .LBB2_1-.Ltmp1, $4  }
0x111: {  	[hbm4b:s26+s2] =	stream.linear.scatter [tilespmem:s18], [sflag:$0x2], $0x2800, $0x38;
	[tilespmem:$0xC800] =	vst v63  }
0x112: {  	_ =	swait.ge [sflag:s14], $0x2800  }
0x113: {  	[sflag:s14] =	ssyncset.done $0x0  }
0x114: {  	[sflag:s14] =	ssyncadd.s32 $0xFFFFD800  }
0x115: {  	_ =	sfence.sel $0x180000  }
0x116: {  	[bflag:$0x0] =	sbarrier.arrive $0xFFFF  }
0x117: {  	_ =	strace $0x9000004D  }
0x118: {  	s0 =	stileid.u32;
	[bflag:$0x2] =	sbarrier.arrive $0xFFFF  }
0x119: {  	p0 =	sne.s32 s0, $0x0;
	s0 =	rddreg [dreg:$0x1]  }
0x11a: {  	s0 =	sadd.s32 @!p0 $0x100000, s0  }
0x11b: {  	[sflag:s0] =	ssyncadd.tile.s32 @!p0 $0x1;
	_ =	shalt  }
.Lfunc_end2:
_tile_overlayer_lowered:
.L_overlay_start_2:
0x11c: {  	(tag) =	ssettag $0x2  }
0x11d: {  	s0 =	rddreg [dreg:$0x0];
	s2 =	stileid.u32  }
0x11e: {  	s1 =	rddreg [dreg:$0x1];
	p0 =	sne.s32 s2, $0x0  }
0x11f: {  	s3 =	rddreg [dreg:$0x2];
	[bflag:$0x3] =	sbarrier.arrive $0xFFFF;
	s2 =	simm.s32 @!p0 $0x1C02  }
0x120: {  	[timem:s3], [sflag:s2] =	dma.local @!p0 [hbm:s0], s1  }
0x121: {  	s0 =	simm.s32 @!p0 $0x2  }
0x122: {  	_ =	swait.ge @!p0 [sflag:s0], s1  }
0x123: {  	s1 =	ssub.s32 @!p0 $0x0, s1;
	[sflag:s0] =	ssyncset.done @!p0 $0x0  }
0x124: {  	[sflag:s0] =	ssyncadd.s32 @!p0 s1  }
0x125: {  	[bflag:$0x3] =	sbarrier.arrive $0xFFFF  }
0x126: {  	_ =	shalt  }

// kernel: kernel.22.cloned.1.call-start
scs
__scs_entry_jumppad:
0x0: {  	(pc) =	sbr.rel $0x88, $3  }
0x1: {  	(tag) =	ssettag $0x0;
	lr =	simm.s32 $0x1  }
0x2: {  	[smem:$0x3F90] =	sst lr;
	_ =	strace $0xD0000000  }
0x3: {  	_ = 	snop  }
0x4: {  	_ = 	snop  }
0x5: {  	_ = 	snop  }
0x6: {  	_ = 	snop  }
0x7: {  	_ = 	snop  }
__scs_overlays_trampoline_lowered:
0x8: {  	[smem:$0x3F9F] =	sst s0  }
0x9: {  	[smem:$0x3FA0] =	sst s1  }
0xa: {  	[smem:$0x3FA1] =	sst s2  }
0xb: {  	[smem:$0x3FA2] =	sst s3  }
0xc: {  	[smem:$0x3FA3] =	sst s4  }
0xd: {  	[smem:$0x3FA4] =	sst s5  }
0xe: {  	[smem:$0x3FA5] =	sst s6  }
0xf: {  	[smem:$0x3FA6] =	sst s7  }
0x10: {  	[smem:$0x3FA7] =	sst s8  }
0x11: {  	[smem:$0x3FA8] =	sst s9;
	s0 =	simm.s32 @!p0 $0x0  }
0x12: {  	s1 =	sld [smem:$0x3F8E];
	s0 =	simm.s32 @p0 $0x1  }
0x13: {  	[smem:$0x3FA9] =	sst s0;
	s0 =	simm.s32 @!p1 $0x0  }
0x14: {  	s2 =	sld [smem:$0x3F8D];
	s0 =	simm.s32 @p1 $0x1  }
0x15: {  	[smem:$0x3FAA] =	sst s0;
	s0 =	simm.s32 @!p2 $0x0  }
0x16: {  	s3 =	sld [smem:$0x3FDB];
	s0 =	simm.s32 @p2 $0x1  }
0x17: {  	s4 =	simm.s32 $0x1BF5;
	[smem:$0x3FAC] =	sst s0  }
0x18: {  	s0 =	sld [smem:$0x3F8F];
	_ =	swait.ge [sflag:s4], $0x0  }
0x19: {  	s7 =	sld [smem:$0x3F90]  }
0x1a: {  	s8 =	sadd.s32 $0xFFFFE003, lr  }
0x1b: {  	s9 =	sadd.s32 $0xFFFFFEF7, lr;
	s5 =	simm.s32 $0xFFFFFFFF;
	p2 =	slt.u32 s8, $0xFFFFF086  }
0x1c: {  	p1 =	slt.u32 s9, $0xF7A;
	s5 =	simm.s32 @!p2 $0x0  }
0x1d: {  	s5 =	simm.s32 @p1 $0x1;
	p0 =	seq.s32 s7, s2  }
0x1e: {  	s7 =	smul.u32 @!p0 $0xF7A, s2;
	p2 =	seq.s32 @!p0 s5, $0x0  }
0x1f: {  	s9 =	smul.u32 $0xF7A, s1;
	s8 =	simm.s32 @!p0 $0x1BF5;
	p2 =	por !p2, p0  }
0x20: {  	[sflag:s8] =	ssyncset.s32 @!p0 $0xFFFFF086;
	s6 =	sadd.s32 @!p0 s3, s7;
	s7 =	simm.s32 @!p0 $0x108  }
0x21: {  	s3 =	sadd.s32 s3, s9;
	s6 =	sadd.s32 @!p0 $0x88, s6;
	s7 =	simm.s32 @p2 $0x1082  }
0x22: {  	[simem:s7], [sflag:s8] =	dma.local @!p0 [hbm:s6], $0xF7A  }
0x23: {  	s9 =	sor.u32 $0xD0000000, s2;
	s6 =	simm.s32 $0x108;
	_ =	swait.ge @!p0 [sflag:s8], $0x0  }
0x24: {  	s3 =	sadd.s32 $0x88, s3;
	s6 =	simm.s32 @!p1 $0x1082;
	[sflag:s4] =	ssyncset.s32 $0xFFFFF086  }
0x25: {  	[simem:s6], [sflag:s4] =	dma.local [hbm:s3], $0xF7A  }
0x26: {  	[smem:$0x3F90] =	sst s1;
	(tag) =	ssettag s2;
	_ =	strace s9  }
0x27: {  	s1 =	sld [smem:$0x3FA0]  }
0x28: {  	s2 =	sld [smem:$0x3FA1]  }
0x29: {  	s4 =	sld [smem:$0x3FA3]  }
0x2a: {  	p0 =	seq.s32 s5, $0x0;
	s5 =	sld [smem:$0x3FA4]  }
0x2b: {  	s6 =	sld [smem:$0x3FA5]  }
0x2c: {  	s7 =	sld [smem:$0x3FA6]  }
0x2d: {  	s3 =	simm.s32 $0x108;
	s8 =	sld [smem:$0x3FA7]  }
0x2e: {  	s3 =	simm.s32 @!p0 $0x1082;
	s9 =	sld [smem:$0x3FA8]  }
0x2f: {  	lr =	sadd.s32 s0, s3;
	s0 =	sld [smem:$0x3F9F]  }
0x30: {  	s3 =	sld [smem:$0x3FA2]  }
0x31: {  	[smem:$0x3FAB] =	sst s10  }
0x32: {  	s10 =	sld [smem:$0x3FA9];
	_ =	sdelay $0x3  }
0x33: {  	p0 =	seq.s32 s10, $0x1;
	s10 =	sld [smem:$0x3FAB];
	_ =	sdelay $0x3  }
0x34: {  	[smem:$0x3FAB] =	sst s10  }
0x35: {  	s10 =	sld [smem:$0x3FAA];
	_ =	sdelay $0x3  }
0x36: {  	p1 =	seq.s32 s10, $0x1;
	s10 =	sld [smem:$0x3FAB];
	_ =	sdelay $0x3  }
0x37: {  	[smem:$0x3FAB] =	sst s10  }
0x38: {  	s10 =	sld [smem:$0x3FAC]  }
0x39: {  	_ = 	snop;
	(pc) =	sbr.ind lr, $3  }
0x3a: {  	_ = 	snop  }
0x3b: {  	_ = 	snop  }
0x3c: {  	p2 =	seq.s32 s10, $0x1;
	s10 =	sld [smem:$0x3FAB]  }
0x3d: {  	_ =	shalt  }
0x3e: {  	_ =	shalt  }
0x3f: {  	_ =	shalt  }
0x40: {  	_ =	shalt  }
0x41: {  	_ =	shalt  }
0x42: {  	_ =	shalt  }
0x43: {  	_ =	shalt  }
0x44: {  	_ =	shalt  }
0x45: {  	_ =	shalt  }
0x46: {  	_ =	shalt  }
0x47: {  	_ =	shalt  }
0x48: {  	_ =	shalt  }
0x49: {  	_ =	shalt  }
0x4a: {  	_ =	shalt  }
0x4b: {  	_ =	shalt  }
0x4c: {  	_ =	shalt  }
0x4d: {  	_ =	shalt  }
0x4e: {  	_ =	shalt  }
0x4f: {  	_ =	shalt  }
0x50: {  	_ =	shalt  }
0x51: {  	_ =	shalt  }
0x52: {  	_ =	shalt  }
0x53: {  	_ =	shalt  }
0x54: {  	_ =	shalt  }
0x55: {  	_ =	shalt  }
0x56: {  	_ =	shalt  }
0x57: {  	_ =	shalt  }
0x58: {  	_ =	shalt  }
0x59: {  	_ =	shalt  }
0x5a: {  	_ =	shalt  }
0x5b: {  	_ =	shalt  }
0x5c: {  	_ =	shalt  }
0x5d: {  	_ =	shalt  }
0x5e: {  	_ =	shalt  }
0x5f: {  	_ =	shalt  }
0x60: {  	_ =	shalt  }
0x61: {  	_ =	shalt  }
0x62: {  	_ =	shalt  }
0x63: {  	_ =	shalt  }
0x64: {  	_ =	shalt  }
0x65: {  	_ =	shalt  }
0x66: {  	_ =	shalt  }
0x67: {  	_ =	shalt  }
0x68: {  	_ =	shalt  }
0x69: {  	_ =	shalt  }
0x6a: {  	_ =	shalt  }
0x6b: {  	_ =	shalt  }
0x6c: {  	_ =	shalt  }
0x6d: {  	_ =	shalt  }
0x6e: {  	_ =	shalt  }
0x6f: {  	_ =	shalt  }
0x70: {  	_ =	shalt  }
0x71: {  	_ =	shalt  }
0x72: {  	_ =	shalt  }
0x73: {  	_ =	shalt  }
0x74: {  	_ =	shalt  }
0x75: {  	_ =	shalt  }
0x76: {  	_ =	shalt  }
0x77: {  	_ =	shalt  }
0x78: {  	_ =	shalt  }
0x79: {  	_ =	shalt  }
0x7a: {  	_ =	shalt  }
0x7b: {  	_ =	shalt  }
0x7c: {  	_ =	shalt  }
0x7d: {  	_ =	shalt  }
0x7e: {  	_ =	shalt  }
0x7f: {  	_ =	shalt  }
0x80: {  	_ =	shalt  }
0x81: {  	_ =	shalt  }
0x82: {  	_ =	shalt  }
0x83: {  	_ =	shalt  }
0x84: {  	_ =	shalt  }
0x85: {  	_ =	shalt  }
0x86: {  	_ =	shalt  }
0x87: {  	_ =	shalt  }
.Lfunc_end0:
.L_simem_size_0:
called_computation.3_lowered:
.L_overlay_start_0:
0x88: {  	s2 =	sld [smem:$0x3FD9]  }
0x89: {  	s3 =	sld [smem:$0x3FFE];
	_ =	sdelay $0x1  }
0x8a: {  	s1 =	srdreg.scid  }
0x8b: {  	s0 =	sand.u32 $0x1, s1  }
0x8c: {  	s16 =	sshll.u32 s0, $0xA;
	s2 =	sadd.s32 s3, s2  }
0x8d: {  	s2 =	sadd.s32 s2, s16  }
0x8e: {  	[smem:$0x3FB7] =	sst s2  }
0x8f: {  	_ = 	snop  }
0x90: {  	(tm) =	ssettm $0x1  }
0x91: {  	s17 =	sld [smem:$0x3FFB];
	_ =	sdelay $0x3  }
0x92: {  	_ =	strace s17  }
0x93: {  	s2 =	sld [smem:$0x3FFC];
	_ =	sdelay $0x3  }
0x94: {  	_ =	strace s2  }
0x95: {  	s2 =	sld [smem:$0x3FFD];
	_ =	sdelay $0x3  }
0x96: {  	_ =	strace s2  }
0x97: {  	_ =	strace $0x8FFFFFFF  }
0x98: {  	s18 =	sld [smem:$0x3FDB];
	_ =	sdelay $0x1  }
0x99: {  	s19 =	simm.s32 $_scs_section_size  }
0x9a: {  	s4 =	simm.s32 $_size__tile_overlayer_lowered;
	s5 =	simm.s32 $_tile_overlayer_lowered  }
0x9b: {  	s22 =	simm.s32 $0x1BFF;
	s21 =	sshll.u32 s5, $0x1;
	s2 =	sadd.s32 s19, s18  }
0x9c: {  	s6 =	simm.s32 $0x0;
	s20 =	sshll.u32 s4, $0x1;
	s4 =	sadd.s32 s21, s2  }
0x9d: {  	[timem:s6], [sflag:s22] =	dma.local [hbm:s4], s20  }
0x9e: {  	_ =	swait.ge [sflag:s22], s20  }
0x9f: {  	s3 =	ssub.s32 $0x0, s20;
	[sflag:s22] =	ssyncset.done $0x0  }
0xa0: {  	[sflag:s22] =	ssyncadd.s32 s3;
	_ =	sdelay $0x1  }
0xa1: {  	s23 =	simm.s32 $0x1B8B  }
0xa2: {  	_ =	swait.ge [sflag:s23], $0x1  }
0xa3: {  	[sflag:s23] =	ssyncset.done $0x0  }
0xa4: {  	s25 =	simm.s32 $0x1B8E;
	s24 =	sld [smem:$0x3FFE];
	[sflag:s23] =	ssyncadd.s32 $0xFFFFFFFF  }
0xa5: {  	s26 =	simm.s32 $execute0_lowered;
	[smem:$0x3FD2] =	sst s25  }
0xa6: {  	s4 =	sshll.u32 s26, $0x1;
	_ =	strace $0x8000004F;
	[dreg:$0x1] =	wrdreg $0xFFFFFFFF  }
0xa7: {  	s28 =	simm.s32 $_size_execute0_lowered;
	s2 =	sadd.s32 s2, s4;
	[dreg:$0x0] =	wrdreg $0x0  }
0xa8: {  	s4 =	sshll.u32 s28, $0x1;
	[dreg:$0x2] =	wrdreg s2  }
0xa9: {  	[dreg:$0x3] =	wrdreg s4  }
0xaa: {  	[dreg:$0x4] =	wrdreg $0xC0  }
0xab: {  	_ =	task [dreg:s6], $0x5FFFF  }
0xac: {  	[dreg:$0x1] =	wrdreg $0xFFFFFFFF  }
0xad: {  	[dreg:$0x0] =	wrdreg $0x60  }
0xae: {  	[dreg:$0x2] =	wrdreg s24  }
0xaf: {  	[dreg:$0x3] =	wrdreg $0xC8000  }
0xb0: {  	[dreg:$0x4] =	wrdreg $0x164800  }
0xb1: {  	[dreg:$0x5] =	wrdreg $0x9  }
0xb2: {  	_ =	task.clear_ibuf [dreg:s6], $0x6FFFF;
	_ =	strace $0x9000004F  }
0xb3: {  	s29 =	simm.s32 $0x9;
	_ =	strace $0x80000051  }
0xb4: {  	_ =	swait.ge [sflag:s29], $0x1  }
0xb5: {  	[sflag:s29] =	ssyncadd.s32 $0xFFFFFFFF  }
0xb6: {  	_ =	strace $0x90000051  }
0xb7: {  	_ =	sfence  }
0xb8: {  	s30 =	sld [smem:$0x0];
	_ =	sdelay $0x2  }
0xb9: {  	s31 =	sshll.u32 s1, $0xD;
	s1 =	sshrl.u32 s1, $0x2  }
0xba: {  	s3 =	sand.u32 $0x4000, s31;
	s1 =	sadd.s32 s1, s30  }
0xbb: {  	s0 =	sor.u32 s3, s0;
	s1 =	sshll.u32 s1, $0x11  }
0xbc: {  	s0 =	sor.u32 s1, s0  }
0xbd: {  	s0 =	sadd.s32 $0x8F2B, s0  }
0xbe: {  	[sflag:s0] =	ssyncadd.remote.s32 $0x1  }
0xbf: {  	_ =	sfence.sel $0xFFFF  }
0xc0: {  	[dreg:$0x0] =	wrdreg $0xFFFFFFFF;
	(pc) =	sbr.abs _section_cstart, $3  }
0xc1: {  	[dreg:$0x1] =	wrdreg $0xFFFFFFFF  }
0xc2: {  	_ =	task.clear_ibuf [dreg:s6], $0x2FFFF;
	_ =	strace $0x9FFFFFFF  }
0xc3: {  	(tm) =	ssettm $0x7FFFFFFF  }
tec
execute0_lowered:
.L_overlay_start_1:
0x0: {  	(tag) =	ssettag $0x1  }
0x1: {  	s0 =	rddreg [dreg:$0x0]  }
0x2: {  	s2 =	rddreg [dreg:$0x1]  }
0x3: {  	s3 =	rddreg [dreg:$0x2];
	s22 =	stileid.u32  }
0x4: {  	s4 =	simm.s32 $0x0;
	s6 =	srdreg.scid;
	s28 =	simm.s32 $0x2A00  }
0x5: {  	s29 =	simm.s32 $0x2A80;
	s30 =	simm.s32 $0x2B00;
	s1 =	smul.u32 $0x4E200, s22  }
0x6: {  	s31 =	simm.s32 $0x2B80;
	[smem:$0x7FF] =	sst s4;
	s5 =	smul.u32 $0x9C4, s22  }
0x7: {  	s8 =	sadd.s32 $0xA67400, s0;
	s9 =	sand.u32 $0x1, s6;
	s15 =	smul.u32 $0x19000, s22  }
0x8: {  	s6 =	sadd.s32 $0xA66000, s0;
	s10 =	sadd.s32 $0xADDE00, s0;
	s13 =	smul.u32 $0xFFFFEC78, s9  }
0x9: {  	p1 =	seq.s32 s22, $0x1;
	s16 =	sor.u32 $0x10, s22;
	s12 =	smul.u32 $0x9C800, s9  }
0xa: {  	s18 =	sshll.u32 s22, $0x6;
	_ =	strace $0x80000050;
	s20 =	smul.u32 $0x6400, s16  }
0xb: {  	s11 =	ssub.s32 $0x2, s9;
	p0 =	seq.s32 s9, $0x0;
	s23 =	smul.u32 $0xC80, s16  }
0xc: {  	p2 =	sgt.u32 s16, $0x18;
	p4 =	sne.s32 s9, $0x0;
	s1 =	sadd.s32 s1, s0  }
0xd: {  	s7 =	sadd.s32 s5, s0;
	s5 =	sadd.s32 $0xA8E600, s0;
	s0 =	sadd.s32 $0xA35000, s0  }
0xe: {  	s14 =	sshrl.u32 s11, $0x1;
	p1 =	por !p1, !p0;
	s17 =	sshrl.u32 s15, $0x2  }
0xf: {  	s15 =	smul.u32 $0x19000, s16;
	p3 =	sne.s32 @!p2 s22, $0x1;
	[dreg:$0x4] =	wrdreg s0  }
0x10: {  	s0 =	ssub.s32 s11, s14;
	s14 =	smul.u32 $0xC80, s22;
	s11 =	sor.u32 $0x1C02, s18  }
0x11: {  	p1 =	por !p1, !p1;
	s26 =	sadd.s32 $0x100F600, s1;
	s18 =	sadd.s32 $0xA21400, s7  }
0x12: {  	p3 =	por p3, p2;
	s1 =	simm.s32 $0x50;
	s0 =	smax.u32 s0, $0x1  }
0x13: {  	s21 =	sshrl.u32 s15, $0x2;
	s15 =	sadd.s32 s8, s23;
	[dreg:$0xb] =	wrdreg s26  }
0x14: {  	s23 =	simm.s32 $0x2;
	s26 =	simm.s32 $0x2980;
	[dreg:$0xc] =	wrdreg s11  }
0x15: {  	[dreg:$0x5] =	wrdreg s0;
	s0 =	sadd.s32 s17, s2;
	s17 =	smul.u32 $0x6400, s22  }
0x16: {  	s19 =	sadd.s32 s8, s14;
	s14 =	sadd.s32 s21, s2;
	[dreg:$0x6] =	wrdreg s0  }
0x17: {  	s21 =	sadd.s32 $0x3400, s7;
	s22 =	sadd.s32 $0xD600, s7;
	[dreg:$0x7] =	wrdreg s19  }
0x18: {  	s8 =	simm.s32 $0x0;
	[dreg:$0x8] =	wrdreg s14;
	s0 =	sadd.s32 s12, s20  }
.Ltmp0:
0x19: {  	s19 =	sadd.s32 $0xA17600, s7;
	s17 =	sadd.s32 s12, s17;
	(pc) =	sbr.rel .LBB2_1-.Ltmp0, $4  }
0x1a: {  	s20 =	sadd.s32 $0xA0D800, s7;
	s0 =	sshrl.u32 s0, $0x3;
	s24 =	sshrl.u32 s17, $0x3  }
0x1b: {  	s0 =	sadd.s32 s10, s0;
	s17 =	sadd.s32 $0xA2B200, s7;
	s7 =	simm.s32 $0x80  }
0x1c: {  	s25 =	sadd.s32 s10, s24;
	[dreg:$0xa] =	wrdreg s0;
	s24 =	simm.s32 $0x100  }
0x1d: {  	v0 =	vmov s13;
	s0 =	simm.s32 $0x1;
	[dreg:$0x9] =	wrdreg s25;
	s25 =	simm.s32 $0x2900  }
.LBB2_9:
0x1e: {  	s12 =	sadd.s32 s16, s6;
	[sflag:s23] =	ssyncadd.s32 $0xFFFFFFB0  }
0x1f: {  	[tilespmem:s4], [sflag:$0x2] =	stream.linear.gather [hbm4b:s12+s4], $0x50, $0x38;
	[tilespmem:$0x16E48] =	vst v63  }
0x20: {  	_ =	swait.ge [sflag:s23], $0x50  }
0x21: {  	[sflag:s23] =	ssyncset.done $0x0  }
0x22: {  	[sflag:s23] =	ssyncadd.s32 $0xFFFFFFB0  }
0x23: {  	[spmem:s3] =	stream.indirect.scatter.add.f32 [tilespmem:s13], [sflag:$0x2], $0x1, s4, s1, $0xb8;
	[tilespmem:$0x16E48] =	vst v63  }
0x24: {  	s15 =	smov.u32 s5;
	_ =	swait.ge [sflag:s23], $0x50  }
0x25: {  	s5 =	smov.u32 s9;
	s12 =	smov.u32 s10;
	[sflag:s23] =	ssyncset.done $0x0  }
0x26: {  	s10 =	smov.u32 s11;
	s11 =	rddreg [dreg:$0xc];
	[sflag:s23] =	ssyncadd.s32 $0xFFFFFFB0  }
.LBB2_10:
0x27: {  	[bflag:$0x0] =	sbarrier.arrive $0xFFFF  }
0x28: {  	s9 =	rddreg [dreg:$0x9]  }
0x29: {  	[hbm:s9], [sflag:s11] =	dma.local [spmem:s12], $0xC80  }
0x2a: {  	_ =	swait.ge [sflag:s23], $0xC80  }
0x2b: {  	[sflag:s23] =	ssyncset.done $0x0  }
0x2c: {  	s9 =	rddreg [dreg:$0xa];
	[sflag:s23] =	ssyncadd.s32 $0xFFFFF380  }
0x2d: {  	[hbm:s9], [sflag:s11] =	dma.local @!p2 [spmem:s10], $0xC80  }
0x2e: {  	s9 =	simm.s32 @!p2 $0x2  }
0x2f: {  	_ =	swait.ge @!p2 [sflag:s9], $0xC80  }
0x30: {  	s10 =	simm.s32 @p1 $0x1C42;
	[sflag:s9] =	ssyncset.done @!p2 $0x0  }
0x31: {  	s12 =	rddreg [dreg:$0x4];
	[sflag:s9] =	ssyncadd.s32 @!p2 $0xFFFFF380;
	s9 =	sshrl.u32 @p1 s3, $0x3  }
0x32: {  	[hbm:s12], [sflag:s10] =	dma.local @p1 [spmem:s9], $0x1390  }
0x33: {  	s9 =	simm.s32 @p1 $0x2  }
0x34: {  	_ =	swait.ge @p1 [sflag:s9], $0x1390  }
0x35: {  	s8 =	sadd.s32 $0x1, s8;
	s16 =	rddreg [dreg:$0x5]  }
0x36: {  	p5 =	sne.s32 s8, s16  }
.Ltmp1:
0x37: {  	_ = 	snop;
	(pc) =	sbr.rel @!p5 .LBB2_11-.Ltmp1, $3  }
0x38: {  	_ =	sdelay $0x1  }
0x39: {  	[sflag:s9] =	ssyncset.done @p1 $0x0  }
0x3a: {  	[sflag:s9] =	ssyncadd.s32 @p1 $0xFFFFEC70  }
.LBB2_1:
0x3b: {  	s9 =	rddreg [dreg:$0x6]  }
0x3c: {  	s10 =	rddreg [dreg:$0x7];
	s12 =	sshrl.u32 s9, $0x3  }
0x3d: {  	[spmem:s12], [sflag:s11] =	dma.local [hbm:s10], $0xC80  }
0x3e: {  	_ =	swait.ge [sflag:s23], $0xC80  }
0x3f: {  	[sflag:s23] =	ssyncset.done $0x0;
	s10 =	rddreg [dreg:$0x8]  }
0x40: {  	s13 =	simm.s32 @!p2 $0x2;
	[sflag:s23] =	ssyncadd.s32 $0xFFFFF380;
	s10 =	sshrl.u32 @!p2 s10, $0x3  }
0x41: {  	[spmem:s10], [sflag:s11] =	dma.local @!p2 [hbm:s15], $0xC80  }
0x42: {  	_ =	swait.ge @!p2 [sflag:s13], $0xC80  }
0x43: {  	[sflag:s13] =	ssyncset.done @!p2 $0x0  }
0x44: {  	s14 =	simm.s32 @!p3 $0x1C42;
	[sflag:s13] =	ssyncadd.s32 @!p2 $0xFFFFF380;
	s13 =	sshrl.u32 @!p3 s3, $0x3  }
0x45: {  	[spmem:s13], [sflag:s14] =	dma.local @!p3 [hbm:s5], $0x1390  }
0x46: {  	s13 =	simm.s32 @!p3 $0x2  }
0x47: {  	_ =	swait.ge @!p3 [sflag:s13], $0x1390  }
0x48: {  	[sflag:s13] =	ssyncset.done @!p3 $0x0  }
0x49: {  	s14 =	simm.s32 @!p4 $0x2B80;
	[sflag:s13] =	ssyncadd.s32 @!p3 $0xFFFFEC70;
	s13 =	simm.s32 @!p4 $0x0  }
0x4a: {  	[tilespmem:s14], [sflag:$0x2] =	stream.linear.gather @!p4 [hbm4b:s5+s13], $0x9C80, $0x38;
	[tilespmem:$0x16E48] =	vst v63  }
0x4b: {  	s13 =	simm.s32 @!p4 $0x2  }
.Ltmp2:
0x4c: {  	_ =	swait.ge @!p4 [sflag:s13], $0x9C80;
	(pc) =	sbr.rel .LBB2_2-.Ltmp2, $4  }
0x4d: {  	[sflag:s13] =	ssyncset.done @!p4 $0x0  }
0x4e: {  	[sflag:s13] =	ssyncadd.s32 @!p4 $0xFFFF6380  }
0x4f: {  	[bflag:$0x0] =	sbarrier.arrive $0xFFFF  }
0x50: {  	s13 =	simm.s32 $0x0;
	s16 =	rddreg [dreg:$0xb]  }
.LBB2_4:
0x51: {  	v2 =	vld [tilespmem:$0x2900]  }
0x52: {  	v3 =	vld [tilespmem:$0x2A00];
	_ =	sdelay $0x4  }
0x53: {  	v3 =	vmul.f32 v3, v2;
	_ =	sdelay $0x1  }
0x54: {  	[tilespmem:v1+s31+$0x0] =	vst.idx.add.f32.msk $0xffff, v3  }
0x55: {  	v3 =	vld [tilespmem:$0x2A80];
	_ =	sdelay $0x1  }
0x56: {  	v4 =	vadd.s32 $0x2710, v1;
	_ =	sdelay $0x2  }
0x57: {  	v3 =	vmul.f32 v3, v2;
	_ =	sdelay $0x1  }
0x58: {  	[tilespmem:v4+s31+$0x0] =	vst.idx.add.f32.msk $0xffff, v3  }
0x59: {  	v3 =	vld [tilespmem:$0x2B00];
	_ =	sdelay $0x1  }
0x5a: {  	v51 =	vadd.s32 $0x4E20, v1;
	_ =	sdelay $0x2  }
0x5b: {  	v2 =	vmul.f32 v3, v2;
	_ =	sdelay $0x1  }
0x5c: {  	[tilespmem:v51+s31+$0x0] =	vst.idx.add.f32.msk $0xffff, v2  }
0x5d: {  	v1 =	vadd.s32 $0x7530, v1;
	v2 =	vld [tilespmem:$0x2980];
	_ =	sdelay $0x4  }
0x5e: {  	[tilespmem:v1+s31+$0x0] =	vst.idx.add.f32.msk $0xffff, v2  }
0x5f: {  	v1 =	vld [tilespmem:$0x10]  }
0x60: {  	v2 =	vld [tilespmem:$0x2910]  }
0x61: {  	v3 =	vld [tilespmem:$0x2A10];
	_ =	sdelay $0x4  }
0x62: {  	v52 =	vmin.u32 v1, $0x1388;
	v3 =	vmul.f32 v3, v2  }
0x63: {  	[tilespmem:$0x90] =	vst v52  }
0x64: {  	[tilespmem:v1+s31+$0x0] =	vst.idx.add.f32.msk $0xffff, v3  }
0x65: {  	v3 =	vld [tilespmem:$0x2A90];
	_ =	sdelay $0x1  }
0x66: {  	v53 =	vadd.s32 $0x2710, v1;
	_ =	sdelay $0x2  }
0x67: {  	v3 =	vmul.f32 v3, v2;
	_ =	sdelay $0x1  }
0x68: {  	[tilespmem:v53+s31+$0x0] =	vst.idx.add.f32.msk $0xffff, v3  }
0x69: {  	v3 =	vld [tilespmem:$0x2B10];
	_ =	sdelay $0x1  }
0x6a: {  	v54 =	vadd.s32 $0x4E20, v1;
	_ =	sdelay $0x2  }
0x6b: {  	v2 =	vmul.f32 v3, v2;
	_ =	sdelay $0x1  }
0x6c: {  	[tilespmem:v54+s31+$0x0] =	vst.idx.add.f32.msk $0xffff, v2  }
0x6d: {  	v1 =	vadd.s32 $0x7530, v1;
	v2 =	vld [tilespmem:$0x2990];
	_ =	sdelay $0x4  }
0x6e: {  	[tilespmem:v1+s31+$0x0] =	vst.idx.add.f32.msk $0xffff, v2  }
0x6f: {  	v1 =	vld [tilespmem:$0x20]  }
0x70: {  	v2 =	vld [tilespmem:$0x2920]  }
0x71: {  	v3 =	vld [tilespmem:$0x2A20];
	_ =	sdelay $0x4  }
0x72: {  	v55 =	vmin.u32 v1, $0x1388;
	v3 =	vmul.f32 v3, v2  }
0x73: {  	[tilespmem:$0xA0] =	vst v55  }
0x74: {  	[tilespmem:v1+s31+$0x0] =	vst.idx.add.f32.msk $0xffff, v3  }
0x75: {  	v3 =	vld [tilespmem:$0x2AA0];
	_ =	sdelay $0x1  }
0x76: {  	v56 =	vadd.s32 $0x2710, v1;
	_ =	sdelay $0x2  }
0x77: {  	v3 =	vmul.f32 v3, v2;
	_ =	sdelay $0x1  }
0x78: {  	[tilespmem:v56+s31+$0x0] =	vst.idx.add.f32.msk $0xffff, v3  }
0x79: {  	v3 =	vld [tilespmem:$0x2B20];
	_ =	sdelay $0x1  }
0x7a: {  	v57 =	vadd.s32 $0x4E20, v1;
	_ =	sdelay $0x2  }
0x7b: {  	v2 =	vmul.f32 v3, v2;
	_ =	sdelay $0x1  }
0x7c: {  	[tilespmem:v57+s31+$0x0] =	vst.idx.add.f32.msk $0xffff, v2  }
0x7d: {  	v1 =	vadd.s32 $0x7530, v1;
	v2 =	vld [tilespmem:$0x29A0];
	_ =	sdelay $0x4  }
0x7e: {  	[tilespmem:v1+s31+$0x0] =	vst.idx.add.f32.msk $0xffff, v2  }
0x7f: {  	v1 =	vld [tilespmem:$0x30]  }
0x80: {  	v2 =	vld [tilespmem:$0x2930]  }
0x81: {  	v3 =	vld [tilespmem:$0x2A30];
	_ =	sdelay $0x4  }
0x82: {  	v58 =	vmin.u32 v1, $0x1388;
	v3 =	vmul.f32 v3, v2  }
0x83: {  	[tilespmem:$0xB0] =	vst v58  }
0x84: {  	[tilespmem:v1+s31+$0x0] =	vst.idx.add.f32.msk $0xffff, v3  }
0x85: {  	v3 =	vld [tilespmem:$0x2AB0];
	_ =	sdelay $0x1  }
0x86: {  	v59 =	vadd.s32 $0x2710, v1;
	_ =	sdelay $0x2  }
0x87: {  	v3 =	vmul.f32 v3, v2;
	_ =	sdelay $0x1  }
0x88: {  	[tilespmem:v59+s31+$0x0] =	vst.idx.add.f32.msk $0xffff, v3  }
0x89: {  	v3 =	vld [tilespmem:$0x2B30];
	_ =	sdelay $0x1  }
0x8a: {  	v60 =	vadd.s32 $0x4E20, v1;
	_ =	sdelay $0x2  }
0x8b: {  	v2 =	vmul.f32 v3, v2;
	_ =	sdelay $0x1  }
0x8c: {  	[tilespmem:v60+s31+$0x0] =	vst.idx.add.f32.msk $0xffff, v2  }
0x8d: {  	v1 =	vadd.s32 $0x7530, v1;
	v2 =	vld [tilespmem:$0x29B0];
	_ =	sdelay $0x4  }
0x8e: {  	[tilespmem:v1+s31+$0x0] =	vst.idx.add.f32.msk $0xffff, v2  }
0x8f: {  	v1 =	vld [tilespmem:$0x40]  }
0x90: {  	v2 =	vld [tilespmem:$0x2940]  }
0x91: {  	v3 =	vld [tilespmem:$0x2A40];
	_ =	sdelay $0x4  }
0x92: {  	v61 =	vmin.u32 v1, $0x1388;
	v3 =	vmul.f32 v3, v2  }
0x93: {  	[tilespmem:$0xC0] =	vst v61  }
0x94: {  	[tilespmem:v1+s31+$0x0] =	vst.idx.add.f32.msk $0xffff, v3  }
0x95: {  	v3 =	vld [tilespmem:$0x2AC0];
	_ =	sdelay $0x1  }
0x96: {  	v62 =	vadd.s32 $0x2710, v1;
	_ =	sdelay $0x2  }
0x97: {  	v3 =	vmul.f32 v3, v2;
	_ =	sdelay $0x1  }
0x98: {  	[tilespmem:v62+s31+$0x0] =	vst.idx.add.f32.msk $0xffff, v3  }
0x99: {  	v3 =	vld [tilespmem:$0x2B40];
	_ =	sdelay $0x1  }
0x9a: {  	v63 =	vadd.s32 $0x4E20, v1;
	_ =	sdelay $0x2  }
0x9b: {  	v2 =	vmul.f32 v3, v2;
	_ =	sdelay $0x1  }
0x9c: {  	[tilespmem:v63+s31+$0x0] =	vst.idx.add.f32.msk $0xffff, v2  }
0x9d: {  	v1 =	vadd.s32 $0x7530, v1;
	v2 =	vld [tilespmem:$0x29C0];
	_ =	sdelay $0x4  }
0x9e: {  	[tilespmem:v1+s31+$0x0] =	vst.idx.add.f32.msk $0xffff, v2  }
.LBB2_5:
0x9f: {  	_ =	swait.ge [sflag:s0], $0x2800;
	s13 =	sadd.s32 $0xA, s13  }
0xa0: {  	[sflag:s0] =	ssyncset.done $0x0;
	p5 =	sne.s32 s13, $0x9C4  }
.Ltmp3:
0xa1: {  	[sflag:s0] =	ssyncadd.s32 $0xFFFFD800;
	(pc) =	sbr.rel @!p5 .LBB2_6-.Ltmp3, $4  }
0xa2: {  	[spmem:s2] =	stream.indirect.scatter.add.f32 [tilespmem:s24], [sflag:$0x2], $0x80, s7, s1, $0xb8;
	[tilespmem:$0x16E48] =	vst v63  }
0xa3: {  	_ =	swait.ge [sflag:s23], $0x2800  }
0xa4: {  	[sflag:s23] =	ssyncset.done $0x0  }
0xa5: {  	s16 =	sadd.s32 $0x500, s16;
	[sflag:s23] =	ssyncadd.s32 $0xFFFFD800  }
.LBB2_2:
0xa6: {  	s14 =	sadd.s32 s13, s22  }
0xa7: {  	[tilespmem:s4], [sflag:$0x2] =	stream.linear.gather [hbm4b:s14+s4], $0x50, $0x38;
	[tilespmem:$0x16E48] =	vst v63  }
0xa8: {  	_ =	swait.ge [sflag:s23], $0x50  }
0xa9: {  	[sflag:s23] =	ssyncset.done $0x0  }
0xaa: {  	[sflag:s23] =	ssyncadd.s32 $0xFFFFFFB0  }
0xab: {  	[tilespmem:s24], [sflag:$0x1] =	stream.linear.gather [hbm4b:s16+s4], $0x2800, $0x38;
	[tilespmem:$0x16E48] =	vst v63  }
0xac: {  	s9 =	sadd.s32 s13, s21  }
0xad: {  	[tilespmem:s25], [sflag:$0x2] =	stream.linear.gather [hbm4b:s9+s4], $0x50, $0x38;
	[tilespmem:$0x16E48] =	vst v63  }
0xae: {  	_ =	swait.ge [sflag:s23], $0x50  }
0xaf: {  	[sflag:s23] =	ssyncset.done $0x0  }
0xb0: {  	s9 =	sadd.s32 s13, s20;
	[sflag:s23] =	ssyncadd.s32 $0xFFFFFFB0  }
0xb1: {  	[tilespmem:s26], [sflag:$0x2] =	stream.linear.gather [hbm4b:s9+s4], $0x50, $0x38;
	[tilespmem:$0x16E48] =	vst v63  }
0xb2: {  	_ =	swait.ge [sflag:s23], $0x50  }
0xb3: {  	[sflag:s23] =	ssyncset.done $0x0  }
0xb4: {  	s9 =	sadd.s32 s13, s19;
	[sflag:s23] =	ssyncadd.s32 $0xFFFFFFB0  }
0xb5: {  	[tilespmem:s28], [sflag:$0x2] =	stream.linear.gather [hbm4b:s9+s4], $0x50, $0x38;
	[tilespmem:$0x16E48] =	vst v63  }
0xb6: {  	_ =	swait.ge [sflag:s23], $0x50  }
0xb7: {  	[sflag:s23] =	ssyncset.done $0x0  }
0xb8: {  	s9 =	sadd.s32 s13, s18;
	[sflag:s23] =	ssyncadd.s32 $0xFFFFFFB0  }
0xb9: {  	[tilespmem:s29], [sflag:$0x2] =	stream.linear.gather [hbm4b:s9+s4], $0x50, $0x38;
	[tilespmem:$0x16E48] =	vst v63  }
0xba: {  	_ =	swait.ge [sflag:s23], $0x50  }
0xbb: {  	[sflag:s23] =	ssyncset.done $0x0  }
0xbc: {  	s9 =	sadd.s32 s13, s17;
	[sflag:s23] =	ssyncadd.s32 $0xFFFFFFB0  }
0xbd: {  	[tilespmem:s30], [sflag:$0x2] =	stream.linear.gather [hbm4b:s9+s4], $0x50, $0x38;
	[tilespmem:$0x16E48] =	vst v63  }
0xbe: {  	_ =	swait.ge [sflag:s23], $0x50  }
0xbf: {  	[sflag:s23] =	ssyncset.done $0x0  }
0xc0: {  	[sflag:s23] =	ssyncadd.s32 $0xFFFFFFB0  }
0xc1: {  	v1 =	vld [tilespmem:$0x0];
	_ =	sdelay $0x2  }
.Ltmp4:
0xc2: {  	_ = 	snop;
	(pc) =	sbr.rel @p0 .LBB2_4-.Ltmp4, $4  }
0xc3: {  	_ = 	snop  }
0xc4: {  	v2 =	vadd.s32 v0, v1  }
0xc5: {  	v2 =	vmin.u32 v2, $0x1388  }
0xc6: {  	[tilespmem:$0x80] =	vst v2  }
0xc7: {  	v1 =	vld [tilespmem:$0x10]  }
0xc8: {  	v2 =	vld [tilespmem:$0x20]  }
0xc9: {  	v3 =	vld [tilespmem:$0x30]  }
0xca: {  	v4 =	vld [tilespmem:$0x40];
	_ =	sdelay $0x1  }
0xcb: {  	v1 =	vadd.s32 v0, v1  }
.Ltmp5:
0xcc: {  	v2 =	vadd.s32 v0, v2;
	v1 =	vmin.u32 v1, $0x1388;
	(pc) =	sbr.rel .LBB2_5-.Ltmp5, $4  }
0xcd: {  	[tilespmem:$0x90] =	vst v1;
	v1 =	vmin.u32 v2, $0x1388;
	v2 =	vadd.s32 v0, v3  }
0xce: {  	[tilespmem:$0xA0] =	vst v1;
	v1 =	vmin.u32 v2, $0x1388;
	v2 =	vadd.s32 v0, v4  }
0xcf: {  	[tilespmem:$0xB0] =	vst v1;
	v1 =	vmin.u32 v2, $0x1388  }
0xd0: {  	[tilespmem:$0xC0] =	vst v1  }
.LBB2_6:
.Ltmp6:
0xd1: {  	(pc) =	sbr.rel @p4 .LBB2_10-.Ltmp6, $1  }
0xd2: {  	_ =	sdelay $0x3  }
0xd3: {  	s13 =	sadd.s32 $0x0, s6  }
0xd4: {  	[tilespmem:s4], [sflag:$0x2] =	stream.linear.gather [hbm4b:s13+s4], $0x50, $0x38;
	[tilespmem:$0x16E48] =	vst v63  }
0xd5: {  	_ =	swait.ge [sflag:s23], $0x50  }
0xd6: {  	s11 =	smov.u32 s10;
	s10 =	smov.u32 s12;
	[sflag:s23] =	ssyncset.done $0x0  }
0xd7: {  	s9 =	smov.u32 s5;
	s16 =	simm.s32 $0x2B80;
	[sflag:s23] =	ssyncadd.s32 $0xFFFFFFB0  }
0xd8: {  	[spmem:s3] =	stream.indirect.scatter.add.f32 [tilespmem:s16], [sflag:$0x2], $0x1, s4, s1, $0xb8;
	[tilespmem:$0x16E48] =	vst v63  }
0xd9: {  	s5 =	smov.u32 s15;
	s14 =	simm.s32 $0x14;
	_ =	swait.ge [sflag:s23], $0x50  }
0xda: {  	s13 =	simm.s32 $0x2BD0;
	s16 =	simm.s32 $0xA;
	[sflag:s23] =	ssyncset.done $0x0  }
.LBB2_8:
0xdb: {  	s15 =	sadd.s32 s16, s6  }
0xdc: {  	[sflag:s23] =	ssyncadd.s32 $0xFFFFFFB0;
	s16 =	smov.u32 s14;
	s12 =	sadd.s32 $0xA, s14  }
0xdd: {  	[tilespmem:s4], [sflag:$0x2] =	stream.linear.gather [hbm4b:s15+s4], $0x50, $0x38;
	[tilespmem:$0x16E48] =	vst v63  }
0xde: {  	p5 =	sne.s32 s14, $0x137E;
	_ =	swait.ge [sflag:s23], $0x50  }
.Ltmp7:
0xdf: {  	[sflag:s23] =	ssyncset.done $0x0;
	(pc) =	sbr.rel @p5 .LBB2_8-.Ltmp7, $4  }
0xe0: {  	[sflag:s23] =	ssyncadd.s32 $0xFFFFFFB0  }
0xe1: {  	[spmem:s3] =	stream.indirect.scatter.add.f32 [tilespmem:s13], [sflag:$0x2], $0x1, s4, s1, $0xb8;
	[tilespmem:$0x16E48] =	vst v63  }
0xe2: {  	_ =	swait.ge [sflag:s23], $0x50  }
0xe3: {  	s14 =	smov.u32 s12;
	s13 =	sadd.s32 $0x50, s13;
	[sflag:s23] =	ssyncset.done $0x0  }
.Ltmp8:
0xe4: {  	_ = 	snop;
	(pc) =	sbr.rel .LBB2_9-.Ltmp8, $1  }
0xe5: {  	_ =	sdelay $0x3  }
.LBB2_11:
0xe6: {  	_ =	sfence.sel $0x180000  }
0xe7: {  	[bflag:$0x0] =	sbarrier.arrive $0xFFFF  }
0xe8: {  	_ =	strace $0x90000050  }
0xe9: {  	s0 =	stileid.u32;
	[bflag:$0x2] =	sbarrier.arrive $0xFFFF  }
0xea: {  	p0 =	sne.s32 s0, $0x0;
	s0 =	rddreg [dreg:$0x3]  }
0xeb: {  	s0 =	sadd.s32 @!p0 $0x100000, s0  }
0xec: {  	[sflag:s0] =	ssyncadd.tile.s32 @!p0 $0x1;
	_ =	shalt  }
.Lfunc_end2:
_tile_overlayer_lowered:
.L_overlay_start_2:
0xed: {  	(tag) =	ssettag $0x2  }
0xee: {  	s0 =	rddreg [dreg:$0x0];
	s2 =	stileid.u32  }
0xef: {  	s1 =	rddreg [dreg:$0x1];
	p0 =	sne.s32 s2, $0x0  }
0xf0: {  	s3 =	rddreg [dreg:$0x2];
	[bflag:$0x3] =	sbarrier.arrive $0xFFFF;
	s2 =	simm.s32 @!p0 $0x1C02  }
0xf1: {  	[timem:s3], [sflag:s2] =	dma.local @!p0 [hbm:s0], s1  }
0xf2: {  	s0 =	simm.s32 @!p0 $0x2  }
0xf3: {  	_ =	swait.ge @!p0 [sflag:s0], s1  }
0xf4: {  	s1 =	ssub.s32 @!p0 $0x0, s1;
	[sflag:s0] =	ssyncset.done @!p0 $0x0  }
0xf5: {  	[sflag:s0] =	ssyncadd.s32 @!p0 s1  }
0xf6: {  	[bflag:$0x3] =	sbarrier.arrive $0xFFFF  }
0xf7: {  	_ =	shalt  }

// kernel: kernel.25.cloned.1.call-start
scs
__scs_entry_jumppad:
0x0: {  	(pc) =	sbr.rel $0x88, $3  }
0x1: {  	(tag) =	ssettag $0x0;
	lr =	simm.s32 $0x1  }
0x2: {  	[smem:$0x3F90] =	sst lr;
	_ =	strace $0xD0000000  }
0x3: {  	_ = 	snop  }
0x4: {  	_ = 	snop  }
0x5: {  	_ = 	snop  }
0x6: {  	_ = 	snop  }
0x7: {  	_ = 	snop  }
__scs_overlays_trampoline_lowered:
0x8: {  	[smem:$0x3F9F] =	sst s0  }
0x9: {  	[smem:$0x3FA0] =	sst s1  }
0xa: {  	[smem:$0x3FA1] =	sst s2  }
0xb: {  	[smem:$0x3FA2] =	sst s3  }
0xc: {  	[smem:$0x3FA3] =	sst s4  }
0xd: {  	[smem:$0x3FA4] =	sst s5  }
0xe: {  	[smem:$0x3FA5] =	sst s6  }
0xf: {  	[smem:$0x3FA6] =	sst s7  }
0x10: {  	[smem:$0x3FA7] =	sst s8  }
0x11: {  	[smem:$0x3FA8] =	sst s9;
	s0 =	simm.s32 @!p0 $0x0  }
0x12: {  	s1 =	sld [smem:$0x3F8E];
	s0 =	simm.s32 @p0 $0x1  }
0x13: {  	[smem:$0x3FA9] =	sst s0;
	s0 =	simm.s32 @!p1 $0x0  }
0x14: {  	s2 =	sld [smem:$0x3F8D];
	s0 =	simm.s32 @p1 $0x1  }
0x15: {  	[smem:$0x3FAA] =	sst s0;
	s0 =	simm.s32 @!p2 $0x0  }
0x16: {  	s3 =	sld [smem:$0x3FDB];
	s0 =	simm.s32 @p2 $0x1  }
0x17: {  	s4 =	simm.s32 $0x1BF5;
	[smem:$0x3FAC] =	sst s0  }
0x18: {  	s0 =	sld [smem:$0x3F8F];
	_ =	swait.ge [sflag:s4], $0x0  }
0x19: {  	s7 =	sld [smem:$0x3F90]  }
0x1a: {  	s8 =	sadd.s32 $0xFFFFE003, lr  }
0x1b: {  	s9 =	sadd.s32 $0xFFFFFEF7, lr;
	s5 =	simm.s32 $0xFFFFFFFF;
	p2 =	slt.u32 s8, $0xFFFFF086  }
0x1c: {  	p1 =	slt.u32 s9, $0xF7A;
	s5 =	simm.s32 @!p2 $0x0  }
0x1d: {  	s5 =	simm.s32 @p1 $0x1;
	p0 =	seq.s32 s7, s2  }
0x1e: {  	s7 =	smul.u32 @!p0 $0xF7A, s2;
	p2 =	seq.s32 @!p0 s5, $0x0  }
0x1f: {  	s9 =	smul.u32 $0xF7A, s1;
	s8 =	simm.s32 @!p0 $0x1BF5;
	p2 =	por !p2, p0  }
0x20: {  	[sflag:s8] =	ssyncset.s32 @!p0 $0xFFFFF086;
	s6 =	sadd.s32 @!p0 s3, s7;
	s7 =	simm.s32 @!p0 $0x108  }
0x21: {  	s3 =	sadd.s32 s3, s9;
	s6 =	sadd.s32 @!p0 $0x88, s6;
	s7 =	simm.s32 @p2 $0x1082  }
0x22: {  	[simem:s7], [sflag:s8] =	dma.local @!p0 [hbm:s6], $0xF7A  }
0x23: {  	s9 =	sor.u32 $0xD0000000, s2;
	s6 =	simm.s32 $0x108;
	_ =	swait.ge @!p0 [sflag:s8], $0x0  }
0x24: {  	s3 =	sadd.s32 $0x88, s3;
	s6 =	simm.s32 @!p1 $0x1082;
	[sflag:s4] =	ssyncset.s32 $0xFFFFF086  }
0x25: {  	[simem:s6], [sflag:s4] =	dma.local [hbm:s3], $0xF7A  }
0x26: {  	[smem:$0x3F90] =	sst s1;
	(tag) =	ssettag s2;
	_ =	strace s9  }
0x27: {  	s1 =	sld [smem:$0x3FA0]  }
0x28: {  	s2 =	sld [smem:$0x3FA1]  }
0x29: {  	s4 =	sld [smem:$0x3FA3]  }
0x2a: {  	p0 =	seq.s32 s5, $0x0;
	s5 =	sld [smem:$0x3FA4]  }
0x2b: {  	s6 =	sld [smem:$0x3FA5]  }
0x2c: {  	s7 =	sld [smem:$0x3FA6]  }
0x2d: {  	s3 =	simm.s32 $0x108;
	s8 =	sld [smem:$0x3FA7]  }
0x2e: {  	s3 =	simm.s32 @!p0 $0x1082;
	s9 =	sld [smem:$0x3FA8]  }
0x2f: {  	lr =	sadd.s32 s0, s3;
	s0 =	sld [smem:$0x3F9F]  }
0x30: {  	s3 =	sld [smem:$0x3FA2]  }
0x31: {  	[smem:$0x3FAB] =	sst s10  }
0x32: {  	s10 =	sld [smem:$0x3FA9];
	_ =	sdelay $0x3  }
0x33: {  	p0 =	seq.s32 s10, $0x1;
	s10 =	sld [smem:$0x3FAB];
	_ =	sdelay $0x3  }
0x34: {  	[smem:$0x3FAB] =	sst s10  }
0x35: {  	s10 =	sld [smem:$0x3FAA];
	_ =	sdelay $0x3  }
0x36: {  	p1 =	seq.s32 s10, $0x1;
	s10 =	sld [smem:$0x3FAB];
	_ =	sdelay $0x3  }
0x37: {  	[smem:$0x3FAB] =	sst s10  }
0x38: {  	s10 =	sld [smem:$0x3FAC]  }
0x39: {  	_ = 	snop;
	(pc) =	sbr.ind lr, $3  }
0x3a: {  	_ = 	snop  }
0x3b: {  	_ = 	snop  }
0x3c: {  	p2 =	seq.s32 s10, $0x1;
	s10 =	sld [smem:$0x3FAB]  }
0x3d: {  	_ =	shalt  }
0x3e: {  	_ =	shalt  }
0x3f: {  	_ =	shalt  }
0x40: {  	_ =	shalt  }
0x41: {  	_ =	shalt  }
0x42: {  	_ =	shalt  }
0x43: {  	_ =	shalt  }
0x44: {  	_ =	shalt  }
0x45: {  	_ =	shalt  }
0x46: {  	_ =	shalt  }
0x47: {  	_ =	shalt  }
0x48: {  	_ =	shalt  }
0x49: {  	_ =	shalt  }
0x4a: {  	_ =	shalt  }
0x4b: {  	_ =	shalt  }
0x4c: {  	_ =	shalt  }
0x4d: {  	_ =	shalt  }
0x4e: {  	_ =	shalt  }
0x4f: {  	_ =	shalt  }
0x50: {  	_ =	shalt  }
0x51: {  	_ =	shalt  }
0x52: {  	_ =	shalt  }
0x53: {  	_ =	shalt  }
0x54: {  	_ =	shalt  }
0x55: {  	_ =	shalt  }
0x56: {  	_ =	shalt  }
0x57: {  	_ =	shalt  }
0x58: {  	_ =	shalt  }
0x59: {  	_ =	shalt  }
0x5a: {  	_ =	shalt  }
0x5b: {  	_ =	shalt  }
0x5c: {  	_ =	shalt  }
0x5d: {  	_ =	shalt  }
0x5e: {  	_ =	shalt  }
0x5f: {  	_ =	shalt  }
0x60: {  	_ =	shalt  }
0x61: {  	_ =	shalt  }
0x62: {  	_ =	shalt  }
0x63: {  	_ =	shalt  }
0x64: {  	_ =	shalt  }
0x65: {  	_ =	shalt  }
0x66: {  	_ =	shalt  }
0x67: {  	_ =	shalt  }
0x68: {  	_ =	shalt  }
0x69: {  	_ =	shalt  }
0x6a: {  	_ =	shalt  }
0x6b: {  	_ =	shalt  }
0x6c: {  	_ =	shalt  }
0x6d: {  	_ =	shalt  }
0x6e: {  	_ =	shalt  }
0x6f: {  	_ =	shalt  }
0x70: {  	_ =	shalt  }
0x71: {  	_ =	shalt  }
0x72: {  	_ =	shalt  }
0x73: {  	_ =	shalt  }
0x74: {  	_ =	shalt  }
0x75: {  	_ =	shalt  }
0x76: {  	_ =	shalt  }
0x77: {  	_ =	shalt  }
0x78: {  	_ =	shalt  }
0x79: {  	_ =	shalt  }
0x7a: {  	_ =	shalt  }
0x7b: {  	_ =	shalt  }
0x7c: {  	_ =	shalt  }
0x7d: {  	_ =	shalt  }
0x7e: {  	_ =	shalt  }
0x7f: {  	_ =	shalt  }
0x80: {  	_ =	shalt  }
0x81: {  	_ =	shalt  }
0x82: {  	_ =	shalt  }
0x83: {  	_ =	shalt  }
0x84: {  	_ =	shalt  }
0x85: {  	_ =	shalt  }
0x86: {  	_ =	shalt  }
0x87: {  	_ =	shalt  }
.Lfunc_end0:
.L_simem_size_0:
called_computation.4_lowered:
.L_overlay_start_0:
0x88: {  	s2 =	sld [smem:$0x3FD9]  }
0x89: {  	s3 =	sld [smem:$0x3FFE];
	_ =	sdelay $0x1  }
0x8a: {  	s1 =	srdreg.scid  }
0x8b: {  	s0 =	sand.u32 $0x1, s1  }
0x8c: {  	s14 =	sshll.u32 s0, $0xA;
	s2 =	sadd.s32 s3, s2  }
0x8d: {  	s2 =	sadd.s32 s2, s14  }
0x8e: {  	[smem:$0x3FB7] =	sst s2  }
0x8f: {  	_ = 	snop  }
0x90: {  	s2 =	sld [smem:$0x3FD0];
	_ =	sdelay $0x2  }
0x91: {  	s15 =	simm.s32 $0xA;
	s4 =	simm.s32 $0x10  }
0x92: {  	[smem:s4], [sflag:s15] =	dma.local [hbm:s2], $0x1  }
0x93: {  	_ =	swait.eq [sflag:s15], $0x1  }
0x94: {  	[sflag:s15] =	ssyncset.done $0x0  }
0x95: {  	[sflag:s15] =	ssyncadd.s32 $0xFFFFFFFF  }
0x96: {  	s16 =	sld [smem:$0x10];
	(tm) =	ssettm $0x1  }
0x97: {  	s17 =	sld [smem:$0x3FFB];
	_ =	sdelay $0x3  }
0x98: {  	_ =	strace s17  }
0x99: {  	s3 =	sld [smem:$0x3FFC];
	_ =	sdelay $0x3  }
0x9a: {  	_ =	strace s3  }
0x9b: {  	s3 =	sld [smem:$0x3FFD];
	_ =	sdelay $0x3  }
0x9c: {  	_ =	strace s3  }
0x9d: {  	_ =	strace $0x8FFFFFFF  }
0x9e: {  	s18 =	sld [smem:$0x3FDB];
	_ =	sdelay $0x1  }
0x9f: {  	s19 =	simm.s32 $_scs_section_size  }
0xa0: {  	s5 =	simm.s32 $_size__tile_overlayer_lowered;
	s6 =	simm.s32 $_tile_overlayer_lowered  }
0xa1: {  	s22 =	simm.s32 $0x1BFF;
	s21 =	sshll.u32 s6, $0x1;
	s3 =	sadd.s32 s19, s18  }
0xa2: {  	s7 =	simm.s32 $0x0;
	s20 =	sshll.u32 s5, $0x1;
	s5 =	sadd.s32 s21, s3  }
0xa3: {  	[timem:s7], [sflag:s22] =	dma.local [hbm:s5], s20  }
0xa4: {  	_ =	swait.ge [sflag:s22], s20  }
0xa5: {  	s4 =	ssub.s32 $0x0, s20;
	[sflag:s22] =	ssyncset.done $0x0  }
0xa6: {  	[sflag:s22] =	ssyncadd.s32 s4;
	_ =	sdelay $0x1  }
0xa7: {  	s23 =	simm.s32 $0x1B8B  }
0xa8: {  	_ =	swait.ge [sflag:s23], $0x1  }
0xa9: {  	[sflag:s23] =	ssyncset.done $0x0  }
0xaa: {  	s25 =	simm.s32 $0x1B8E;
	s24 =	sld [smem:$0x3FFE];
	[sflag:s23] =	ssyncadd.s32 $0xFFFFFFFF  }
0xab: {  	s26 =	simm.s32 $execute0_lowered;
	[smem:$0x3FD2] =	sst s25  }
0xac: {  	s5 =	sshll.u32 s26, $0x1;
	_ =	strace $0x80000052;
	[dreg:$0x1] =	wrdreg $0xFFFFFFFF  }
0xad: {  	s28 =	simm.s32 $_size_execute0_lowered;
	s3 =	sadd.s32 s3, s5;
	[dreg:$0x0] =	wrdreg $0x0  }
0xae: {  	s5 =	sshll.u32 s28, $0x1;
	[dreg:$0x2] =	wrdreg s3  }
0xaf: {  	[dreg:$0x3] =	wrdreg s5  }
0xb0: {  	[dreg:$0x4] =	wrdreg $0xC0  }
0xb1: {  	_ =	task [dreg:s7], $0x5FFFF  }
0xb2: {  	[dreg:$0x1] =	wrdreg $0xFFFFFFFF  }
0xb3: {  	[dreg:$0x0] =	wrdreg $0x60  }
0xb4: {  	[dreg:$0x2] =	wrdreg s24  }
0xb5: {  	[dreg:$0x3] =	wrdreg s16  }
0xb6: {  	[dreg:$0x4] =	wrdreg $0x9  }
0xb7: {  	_ =	task.clear_ibuf [dreg:s7], $0x5FFFF;
	_ =	strace $0x90000052  }
0xb8: {  	s29 =	simm.s32 $0x9;
	_ =	strace $0x80000054  }
0xb9: {  	_ =	swait.ge [sflag:s29], $0x1  }
0xba: {  	[sflag:s29] =	ssyncadd.s32 $0xFFFFFFFF  }
0xbb: {  	_ =	strace $0x90000054  }
0xbc: {  	_ =	sfence  }
0xbd: {  	s30 =	sld [smem:$0x0];
	_ =	sdelay $0x2  }
0xbe: {  	s31 =	sshll.u32 s1, $0xD;
	s1 =	sshrl.u32 s1, $0x2  }
0xbf: {  	s3 =	sand.u32 $0x4000, s31;
	s1 =	sadd.s32 s1, s30  }
0xc0: {  	s0 =	sor.u32 s3, s0;
	s1 =	sshll.u32 s1, $0x11  }
0xc1: {  	s0 =	sor.u32 s1, s0  }
0xc2: {  	s0 =	sadd.s32 $0x8F2B, s0  }
0xc3: {  	[sflag:s0] =	ssyncadd.remote.s32 $0x1  }
0xc4: {  	_ =	sfence.sel $0xFFFF  }
0xc5: {  	[dreg:$0x0] =	wrdreg $0xFFFFFFFF;
	(pc) =	sbr.abs _section_cstart, $3  }
0xc6: {  	[dreg:$0x1] =	wrdreg $0xFFFFFFFF  }
0xc7: {  	_ =	task.clear_ibuf [dreg:s7], $0x2FFFF;
	_ =	strace $0x9FFFFFFF  }
0xc8: {  	(tm) =	ssettm $0x7FFFFFFF  }
0xc9: {  	_ =	shalt  }
tec
execute0_lowered:
.L_overlay_start_1:
0x0: {  	(tag) =	ssettag $0x1  }
0x1: {  	s1 =	srdreg.scid;
	s0 =	stileid.u32  }
0x2: {  	s11 =	sand.u32 $0x1, s1;
	s28 =	sshll.u32 s0, $0x1  }
0x3: {  	s9 =	rddreg [dreg:$0x0];
	s10 =	sor.u32 s11, s28  }
0x4: {  	s12 =	rddreg [dreg:$0x1];
	s13 =	smul.u32 $0xA0, s10  }
0x5: {  	s2 =	simm.s32 $0x0;
	s1 =	rddreg [dreg:$0x2]  }
0x6: {  	[smem:$0x7FF] =	sst s2;
	s3 =	sshrl.u32 s13, $0x3  }
0x7: {  	_ =	strace $0x80000053;
	s4 =	sadd.s32 s12, s3;
	s3 =	simm.s32 $0x2  }
0x8: {  	[tilespmem:s2], [sflag:$0x2] =	stream.linear.gather [hbm4b:s4+s2], $0x50, $0x38;
	[tilespmem:$0x2880] =	vst v63  }
0x9: {  	_ =	swait.ge [sflag:s3], $0x50  }
0xa: {  	s6 =	simm.s32 $0x50;
	s7 =	simm.s32 $0x80;
	[sflag:s3] =	ssyncset.done $0x0  }
0xb: {  	s8 =	simm.s32 $0x1;
	s5 =	sadd.s32 $0x2E00, s9;
	[sflag:s3] =	ssyncadd.s32 $0xFFFFFFB0  }
0xc: {  	[tilespmem:s7], [sflag:$0x1] =	stream.indirect.gather [hbm4b:s5+s6], $0x80, s2, s6, $0xb8;
	[tilespmem:$0x2880] =	vst v63  }
0xd: {  	s10 =	smul.u32 $0xA00, s10;
	_ =	swait.ge [sflag:s8], $0x2800  }
0xe: {  	s14 =	sadd.s32 $0x2A000, s9;
	[sflag:s8] =	ssyncset.done $0x0  }
0xf: {  	s9 =	sadd.s32 s14, s10;
	[sflag:s8] =	ssyncadd.s32 $0xFFFFD800  }
0x10: {  	[hbm4b:s9+s2] =	stream.linear.scatter [tilespmem:s7], [sflag:$0x2], $0x2800, $0x38;
	[tilespmem:$0x2880] =	vst v63  }
0x11: {  	s13 =	sadd.s32 $0x50, s13;
	_ =	swait.ge [sflag:s3], $0x2800  }
0x12: {  	s29 =	sshrl.u32 s13, $0x3;
	[sflag:s3] =	ssyncset.done $0x0  }
0x13: {  	s11 =	ssub.s32 $0x2, s11;
	s10 =	sadd.s32 s12, s29;
	[sflag:s3] =	ssyncadd.s32 $0xFFFFD800  }
0x14: {  	[tilespmem:s2], [sflag:$0x2] =	stream.linear.gather [hbm4b:s10+s2], $0x50, $0x38;
	[tilespmem:$0x2880] =	vst v63  }
0x15: {  	s30 =	sshrl.u32 s11, $0x1;
	_ =	swait.ge [sflag:s3], $0x50  }
0x16: {  	s12 =	ssub.s32 s11, s30;
	[sflag:s3] =	ssyncset.done $0x0  }
0x17: {  	s12 =	smax.u32 s12, $0x1;
	[sflag:s3] =	ssyncadd.s32 $0xFFFFFFB0  }
0x18: {  	[tilespmem:s7], [sflag:$0x1] =	stream.indirect.gather [hbm4b:s5+s6], $0x80, s2, s6, $0xb8;
	[tilespmem:$0x2880] =	vst v63  }
0x19: {  	p0 =	sne.s32 s12, $0x1;
	_ =	swait.ge [sflag:s8], $0x2800  }
.Ltmp0:
0x1a: {  	s31 =	sshll.u32 s13, $0x4;
	[sflag:s8] =	ssyncset.done $0x0;
	(pc) =	sbr.rel @!p0 .LBB2_2-.Ltmp0, $4  }
0x1b: {  	s11 =	sadd.s32 s14, s31;
	[sflag:s8] =	ssyncadd.s32 $0xFFFFD800  }
0x1c: {  	[hbm4b:s11+s2] =	stream.linear.scatter [tilespmem:s7], [sflag:$0x2], $0x2800, $0x38;
	[tilespmem:$0x2880] =	vst v63  }
0x1d: {  	_ =	swait.ge [sflag:s3], $0x2800  }
0x1e: {  	s12 =	sadd.s32 $0xFFFFFFFF, s12;
	[sflag:s3] =	ssyncset.done $0x0  }
.LBB2_1:
0x1f: {  	p0 =	sne.s32 s12, $0x1;
	s12 =	sadd.s32 $0xFFFFFFFF, s12;
	[sflag:s3] =	ssyncadd.s32 $0xFFFFD800  }
0x20: {  	[tilespmem:s2], [sflag:$0x2] =	stream.linear.gather [hbm4b:s4+s2], $0x50, $0x38;
	[tilespmem:$0x2880] =	vst v63  }
0x21: {  	_ =	swait.ge [sflag:s3], $0x50  }
0x22: {  	[sflag:s3] =	ssyncset.done $0x0  }
0x23: {  	[sflag:s3] =	ssyncadd.s32 $0xFFFFFFB0  }
0x24: {  	[tilespmem:s7], [sflag:$0x1] =	stream.indirect.gather [hbm4b:s5+s6], $0x80, s2, s6, $0xb8;
	[tilespmem:$0x2880] =	vst v63  }
0x25: {  	_ =	swait.ge [sflag:s8], $0x2800  }
0x26: {  	[sflag:s8] =	ssyncset.done $0x0  }
0x27: {  	[sflag:s8] =	ssyncadd.s32 $0xFFFFD800  }
0x28: {  	[hbm4b:s9+s2] =	stream.linear.scatter [tilespmem:s7], [sflag:$0x2], $0x2800, $0x38;
	[tilespmem:$0x2880] =	vst v63  }
0x29: {  	_ =	swait.ge [sflag:s3], $0x2800  }
0x2a: {  	[sflag:s3] =	ssyncset.done $0x0  }
0x2b: {  	[sflag:s3] =	ssyncadd.s32 $0xFFFFD800  }
0x2c: {  	[tilespmem:s2], [sflag:$0x2] =	stream.linear.gather [hbm4b:s10+s2], $0x50, $0x38;
	[tilespmem:$0x2880] =	vst v63  }
0x2d: {  	_ =	swait.ge [sflag:s3], $0x50  }
0x2e: {  	[sflag:s3] =	ssyncset.done $0x0  }
0x2f: {  	[sflag:s3] =	ssyncadd.s32 $0xFFFFFFB0  }
0x30: {  	[tilespmem:s7], [sflag:$0x1] =	stream.indirect.gather [hbm4b:s5+s6], $0x80, s2, s6, $0xb8;
	[tilespmem:$0x2880] =	vst v63  }
0x31: {  	_ =	swait.ge [sflag:s8], $0x2800  }
.Ltmp1:
0x32: {  	[sflag:s8] =	ssyncset.done $0x0;
	(pc) =	sbr.rel @p0 .LBB2_1-.Ltmp1, $4  }
0x33: {  	[sflag:s8] =	ssyncadd.s32 $0xFFFFD800  }
0x34: {  	[hbm4b:s11+s2] =	stream.linear.scatter [tilespmem:s7], [sflag:$0x2], $0x2800, $0x38;
	[tilespmem:$0x2880] =	vst v63  }
0x35: {  	_ =	swait.ge [sflag:s3], $0x2800  }
0x36: {  	[sflag:s3] =	ssyncset.done $0x0  }
.LBB2_2:
0x37: {  	[sflag:s3] =	ssyncadd.s32 $0xFFFFD800  }
0x38: {  	_ =	sfence.sel $0x180000  }
0x39: {  	[bflag:$0x0] =	sbarrier.arrive $0xFFFF  }
0x3a: {  	p0 =	sne.s32 s0, $0x0;
	_ =	strace $0x90000053  }
0x3b: {  	s0 =	sadd.s32 @!p0 $0x100000, s1;
	[bflag:$0x2] =	sbarrier.arrive $0xFFFF  }
0x3c: {  	[sflag:s0] =	ssyncadd.tile.s32 @!p0 $0x1;
	_ =	shalt  }
.Lfunc_end2:
_tile_overlayer_lowered:
.L_overlay_start_2:
0x3d: {  	(tag) =	ssettag $0x2  }
0x3e: {  	s0 =	rddreg [dreg:$0x0];
	s2 =	stileid.u32  }
0x3f: {  	s1 =	rddreg [dreg:$0x1];
	p0 =	sne.s32 s2, $0x0  }
0x40: {  	s3 =	rddreg [dreg:$0x2];
	[bflag:$0x3] =	sbarrier.arrive $0xFFFF;
	s2 =	simm.s32 @!p0 $0x1C02  }
0x41: {  	[timem:s3], [sflag:s2] =	dma.local @!p0 [hbm:s0], s1  }
0x42: {  	s0 =	simm.s32 @!p0 $0x2  }
0x43: {  	_ =	swait.ge @!p0 [sflag:s0], s1  }
0x44: {  	s1 =	ssub.s32 @!p0 $0x0, s1;
	[sflag:s0] =	ssyncset.done @!p0 $0x0  }
0x45: {  	[sflag:s0] =	ssyncadd.s32 @!p0 s1  }
0x46: {  	[bflag:$0x3] =	sbarrier.arrive $0xFFFF  }
0x47: {  	_ =	shalt  }

</sc_bundles>
